<compile_context>
chip_gen: v7x
topology: tpu7x:2x2x1
jax: 0.10.2.dev20260603
libtpu: 0.0.44.dev20260713+nightly
codegen_flags: <defaults>
</compile_context>

<pallas_src>
import functools

import jax
import jax.numpy as jnp
from jax import lax
from jax.experimental import pallas as pl
from jax.experimental.pallas import tpu as pltpu
from jax.experimental.pallas import tpu_sc as plsc

N = 10000
E = 320000
C = 128
G = 64
NP = 10240
NC = 2
NS = 16
NW = NC * NS
PERW = 10240
KCH = 128
NCHUNK = PERW // KCH
TOTCH = NW * NCHUNK
CKP = 2 * NCHUNK
PH = 40
CK0 = 80
R = 512
GRID = NP // R

_f32 = jnp.float32
_mesh = plsc.VectorSubcoreMesh(core_axis_name="c", subcore_axis_name="s")



@functools.partial(
    pl.kernel,
    out_type=jax.ShapeDtypeStruct((NC, NP), _f32),
    mesh=_mesh,
    scratch_types=[
        pltpu.VMEM((NCHUNK, KCH), jnp.int32),
        pltpu.VMEM((KCH,), _f32),
        pltpu.VMEM_SHARED((NP,), _f32),
    ],
)
def _sc_degree(dsts_hbm, ones_hbm, zeros_hbm, out_hbm, dst_v, ones_v, deg_sh):
    cid = lax.axis_index("c")
    sid = lax.axis_index("s")
    wid = sid * NC + cid
    rpt = NP // NS
    pltpu.sync_copy(zeros_hbm.at[pl.ds(sid * rpt, rpt)],
                    deg_sh.at[pl.ds(sid * rpt, rpt)])
    pltpu.sync_copy(dsts_hbm.at[pl.ds(wid * NCHUNK, NCHUNK)], dst_v)
    pltpu.sync_copy(ones_hbm, ones_v)
    plsc.subcore_barrier()

    def body(j, carry):
        pltpu.sync_copy(ones_v, deg_sh.at[dst_v.at[j]], add=True)
        return carry

    lax.fori_loop(0, NCHUNK, body, 0)
    plsc.subcore_barrier()
    pltpu.sync_copy(deg_sh.at[pl.ds(sid * rpt, rpt)],
                    out_hbm.at[cid, pl.ds(sid * rpt, rpt)])


@functools.partial(
    pl.kernel,
    out_type=jax.ShapeDtypeStruct((NC, NP, C), _f32),
    mesh=_mesh,
    scratch_types=[
        pltpu.VMEM((PH, KCH), jnp.int32),
        pltpu.VMEM((PH, KCH), jnp.int32),
        pltpu.VMEM((KCH, C), _f32),
        pltpu.VMEM((KCH, C), _f32),
        pltpu.VMEM_SHARED((NP, C), _f32),
        pltpu.SemaphoreType.DMA,
        pltpu.SemaphoreType.DMA,
    ],
    compiler_params=pltpu.CompilerParams(use_tc_tiling_on_sc=False),
)
def _sc_scatter(hs_hbm, srcs_hbm, dsts_hbm, zeros_hbm, out_hbm,
                src_v, dst_v, rows0_v, rows1_v, acc_sh, sem0, sem1):
    cid = lax.axis_index("c")
    sid = lax.axis_index("s")
    rpt = NP // NS
    pltpu.sync_copy(zeros_hbm.at[pl.ds(sid * rpt, rpt)],
                    acc_sh.at[pl.ds(sid * rpt, rpt)])
    plsc.subcore_barrier()

    chunk0 = sid * CKP + cid * CK0
    last = PH - 1

    for p in range(CK0 // PH):
        base = chunk0 + p * PH
        pltpu.sync_copy(srcs_hbm.at[pl.ds(base, PH)], src_v)
        pltpu.sync_copy(dsts_hbm.at[pl.ds(base, PH)], dst_v)
        pltpu.async_copy(hs_hbm.at[src_v.at[0]], rows0_v, sem0)

        def body(i, c2):
            j0 = 2 * i
            j1 = 2 * i + 1
            j2 = jnp.minimum(2 * i + 2, last)
            pltpu.make_async_copy(hs_hbm.at[src_v.at[j0]], rows0_v, sem0).wait()
            pltpu.async_copy(hs_hbm.at[src_v.at[j1]], rows1_v, sem1)
            pltpu.sync_copy(rows0_v, acc_sh.at[dst_v.at[j0]], add=True)
            pltpu.make_async_copy(hs_hbm.at[src_v.at[j1]], rows1_v, sem1).wait()
            pltpu.async_copy(hs_hbm.at[src_v.at[j2]], rows0_v, sem0)
            pltpu.sync_copy(rows1_v, acc_sh.at[dst_v.at[j1]], add=True)
            return c2

        lax.fori_loop(0, PH // 2, body, 0)
        pltpu.make_async_copy(hs_hbm.at[src_v.at[last]], rows0_v, sem0).wait()
    plsc.subcore_barrier()
    pltpu.sync_copy(acc_sh.at[pl.ds(sid * rpt, rpt)],
                    out_hbm.at[cid, pl.ds(sid * rpt, rpt)])



def _dinv_body(degp_ref, o_ref):
    p = degp_ref[...]
    o_ref[...] = lax.rsqrt(1.0 + p[0] + p[1])


_dinv_call = pl.pallas_call(
    _dinv_body,
    grid=(GRID,),
    in_specs=[pl.BlockSpec((2, R, 1), lambda r: (0, r, 0))],
    out_specs=pl.BlockSpec((R, 1), lambda r: (r, 0)),
    out_shape=jax.ShapeDtypeStruct((NP, 1), _f32),
)


def _mm1_body(x_ref, w_ref, dinv_ref, o_ref):
    h = jnp.dot(x_ref[...], w_ref[...], preferred_element_type=_f32)
    o_ref[...] = h * dinv_ref[...]


_mm1_call = pl.pallas_call(
    _mm1_body,
    grid=(GRID,),
    in_specs=[
        pl.BlockSpec((R, C), lambda r: (r, 0)),
        pl.BlockSpec((C, C), lambda r: (0, 0)),
        pl.BlockSpec((R, 1), lambda r: (r, 0)),
    ],
    out_specs=pl.BlockSpec((R, C), lambda r: (r, 0)),
    out_shape=jax.ShapeDtypeStruct((NP, C), _f32),
)


def _epi_mm_body(acc_ref, hs_ref, dinv_ref, b_ref, w_ref, h_ref, hsn_ref):
    a = acc_ref[...]
    h = jax.nn.relu(dinv_ref[...] * (a[0] + a[1] + hs_ref[...]) + b_ref[...])
    h_ref[...] = h
    hsn_ref[...] = jnp.dot(h, w_ref[...], preferred_element_type=_f32) * dinv_ref[...]


_epi_mm_call = pl.pallas_call(
    _epi_mm_body,
    grid=(GRID,),
    in_specs=[
        pl.BlockSpec((2, R, C), lambda r: (0, r, 0)),
        pl.BlockSpec((R, C), lambda r: (r, 0)),
        pl.BlockSpec((R, 1), lambda r: (r, 0)),
        pl.BlockSpec((1, C), lambda r: (0, 0)),
        pl.BlockSpec((C, C), lambda r: (0, 0)),
    ],
    out_specs=(
        pl.BlockSpec((R, C), lambda r: (r, 0)),
        pl.BlockSpec((R, C), lambda r: (r, 0)),
    ),
    out_shape=(
        jax.ShapeDtypeStruct((NP, C), _f32),
        jax.ShapeDtypeStruct((NP, C), _f32),
    ),
)


def _epi_mm2_body(acc_ref, hs_ref, dinv_ref, b_ref, h1_ref, wa_ref, wb_ref,
                  h_ref, hsn_ref):
    a = acc_ref[...]
    h2 = jax.nn.relu(dinv_ref[...] * (a[0] + a[1] + hs_ref[...]) + b_ref[...])
    h_ref[...] = h2
    hs3 = (jnp.dot(h1_ref[...], wa_ref[...], preferred_element_type=_f32)
           + jnp.dot(h2, wb_ref[...], preferred_element_type=_f32))
    hsn_ref[...] = hs3 * dinv_ref[...]


_epi_mm2_call = pl.pallas_call(
    _epi_mm2_body,
    grid=(GRID,),
    in_specs=[
        pl.BlockSpec((2, R, C), lambda r: (0, r, 0)),
        pl.BlockSpec((R, C), lambda r: (r, 0)),
        pl.BlockSpec((R, 1), lambda r: (r, 0)),
        pl.BlockSpec((1, C), lambda r: (0, 0)),
        pl.BlockSpec((R, C), lambda r: (r, 0)),
        pl.BlockSpec((C, C), lambda r: (0, 0)),
        pl.BlockSpec((C, C), lambda r: (0, 0)),
    ],
    out_specs=(
        pl.BlockSpec((R, C), lambda r: (r, 0)),
        pl.BlockSpec((R, C), lambda r: (r, 0)),
    ),
    out_shape=(
        jax.ShapeDtypeStruct((NP, C), _f32),
        jax.ShapeDtypeStruct((NP, C), _f32),
    ),
)


def _head_body(acc_ref, hs_ref, dinv_ref, b_ref, h1_ref, h2_ref,
               wea_ref, wec_ref, wed_ref, be1_ref, we2_ref, be2_ref,
               batch_ref, ssum_ref, cnt_ref):
    r = pl.program_id(0)
    a = acc_ref[...]
    h3 = jax.nn.relu(dinv_ref[...] * (a[0] + a[1] + hs_ref[...]) + b_ref[...])
    z1 = jax.nn.relu(
        jnp.dot(h1_ref[...], wea_ref[...], preferred_element_type=_f32)
        + jnp.dot(h2_ref[...], wec_ref[...], preferred_element_type=_f32)
        + jnp.dot(h3, wed_ref[...], preferred_element_type=_f32)
        + be1_ref[...])
    z2 = jax.nn.relu(jnp.dot(z1, we2_ref[...], preferred_element_type=_f32)
                     + be2_ref[...])
    ids = lax.broadcasted_iota(jnp.int32, (R, C), 1)
    ob = (batch_ref[...] == ids).astype(_f32)
    dn = (((0,), (0,)), ((), ()))
    ssum_blk = lax.dot_general(ob, z2, dn, preferred_element_type=_f32)
    cnt_blk = lax.dot_general(ob, jnp.ones((R, C), _f32), dn,
                              preferred_element_type=_f32)

    @pl.when(r == 0)
    def _():
        ssum_ref[...] = jnp.zeros_like(ssum_ref)
        cnt_ref[...] = jnp.zeros_like(cnt_ref)

    ssum_ref[...] += ssum_blk
    cnt_ref[...] += cnt_blk


_head_call = pl.pallas_call(
    _head_body,
    grid=(GRID,),
    in_specs=[
        pl.BlockSpec((2, R, C), lambda r: (0, r, 0)),
        pl.BlockSpec((R, C), lambda r: (r, 0)),
        pl.BlockSpec((R, 1), lambda r: (r, 0)),
        pl.BlockSpec((1, C), lambda r: (0, 0)),
        pl.BlockSpec((R, C), lambda r: (r, 0)),
        pl.BlockSpec((R, C), lambda r: (r, 0)),
        pl.BlockSpec((C, 256), lambda r: (0, 0)),
        pl.BlockSpec((C, 256), lambda r: (0, 0)),
        pl.BlockSpec((C, 256), lambda r: (0, 0)),
        pl.BlockSpec((1, 256), lambda r: (0, 0)),
        pl.BlockSpec((256, C), lambda r: (0, 0)),
        pl.BlockSpec((1, C), lambda r: (0, 0)),
        pl.BlockSpec((R, 1), lambda r: (r, 0)),
    ],
    out_specs=(
        pl.BlockSpec((C, C), lambda r: (0, 0)),
        pl.BlockSpec((C, C), lambda r: (0, 0)),
    ),
    out_shape=(
        jax.ShapeDtypeStruct((C, C), _f32),
        jax.ShapeDtypeStruct((C, C), _f32),
    ),
)


def _decoder_body(ssum_ref, cnt_ref, w1_ref, b1_ref, w2_ref, b2_ref, o_ref):
    gf = ssum_ref[...] / jnp.maximum(cnt_ref[...], 1.0)
    d = jax.nn.relu(jnp.dot(gf, w1_ref[...], preferred_element_type=_f32)
                    + b1_ref[...])
    o_ref[...] = jnp.dot(d, w2_ref[...], preferred_element_type=_f32) + b2_ref[...]


_decoder_call = pl.pallas_call(
    _decoder_body,
    grid=(1,),
    in_specs=[pl.BlockSpec((C, C), lambda r: (0, 0))] * 2
    + [
        pl.BlockSpec((C, C), lambda r: (0, 0)),
        pl.BlockSpec((1, C), lambda r: (0, 0)),
        pl.BlockSpec((C, C), lambda r: (0, 0)),
        pl.BlockSpec((1, C), lambda r: (0, 0)),
    ],
    out_specs=pl.BlockSpec((C, C), lambda r: (0, 0)),
    out_shape=jax.ShapeDtypeStruct((C, C), _f32),
)



def kernel(x, edge_index, batch, Wc1, bc1, Wc2, bc2, Wc3, bc3,
           We1, be1, We2, be2, Wd1, bd1, Wd2, bd2):
    padn = NP - N
    pade = NW * PERW - E

    xp = jnp.concatenate([x, jnp.zeros((padn, C), _f32)], axis=0)
    src_p = jnp.concatenate(
        [edge_index[0], jnp.zeros((pade,), jnp.int32)])
    dst_p = jnp.concatenate(
        [edge_index[1], N + (jnp.arange(pade, dtype=jnp.int32) % padn)])
    srcs = src_p.reshape(TOTCH, KCH)
    dsts = dst_p.reshape(TOTCH, KCH)
    batchb = jnp.concatenate(
        [batch, jnp.full((padn,), C - 1, batch.dtype)]).reshape(NP, 1)

    zrows = jnp.zeros((NP, C), _f32)
    zdeg = jnp.zeros((NP,), _f32)
    ones_k = jnp.ones((KCH,), _f32)

    Wc3a, Wc3b = Wc3[:C], Wc3[C:]
    We1a = We1[:C] + We1[C:2 * C]
    We1c = We1[2 * C:3 * C]
    We1d = We1[3 * C:]
    Wd1p = jnp.zeros((C, C), _f32).at[:, :64].set(Wd1)
    Wd2p = jnp.zeros((C, C), _f32).at[:64, :10].set(Wd2)
    bc1r, bc2r, bc3r = bc1[None], bc2[None], bc3[None]
    be1r, be2r = be1[None], be2[None]
    bd1p = jnp.zeros((1, C), _f32).at[0, :64].set(bd1)
    bd2p = jnp.zeros((1, C), _f32).at[0, :10].set(bd2)

    degp = _sc_degree(dsts, ones_k, zdeg)
    dinv = _dinv_call(degp.reshape(NC, NP, 1))

    hs1 = _mm1_call(xp, Wc1, dinv)
    acc1 = _sc_scatter(hs1, srcs, dsts, zrows)
    h1, hs2 = _epi_mm_call(acc1, hs1, dinv, bc1r, Wc2)
    acc2 = _sc_scatter(hs2, srcs, dsts, zrows)
    h2, hs3 = _epi_mm2_call(acc2, hs2, dinv, bc2r, h1, Wc3a, Wc3b)
    acc3 = _sc_scatter(hs3, srcs, dsts, zrows)
    ssum, cnt = _head_call(acc3, hs3, dinv, bc3r, h1, h2,
                           We1a, We1c, We1d, be1r, We2, be2r, batchb)
    out = _decoder_call(ssum, cnt, Wd1p, bd1p, Wd2p, bd2p)
    return out[:G, :10]

# --- scband reference (transcript-rebuilt; emitter-appended) ---
"""Pipeline reference for scband-dense-gnn-50629074485392 (READ-ONLY COPY).

The authoritative reference and input builder live on the scoring server;
editing this copy changes nothing except your own understanding.
"""

import jax, jax.numpy as jnp
import numpy as np

N = 10000
E = 320000
D = 128
C = 128
G = 64


def setup_inputs(seed: int = 0) -> dict:
    key = jax.random.key(seed)
    ks = jax.random.split(key, 20)
    x = jax.random.normal(ks[0], (N, D), dtype=jnp.float32)
    edge_index = jax.random.randint(ks[1], (2, E), 0, N, dtype=jnp.int32)
    batch = jnp.sort(jax.random.randint(ks[2], (N,), 0, G, dtype=jnp.int32))
    def lin(k, i, o):
        return jax.random.normal(k, (i, o), dtype=jnp.float32) * (1.0 / np.sqrt(i))
    # DenseGNN conv stack (dense concat): conv1: D->C, conv2: C->C, conv3: 2C->C
    Wc1 = lin(ks[3], D, C);   bc1 = jnp.zeros((C,), jnp.float32)
    Wc2 = lin(ks[4], C, C);   bc2 = jnp.zeros((C,), jnp.float32)
    Wc3 = lin(ks[5], 2 * C, C); bc3 = jnp.zeros((C,), jnp.float32)
    # encoder MLP: [4C=512 -> 256 -> 128], ReLU after each
    We1 = lin(ks[6], 4 * C, 256); be1 = jnp.zeros((256,), jnp.float32)
    We2 = lin(ks[7], 256, 128);   be2 = jnp.zeros((128,), jnp.float32)
    # decoder: [128 -> 64 -> 10]
    Wd1 = lin(ks[8], 128, 64); bd1 = jnp.zeros((64,), jnp.float32)
    Wd2 = lin(ks[9], 64, 10);  bd2 = jnp.zeros((10,), jnp.float32)
    return {"x": x, "edge_index": edge_index, "batch": batch,
            "Wc1": Wc1, "bc1": bc1, "Wc2": Wc2, "bc2": bc2, "Wc3": Wc3, "bc3": bc3,
            "We1": We1, "be1": be1, "We2": We2, "be2": be2,
            "Wd1": Wd1, "bd1": bd1, "Wd2": Wd2, "bd2": bd2}


def _gcn_conv(x, edge_index, W, b):
    # GCNConv: add self-loops, symmetric normalization, linear transform, scatter-add
    n = x.shape[0]
    loop = jnp.arange(n, dtype=edge_index.dtype)
    src = jnp.concatenate([edge_index[0], loop])
    dst = jnp.concatenate([edge_index[1], loop])
    deg = jnp.zeros((n,), x.dtype).at[dst].add(1.0)
    dinv = jax.lax.rsqrt(jnp.maximum(deg, 1.0))
    norm = dinv[src] * dinv[dst]
    h = x @ W
    out = jnp.zeros((n, W.shape[1]), x.dtype).at[dst].add(h[src] * norm[:, None])
    return out + b


def reference(x, edge_index, batch, Wc1, bc1, Wc2, bc2, Wc3, bc3,
              We1, be1, We2, be2, Wd1, bd1, Wd2, bd2):
    previous_outputs = []
    # layer 1
    h = jax.nn.relu(_gcn_conv(x, edge_index, Wc1, bc1))
    h = jnp.concatenate(previous_outputs + [h], axis=1)
    previous_outputs.append(h)
    # layer 2
    h2 = jax.nn.relu(_gcn_conv(h, edge_index, Wc2, bc2))
    h = jnp.concatenate(previous_outputs + [h2], axis=1)
    previous_outputs.append(h)
    # layer 3
    h3 = jax.nn.relu(_gcn_conv(h, edge_index, Wc3, bc3))
    h = jnp.concatenate(previous_outputs + [h3], axis=1)  # [N, 4C]
    # encoder MLP with ReLU output activation
    enc = jax.nn.relu(h @ We1 + be1)
    enc = jax.nn.relu(enc @ We2 + be2)
    # scatter_mean over graph ids
    ssum = jax.ops.segment_sum(enc, batch, num_segments=G)
    cnt = jax.ops.segment_sum(jnp.ones((enc.shape[0], 1), enc.dtype), batch, num_segments=G)
    gf = ssum / jnp.maximum(cnt, 1.0)
    # final projection
    d = jax.nn.relu(gf @ Wd1 + bd1)
    out = d @ Wd2 + bd2  # [G, 10]
    return out

if __name__ == "__main__":
    import jax
    _d = setup_inputs()
    print(jax.jit(kernel)(*tuple(_d.values())))

</pallas_src>

<mosaic_0001>
#map = affine_map<(d0, d1) -> (0, 0)>
#map1 = affine_map<(d0, d1) -> (0, 0, 0)>
module attributes {stable_mosaic.version = 14 : i64} {
  func.func @_sc_scatter(%arg0: i32, %arg1: i32, %arg2: memref<10240x128xf32, #tpu.memory_space<hbm>>, %arg3: memref<2560x128xi32, #tpu.memory_space<hbm>>, %arg4: memref<2560x128xi32, #tpu.memory_space<hbm>>, %arg5: memref<10240x128xf32, #tpu.memory_space<hbm>>, %arg6: memref<2x10240x128xf32, #tpu.memory_space<hbm>>, %arg7: memref<40x128xi32, #tpu.memory_space<vmem>>, %arg8: memref<40x128xi32, #tpu.memory_space<vmem>>, %arg9: memref<128x128xf32, #tpu.memory_space<vmem>>, %arg10: memref<128x128xf32, #tpu.memory_space<vmem>>, %arg11: memref<10240x128xf32, #tpu.memory_space<vmem_shared>>, %arg12: memref<!tpu.dma_semaphore, #tpu.memory_space<semaphore_mem>>, %arg13: memref<!tpu.dma_semaphore, #tpu.memory_space<semaphore_mem>>) attributes {dimension_semantics = [#tpu.dimension_semantics<core_parallel>, #tpu.dimension_semantics<subcore_parallel>], iteration_bounds = array<i64: 2, 16>, scalar_prefetch = 0 : i64, scratch_operands = 7 : i64, tpu.core_type = #tpu.core_type<sc_vector_subcore>, window_params = [{transform_indices = #map}, {transform_indices = #map}, {transform_indices = #map}, {transform_indices = #map}, {transform_indices = #map1}]} {
    %mul3A = arith.constant 640 : i32
    %mul3A_0 = arith.muli %arg1, %mul3A : i32
    %mul3A_1 = arith.constant 640 : i32
    %mul3A_2 = arith.muli %arg1, %mul3A_1 : i32
    "tpu.region"() ({
      %run_scoped3A = tpu.sem_alloc : memref<!tpu.dma_semaphore, #tpu.memory_space<semaphore_mem>>
      %dma_start3A_53 = arith.constant 0 : i32
      %dma_start3A_54 = tpu.memref_slice %arg11[%mul3A_2, %dma_start3A_53] : memref<10240x128xf32, #tpu.memory_space<vmem_shared>> -> memref<640x128xf32, #tpu.memory_space<vmem_shared>>
      %dma_start3A_55 = arith.constant 0 : i32
      %dma_start3A_56 = tpu.memref_slice %arg5[%mul3A_0, %dma_start3A_55] : memref<10240x128xf32, #tpu.memory_space<hbm>> -> memref<640x128xf32, #tpu.memory_space<hbm>>
      tpu.enqueue_dma source(%dma_start3A_56 : memref<640x128xf32, #tpu.memory_space<hbm>>) target(%dma_start3A_54 : memref<640x128xf32, #tpu.memory_space<vmem_shared>>) target_semaphore(%run_scoped3A : memref<!tpu.dma_semaphore, #tpu.memory_space<semaphore_mem>>)
      %dma_wait3A_57 = arith.constant 0 : i32
      %dma_wait3A_58 = tpu.memref_slice %arg11[%mul3A_2, %dma_wait3A_57] : memref<10240x128xf32, #tpu.memory_space<vmem_shared>> -> memref<640x128xf32, #tpu.memory_space<vmem_shared>>
      %dma_wait3A_59 = arith.constant 0 : i32
      %dma_wait3A_60 = tpu.memref_slice %arg5[%mul3A_0, %dma_wait3A_59] : memref<10240x128xf32, #tpu.memory_space<hbm>> -> memref<640x128xf32, #tpu.memory_space<hbm>>
      tpu.wait_dma2 semaphore(%run_scoped3A : memref<!tpu.dma_semaphore, #tpu.memory_space<semaphore_mem>>) src(%dma_wait3A_60 : memref<640x128xf32, #tpu.memory_space<hbm>>) dst(%dma_wait3A_58 : memref<640x128xf32, #tpu.memory_space<vmem_shared>>)
      tpu.yield
    }) : () -> ()
    %barrier3A = arith.constant 0 : index
    tpu.barrier barrier_id(%barrier3A)
    %mul3A_3 = arith.constant 160 : i32
    %mul3A_4 = arith.muli %arg1, %mul3A_3 : i32
    %mul3A_5 = arith.constant 80 : i32
    %mul3A_6 = arith.muli %arg0, %mul3A_5 : i32
    %add3A = arith.addi %mul3A_4, %mul3A_6 : i32
    %add3A_7 = arith.constant 0 : i32
    %add3A_8 = arith.addi %add3A, %add3A_7 : i32
    "tpu.region"() ({
      %run_scoped3A = tpu.sem_alloc : memref<!tpu.dma_semaphore, #tpu.memory_space<semaphore_mem>>
      %dma_start3A_53 = arith.constant 0 : i32
      %dma_start3A_54 = tpu.memref_slice %arg3[%add3A_8, %dma_start3A_53] : memref<2560x128xi32, #tpu.memory_space<hbm>> -> memref<40x128xi32, #tpu.memory_space<hbm>>
      %dma_start3A_55 = arith.constant 0 : i32
      %dma_start3A_56 = tpu.memref_slice %arg3[%add3A_8, %dma_start3A_55] : memref<2560x128xi32, #tpu.memory_space<hbm>> -> memref<40x128xi32, #tpu.memory_space<hbm>>
      tpu.enqueue_dma source(%dma_start3A_56 : memref<40x128xi32, #tpu.memory_space<hbm>>) target(%arg7 : memref<40x128xi32, #tpu.memory_space<vmem>>) target_semaphore(%run_scoped3A : memref<!tpu.dma_semaphore, #tpu.memory_space<semaphore_mem>>)
      %dma_wait3A_57 = arith.constant 0 : i32
      %dma_wait3A_58 = tpu.memref_slice %arg3[%add3A_8, %dma_wait3A_57] : memref<2560x128xi32, #tpu.memory_space<hbm>> -> memref<40x128xi32, #tpu.memory_space<hbm>>
      %dma_wait3A_59 = arith.constant 0 : i32
      %dma_wait3A_60 = tpu.memref_slice %arg3[%add3A_8, %dma_wait3A_59] : memref<2560x128xi32, #tpu.memory_space<hbm>> -> memref<40x128xi32, #tpu.memory_space<hbm>>
      tpu.wait_dma2 semaphore(%run_scoped3A : memref<!tpu.dma_semaphore, #tpu.memory_space<semaphore_mem>>) src(%dma_wait3A_60 : memref<40x128xi32, #tpu.memory_space<hbm>>) dst(%arg7 : memref<40x128xi32, #tpu.memory_space<vmem>>)
      tpu.yield
    }) : () -> ()
    "tpu.region"() ({
      %run_scoped3A = tpu.sem_alloc : memref<!tpu.dma_semaphore, #tpu.memory_space<semaphore_mem>>
      %dma_start3A_53 = arith.constant 0 : i32
      %dma_start3A_54 = tpu.memref_slice %arg4[%add3A_8, %dma_start3A_53] : memref<2560x128xi32, #tpu.memory_space<hbm>> -> memref<40x128xi32, #tpu.memory_space<hbm>>
      %dma_start3A_55 = arith.constant 0 : i32
      %dma_start3A_56 = tpu.memref_slice %arg4[%add3A_8, %dma_start3A_55] : memref<2560x128xi32, #tpu.memory_space<hbm>> -> memref<40x128xi32, #tpu.memory_space<hbm>>
      tpu.enqueue_dma source(%dma_start3A_56 : memref<40x128xi32, #tpu.memory_space<hbm>>) target(%arg8 : memref<40x128xi32, #tpu.memory_space<vmem>>) target_semaphore(%run_scoped3A : memref<!tpu.dma_semaphore, #tpu.memory_space<semaphore_mem>>)
      %dma_wait3A_57 = arith.constant 0 : i32
      %dma_wait3A_58 = tpu.memref_slice %arg4[%add3A_8, %dma_wait3A_57] : memref<2560x128xi32, #tpu.memory_space<hbm>> -> memref<40x128xi32, #tpu.memory_space<hbm>>
      %dma_wait3A_59 = arith.constant 0 : i32
      %dma_wait3A_60 = tpu.memref_slice %arg4[%add3A_8, %dma_wait3A_59] : memref<2560x128xi32, #tpu.memory_space<hbm>> -> memref<40x128xi32, #tpu.memory_space<hbm>>
      tpu.wait_dma2 semaphore(%run_scoped3A : memref<!tpu.dma_semaphore, #tpu.memory_space<semaphore_mem>>) src(%dma_wait3A_60 : memref<40x128xi32, #tpu.memory_space<hbm>>) dst(%arg8 : memref<40x128xi32, #tpu.memory_space<vmem>>)
      tpu.yield
    }) : () -> ()
    %dma_start3A = arith.constant 0 : i32
    %dma_start3A_9 = arith.constant 0 : i32
    %dma_start3A_10 = tpu.memref_slice %arg7[%dma_start3A, %dma_start3A_9] : memref<40x128xi32, #tpu.memory_space<vmem>> -> memref<1x128xi32, #tpu.memory_space<vmem>>
    %dma_start3A_11 = tpu.memref_squeeze %dma_start3A_10 : memref<1x128xi32, #tpu.memory_space<vmem>> -> memref<128xi32, #tpu.memory_space<vmem>>
    %dma_start3A_12 = arith.constant 0 : i32
    %dma_start3A_13 = arith.constant 0 : i32
    %dma_start3A_14 = tpu.memref_slice %arg2[%dma_start3A_12, %dma_start3A_13] : memref<10240x128xf32, #tpu.memory_space<hbm>> -> memref<10240x128xf32, #tpu.memory_space<hbm>>
    tpu.enqueue_indirect_dma source(%dma_start3A_14 : memref<10240x128xf32, #tpu.memory_space<hbm>>) target(%arg9 : memref<128x128xf32, #tpu.memory_space<vmem>>) offsets(%dma_start3A_11 : memref<128xi32, #tpu.memory_space<vmem>>) semaphore(%arg12 : memref<!tpu.dma_semaphore, #tpu.memory_space<semaphore_mem>>)
    %scan3A = arith.constant 0 : i32
    %scan3A_15 = arith.constant 0 : i32
    %scan3A_16 = arith.constant 20 : i32
    %scan3A_17 = arith.addi %scan3A_15, %scan3A_16 : i32
    %scan3A_18 = arith.constant 1 : i32
    scf.for %scan3A_53 = %scan3A_15 to %scan3A_17 step %scan3A_18  : i32 {
      %mul3A_54 = arith.constant 2 : i32
      %mul3A_55 = arith.muli %mul3A_54, %scan3A_53 : i32
      %mul3A_56 = arith.constant 2 : i32
      %mul3A_57 = arith.muli %mul3A_56, %scan3A_53 : i32
      %add3A_58 = arith.constant 1 : i32
      %add3A_59 = arith.addi %mul3A_57, %add3A_58 : i32
      %mul3A_60 = arith.constant 2 : i32
      %mul3A_61 = arith.muli %mul3A_60, %scan3A_53 : i32
      %add3A_62 = arith.constant 2 : i32
      %add3A_63 = arith.addi %mul3A_61, %add3A_62 : i32
      %min3A = arith.constant 39 : i32
      %min3A_64 = arith.minsi %add3A_63, %min3A : i32
      %dma_wait3A_65 = arith.constant 0 : i32
      %dma_wait3A_66 = tpu.memref_slice %arg7[%mul3A_55, %dma_wait3A_65] : memref<40x128xi32, #tpu.memory_space<vmem>> -> memref<1x128xi32, #tpu.memory_space<vmem>>
      %dma_wait3A_67 = tpu.memref_squeeze %dma_wait3A_66 : memref<1x128xi32, #tpu.memory_space<vmem>> -> memref<128xi32, #tpu.memory_space<vmem>>
      %dma_wait3A_68 = arith.constant 0 : i32
      %dma_wait3A_69 = arith.constant 0 : i32
      %dma_wait3A_70 = tpu.memref_slice %arg2[%dma_wait3A_68, %dma_wait3A_69] : memref<10240x128xf32, #tpu.memory_space<hbm>> -> memref<10240x128xf32, #tpu.memory_space<hbm>>
      tpu.wait_indirect_dma semaphore(%arg12 : memref<!tpu.dma_semaphore, #tpu.memory_space<semaphore_mem>>) src(%dma_wait3A_70 : memref<10240x128xf32, #tpu.memory_space<hbm>>) dst(%arg9 : memref<128x128xf32, #tpu.memory_space<vmem>>)
      %dma_start3A_71 = arith.constant 0 : i32
      %dma_start3A_72 = tpu.memref_slice %arg7[%add3A_59, %dma_start3A_71] : memref<40x128xi32, #tpu.memory_space<vmem>> -> memref<1x128xi32, #tpu.memory_space<vmem>>
      %dma_start3A_73 = tpu.memref_squeeze %dma_start3A_72 : memref<1x128xi32, #tpu.memory_space<vmem>> -> memref<128xi32, #tpu.memory_space<vmem>>
      %dma_start3A_74 = arith.constant 0 : i32
      %dma_start3A_75 = arith.constant 0 : i32
      %dma_start3A_76 = tpu.memref_slice %arg2[%dma_start3A_74, %dma_start3A_75] : memref<10240x128xf32, #tpu.memory_space<hbm>> -> memref<10240x128xf32, #tpu.memory_space<hbm>>
      tpu.enqueue_indirect_dma source(%dma_start3A_76 : memref<10240x128xf32, #tpu.memory_space<hbm>>) target(%arg10 : memref<128x128xf32, #tpu.memory_space<vmem>>) offsets(%dma_start3A_73 : memref<128xi32, #tpu.memory_space<vmem>>) semaphore(%arg13 : memref<!tpu.dma_semaphore, #tpu.memory_space<semaphore_mem>>)
      "tpu.region"() ({
        %run_scoped3A = tpu.sem_alloc : memref<!tpu.dma_semaphore, #tpu.memory_space<semaphore_mem>>
        %dma_start3A_89 = arith.constant 0 : i32
        %dma_start3A_90 = tpu.memref_slice %arg8[%mul3A_55, %dma_start3A_89] : memref<40x128xi32, #tpu.memory_space<vmem>> -> memref<1x128xi32, #tpu.memory_space<vmem>>
        %dma_start3A_91 = tpu.memref_squeeze %dma_start3A_90 : memref<1x128xi32, #tpu.memory_space<vmem>> -> memref<128xi32, #tpu.memory_space<vmem>>
        %dma_start3A_92 = arith.constant 0 : i32
        %dma_start3A_93 = arith.constant 0 : i32
        %dma_start3A_94 = tpu.memref_slice %arg11[%dma_start3A_92, %dma_start3A_93] : memref<10240x128xf32, #tpu.memory_space<vmem_shared>> -> memref<10240x128xf32, #tpu.memory_space<vmem_shared>>
        tpu.enqueue_indirect_dma source(%arg9 : memref<128x128xf32, #tpu.memory_space<vmem>>) target(%dma_start3A_94 : memref<10240x128xf32, #tpu.memory_space<vmem_shared>>) offsets(%dma_start3A_91 : memref<128xi32, #tpu.memory_space<vmem>>) semaphore(%run_scoped3A : memref<!tpu.dma_semaphore, #tpu.memory_space<semaphore_mem>>) {add = true}
        %dma_wait3A_95 = arith.constant 0 : i32
        %dma_wait3A_96 = tpu.memref_slice %arg8[%mul3A_55, %dma_wait3A_95] : memref<40x128xi32, #tpu.memory_space<vmem>> -> memref<1x128xi32, #tpu.memory_space<vmem>>
        %dma_wait3A_97 = tpu.memref_squeeze %dma_wait3A_96 : memref<1x128xi32, #tpu.memory_space<vmem>> -> memref<128xi32, #tpu.memory_space<vmem>>
        %dma_wait3A_98 = arith.constant 0 : i32
        %dma_wait3A_99 = arith.constant 0 : i32
        %dma_wait3A_100 = tpu.memref_slice %arg11[%dma_wait3A_98, %dma_wait3A_99] : memref<10240x128xf32, #tpu.memory_space<vmem_shared>> -> memref<10240x128xf32, #tpu.memory_space<vmem_shared>>
        tpu.wait_indirect_dma semaphore(%run_scoped3A : memref<!tpu.dma_semaphore, #tpu.memory_space<semaphore_mem>>) src(%arg9 : memref<128x128xf32, #tpu.memory_space<vmem>>) dst(%dma_wait3A_100 : memref<10240x128xf32, #tpu.memory_space<vmem_shared>>)
        tpu.yield
      }) : () -> ()
      %dma_wait3A_77 = arith.constant 0 : i32
      %dma_wait3A_78 = tpu.memref_slice %arg7[%add3A_59, %dma_wait3A_77] : memref<40x128xi32, #tpu.memory_space<vmem>> -> memref<1x128xi32, #tpu.memory_space<vmem>>
      %dma_wait3A_79 = tpu.memref_squeeze %dma_wait3A_78 : memref<1x128xi32, #tpu.memory_space<vmem>> -> memref<128xi32, #tpu.memory_space<vmem>>
      %dma_wait3A_80 = arith.constant 0 : i32
      %dma_wait3A_81 = arith.constant 0 : i32
      %dma_wait3A_82 = tpu.memref_slice %arg2[%dma_wait3A_80, %dma_wait3A_81] : memref<10240x128xf32, #tpu.memory_space<hbm>> -> memref<10240x128xf32, #tpu.memory_space<hbm>>
      tpu.wait_indirect_dma semaphore(%arg13 : memref<!tpu.dma_semaphore, #tpu.memory_space<semaphore_mem>>) src(%dma_wait3A_82 : memref<10240x128xf32, #tpu.memory_space<hbm>>) dst(%arg10 : memref<128x128xf32, #tpu.memory_space<vmem>>)
      %dma_start3A_83 = arith.constant 0 : i32
      %dma_start3A_84 = tpu.memref_slice %arg7[%min3A_64, %dma_start3A_83] : memref<40x128xi32, #tpu.memory_space<vmem>> -> memref<1x128xi32, #tpu.memory_space<vmem>>
      %dma_start3A_85 = tpu.memref_squeeze %dma_start3A_84 : memref<1x128xi32, #tpu.memory_space<vmem>> -> memref<128xi32, #tpu.memory_space<vmem>>
      %dma_start3A_86 = arith.constant 0 : i32
      %dma_start3A_87 = arith.constant 0 : i32
      %dma_start3A_88 = tpu.memref_slice %arg2[%dma_start3A_86, %dma_start3A_87] : memref<10240x128xf32, #tpu.memory_space<hbm>> -> memref<10240x128xf32, #tpu.memory_space<hbm>>
      tpu.enqueue_indirect_dma source(%dma_start3A_88 : memref<10240x128xf32, #tpu.memory_space<hbm>>) target(%arg9 : memref<128x128xf32, #tpu.memory_space<vmem>>) offsets(%dma_start3A_85 : memref<128xi32, #tpu.memory_space<vmem>>) semaphore(%arg12 : memref<!tpu.dma_semaphore, #tpu.memory_space<semaphore_mem>>)
      "tpu.region"() ({
        %run_scoped3A = tpu.sem_alloc : memref<!tpu.dma_semaphore, #tpu.memory_space<semaphore_mem>>
        %dma_start3A_89 = arith.constant 0 : i32
        %dma_start3A_90 = tpu.memref_slice %arg8[%add3A_59, %dma_start3A_89] : memref<40x128xi32, #tpu.memory_space<vmem>> -> memref<1x128xi32, #tpu.memory_space<vmem>>
        %dma_start3A_91 = tpu.memref_squeeze %dma_start3A_90 : memref<1x128xi32, #tpu.memory_space<vmem>> -> memref<128xi32, #tpu.memory_space<vmem>>
        %dma_start3A_92 = arith.constant 0 : i32
        %dma_start3A_93 = arith.constant 0 : i32
        %dma_start3A_94 = tpu.memref_slice %arg11[%dma_start3A_92, %dma_start3A_93] : memref<10240x128xf32, #tpu.memory_space<vmem_shared>> -> memref<10240x128xf32, #tpu.memory_space<vmem_shared>>
        tpu.enqueue_indirect_dma source(%arg10 : memref<128x128xf32, #tpu.memory_space<vmem>>) target(%dma_start3A_94 : memref<10240x128xf32, #tpu.memory_space<vmem_shared>>) offsets(%dma_start3A_91 : memref<128xi32, #tpu.memory_space<vmem>>) semaphore(%run_scoped3A : memref<!tpu.dma_semaphore, #tpu.memory_space<semaphore_mem>>) {add = true}
        %dma_wait3A_95 = arith.constant 0 : i32
        %dma_wait3A_96 = tpu.memref_slice %arg8[%add3A_59, %dma_wait3A_95] : memref<40x128xi32, #tpu.memory_space<vmem>> -> memref<1x128xi32, #tpu.memory_space<vmem>>
        %dma_wait3A_97 = tpu.memref_squeeze %dma_wait3A_96 : memref<1x128xi32, #tpu.memory_space<vmem>> -> memref<128xi32, #tpu.memory_space<vmem>>
        %dma_wait3A_98 = arith.constant 0 : i32
        %dma_wait3A_99 = arith.constant 0 : i32
        %dma_wait3A_100 = tpu.memref_slice %arg11[%dma_wait3A_98, %dma_wait3A_99] : memref<10240x128xf32, #tpu.memory_space<vmem_shared>> -> memref<10240x128xf32, #tpu.memory_space<vmem_shared>>
        tpu.wait_indirect_dma semaphore(%run_scoped3A : memref<!tpu.dma_semaphore, #tpu.memory_space<semaphore_mem>>) src(%arg10 : memref<128x128xf32, #tpu.memory_space<vmem>>) dst(%dma_wait3A_100 : memref<10240x128xf32, #tpu.memory_space<vmem_shared>>)
        tpu.yield
      }) : () -> ()
    }
    %scan3A_19 = arith.constant 20 : i32
    %dma_wait3A = arith.constant 39 : i32
    %dma_wait3A_20 = arith.constant 0 : i32
    %dma_wait3A_21 = tpu.memref_slice %arg7[%dma_wait3A, %dma_wait3A_20] : memref<40x128xi32, #tpu.memory_space<vmem>> -> memref<1x128xi32, #tpu.memory_space<vmem>>
    %dma_wait3A_22 = tpu.memref_squeeze %dma_wait3A_21 : memref<1x128xi32, #tpu.memory_space<vmem>> -> memref<128xi32, #tpu.memory_space<vmem>>
    %dma_wait3A_23 = arith.constant 0 : i32
    %dma_wait3A_24 = arith.constant 0 : i32
    %dma_wait3A_25 = tpu.memref_slice %arg2[%dma_wait3A_23, %dma_wait3A_24] : memref<10240x128xf32, #tpu.memory_space<hbm>> -> memref<10240x128xf32, #tpu.memory_space<hbm>>
    tpu.wait_indirect_dma semaphore(%arg12 : memref<!tpu.dma_semaphore, #tpu.memory_space<semaphore_mem>>) src(%dma_wait3A_25 : memref<10240x128xf32, #tpu.memory_space<hbm>>) dst(%arg9 : memref<128x128xf32, #tpu.memory_space<vmem>>)
    %add3A_26 = arith.constant 40 : i32
    %add3A_27 = arith.addi %add3A, %add3A_26 : i32
    "tpu.region"() ({
      %run_scoped3A = tpu.sem_alloc : memref<!tpu.dma_semaphore, #tpu.memory_space<semaphore_mem>>
      %dma_start3A_53 = arith.constant 0 : i32
      %dma_start3A_54 = tpu.memref_slice %arg3[%add3A_27, %dma_start3A_53] : memref<2560x128xi32, #tpu.memory_space<hbm>> -> memref<40x128xi32, #tpu.memory_space<hbm>>
      %dma_start3A_55 = arith.constant 0 : i32
      %dma_start3A_56 = tpu.memref_slice %arg3[%add3A_27, %dma_start3A_55] : memref<2560x128xi32, #tpu.memory_space<hbm>> -> memref<40x128xi32, #tpu.memory_space<hbm>>
      tpu.enqueue_dma source(%dma_start3A_56 : memref<40x128xi32, #tpu.memory_space<hbm>>) target(%arg7 : memref<40x128xi32, #tpu.memory_space<vmem>>) target_semaphore(%run_scoped3A : memref<!tpu.dma_semaphore, #tpu.memory_space<semaphore_mem>>)
      %dma_wait3A_57 = arith.constant 0 : i32
      %dma_wait3A_58 = tpu.memref_slice %arg3[%add3A_27, %dma_wait3A_57] : memref<2560x128xi32, #tpu.memory_space<hbm>> -> memref<40x128xi32, #tpu.memory_space<hbm>>
      %dma_wait3A_59 = arith.constant 0 : i32
      %dma_wait3A_60 = tpu.memref_slice %arg3[%add3A_27, %dma_wait3A_59] : memref<2560x128xi32, #tpu.memory_space<hbm>> -> memref<40x128xi32, #tpu.memory_space<hbm>>
      tpu.wait_dma2 semaphore(%run_scoped3A : memref<!tpu.dma_semaphore, #tpu.memory_space<semaphore_mem>>) src(%dma_wait3A_60 : memref<40x128xi32, #tpu.memory_space<hbm>>) dst(%arg7 : memref<40x128xi32, #tpu.memory_space<vmem>>)
      tpu.yield
    }) : () -> ()
    "tpu.region"() ({
      %run_scoped3A = tpu.sem_alloc : memref<!tpu.dma_semaphore, #tpu.memory_space<semaphore_mem>>
      %dma_start3A_53 = arith.constant 0 : i32
      %dma_start3A_54 = tpu.memref_slice %arg4[%add3A_27, %dma_start3A_53] : memref<2560x128xi32, #tpu.memory_space<hbm>> -> memref<40x128xi32, #tpu.memory_space<hbm>>
      %dma_start3A_55 = arith.constant 0 : i32
      %dma_start3A_56 = tpu.memref_slice %arg4[%add3A_27, %dma_start3A_55] : memref<2560x128xi32, #tpu.memory_space<hbm>> -> memref<40x128xi32, #tpu.memory_space<hbm>>
      tpu.enqueue_dma source(%dma_start3A_56 : memref<40x128xi32, #tpu.memory_space<hbm>>) target(%arg8 : memref<40x128xi32, #tpu.memory_space<vmem>>) target_semaphore(%run_scoped3A : memref<!tpu.dma_semaphore, #tpu.memory_space<semaphore_mem>>)
      %dma_wait3A_57 = arith.constant 0 : i32
      %dma_wait3A_58 = tpu.memref_slice %arg4[%add3A_27, %dma_wait3A_57] : memref<2560x128xi32, #tpu.memory_space<hbm>> -> memref<40x128xi32, #tpu.memory_space<hbm>>
      %dma_wait3A_59 = arith.constant 0 : i32
      %dma_wait3A_60 = tpu.memref_slice %arg4[%add3A_27, %dma_wait3A_59] : memref<2560x128xi32, #tpu.memory_space<hbm>> -> memref<40x128xi32, #tpu.memory_space<hbm>>
      tpu.wait_dma2 semaphore(%run_scoped3A : memref<!tpu.dma_semaphore, #tpu.memory_space<semaphore_mem>>) src(%dma_wait3A_60 : memref<40x128xi32, #tpu.memory_space<hbm>>) dst(%arg8 : memref<40x128xi32, #tpu.memory_space<vmem>>)
      tpu.yield
    }) : () -> ()
    %dma_start3A_28 = arith.constant 0 : i32
    %dma_start3A_29 = arith.constant 0 : i32
    %dma_start3A_30 = tpu.memref_slice %arg7[%dma_start3A_28, %dma_start3A_29] : memref<40x128xi32, #tpu.memory_space<vmem>> -> memref<1x128xi32, #tpu.memory_space<vmem>>
    %dma_start3A_31 = tpu.memref_squeeze %dma_start3A_30 : memref<1x128xi32, #tpu.memory_space<vmem>> -> memref<128xi32, #tpu.memory_space<vmem>>
    %dma_start3A_32 = arith.constant 0 : i32
    %dma_start3A_33 = arith.constant 0 : i32
    %dma_start3A_34 = tpu.memref_slice %arg2[%dma_start3A_32, %dma_start3A_33] : memref<10240x128xf32, #tpu.memory_space<hbm>> -> memref<10240x128xf32, #tpu.memory_space<hbm>>
    tpu.enqueue_indirect_dma source(%dma_start3A_34 : memref<10240x128xf32, #tpu.memory_space<hbm>>) target(%arg9 : memref<128x128xf32, #tpu.memory_space<vmem>>) offsets(%dma_start3A_31 : memref<128xi32, #tpu.memory_space<vmem>>) semaphore(%arg12 : memref<!tpu.dma_semaphore, #tpu.memory_space<semaphore_mem>>)
    %scan3A_35 = arith.constant 0 : i32
    %scan3A_36 = arith.constant 0 : i32
    %scan3A_37 = arith.constant 20 : i32
    %scan3A_38 = arith.addi %scan3A_36, %scan3A_37 : i32
    %scan3A_39 = arith.constant 1 : i32
    scf.for %scan3A_53 = %scan3A_36 to %scan3A_38 step %scan3A_39  : i32 {
      %mul3A_54 = arith.constant 2 : i32
      %mul3A_55 = arith.muli %mul3A_54, %scan3A_53 : i32
      %mul3A_56 = arith.constant 2 : i32
      %mul3A_57 = arith.muli %mul3A_56, %scan3A_53 : i32
      %add3A_58 = arith.constant 1 : i32
      %add3A_59 = arith.addi %mul3A_57, %add3A_58 : i32
      %mul3A_60 = arith.constant 2 : i32
      %mul3A_61 = arith.muli %mul3A_60, %scan3A_53 : i32
      %add3A_62 = arith.constant 2 : i32
      %add3A_63 = arith.addi %mul3A_61, %add3A_62 : i32
      %min3A = arith.constant 39 : i32
      %min3A_64 = arith.minsi %add3A_63, %min3A : i32
      %dma_wait3A_65 = arith.constant 0 : i32
      %dma_wait3A_66 = tpu.memref_slice %arg7[%mul3A_55, %dma_wait3A_65] : memref<40x128xi32, #tpu.memory_space<vmem>> -> memref<1x128xi32, #tpu.memory_space<vmem>>
      %dma_wait3A_67 = tpu.memref_squeeze %dma_wait3A_66 : memref<1x128xi32, #tpu.memory_space<vmem>> -> memref<128xi32, #tpu.memory_space<vmem>>
      %dma_wait3A_68 = arith.constant 0 : i32
      %dma_wait3A_69 = arith.constant 0 : i32
      %dma_wait3A_70 = tpu.memref_slice %arg2[%dma_wait3A_68, %dma_wait3A_69] : memref<10240x128xf32, #tpu.memory_space<hbm>> -> memref<10240x128xf32, #tpu.memory_space<hbm>>
      tpu.wait_indirect_dma semaphore(%arg12 : memref<!tpu.dma_semaphore, #tpu.memory_space<semaphore_mem>>) src(%dma_wait3A_70 : memref<10240x128xf32, #tpu.memory_space<hbm>>) dst(%arg9 : memref<128x128xf32, #tpu.memory_space<vmem>>)
      %dma_start3A_71 = arith.constant 0 : i32
      %dma_start3A_72 = tpu.memref_slice %arg7[%add3A_59, %dma_start3A_71] : memref<40x128xi32, #tpu.memory_space<vmem>> -> memref<1x128xi32, #tpu.memory_space<vmem>>
      %dma_start3A_73 = tpu.memref_squeeze %dma_start3A_72 : memref<1x128xi32, #tpu.memory_space<vmem>> -> memref<128xi32, #tpu.memory_space<vmem>>
      %dma_start3A_74 = arith.constant 0 : i32
      %dma_start3A_75 = arith.constant 0 : i32
      %dma_start3A_76 = tpu.memref_slice %arg2[%dma_start3A_74, %dma_start3A_75] : memref<10240x128xf32, #tpu.memory_space<hbm>> -> memref<10240x128xf32, #tpu.memory_space<hbm>>
      tpu.enqueue_indirect_dma source(%dma_start3A_76 : memref<10240x128xf32, #tpu.memory_space<hbm>>) target(%arg10 : memref<128x128xf32, #tpu.memory_space<vmem>>) offsets(%dma_start3A_73 : memref<128xi32, #tpu.memory_space<vmem>>) semaphore(%arg13 : memref<!tpu.dma_semaphore, #tpu.memory_space<semaphore_mem>>)
      "tpu.region"() ({
        %run_scoped3A = tpu.sem_alloc : memref<!tpu.dma_semaphore, #tpu.memory_space<semaphore_mem>>
        %dma_start3A_89 = arith.constant 0 : i32
        %dma_start3A_90 = tpu.memref_slice %arg8[%mul3A_55, %dma_start3A_89] : memref<40x128xi32, #tpu.memory_space<vmem>> -> memref<1x128xi32, #tpu.memory_space<vmem>>
        %dma_start3A_91 = tpu.memref_squeeze %dma_start3A_90 : memref<1x128xi32, #tpu.memory_space<vmem>> -> memref<128xi32, #tpu.memory_space<vmem>>
        %dma_start3A_92 = arith.constant 0 : i32
        %dma_start3A_93 = arith.constant 0 : i32
        %dma_start3A_94 = tpu.memref_slice %arg11[%dma_start3A_92, %dma_start3A_93] : memref<10240x128xf32, #tpu.memory_space<vmem_shared>> -> memref<10240x128xf32, #tpu.memory_space<vmem_shared>>
        tpu.enqueue_indirect_dma source(%arg9 : memref<128x128xf32, #tpu.memory_space<vmem>>) target(%dma_start3A_94 : memref<10240x128xf32, #tpu.memory_space<vmem_shared>>) offsets(%dma_start3A_91 : memref<128xi32, #tpu.memory_space<vmem>>) semaphore(%run_scoped3A : memref<!tpu.dma_semaphore, #tpu.memory_space<semaphore_mem>>) {add = true}
        %dma_wait3A_95 = arith.constant 0 : i32
        %dma_wait3A_96 = tpu.memref_slice %arg8[%mul3A_55, %dma_wait3A_95] : memref<40x128xi32, #tpu.memory_space<vmem>> -> memref<1x128xi32, #tpu.memory_space<vmem>>
        %dma_wait3A_97 = tpu.memref_squeeze %dma_wait3A_96 : memref<1x128xi32, #tpu.memory_space<vmem>> -> memref<128xi32, #tpu.memory_space<vmem>>
        %dma_wait3A_98 = arith.constant 0 : i32
        %dma_wait3A_99 = arith.constant 0 : i32
        %dma_wait3A_100 = tpu.memref_slice %arg11[%dma_wait3A_98, %dma_wait3A_99] : memref<10240x128xf32, #tpu.memory_space<vmem_shared>> -> memref<10240x128xf32, #tpu.memory_space<vmem_shared>>
        tpu.wait_indirect_dma semaphore(%run_scoped3A : memref<!tpu.dma_semaphore, #tpu.memory_space<semaphore_mem>>) src(%arg9 : memref<128x128xf32, #tpu.memory_space<vmem>>) dst(%dma_wait3A_100 : memref<10240x128xf32, #tpu.memory_space<vmem_shared>>)
        tpu.yield
      }) : () -> ()
      %dma_wait3A_77 = arith.constant 0 : i32
      %dma_wait3A_78 = tpu.memref_slice %arg7[%add3A_59, %dma_wait3A_77] : memref<40x128xi32, #tpu.memory_space<vmem>> -> memref<1x128xi32, #tpu.memory_space<vmem>>
      %dma_wait3A_79 = tpu.memref_squeeze %dma_wait3A_78 : memref<1x128xi32, #tpu.memory_space<vmem>> -> memref<128xi32, #tpu.memory_space<vmem>>
      %dma_wait3A_80 = arith.constant 0 : i32
      %dma_wait3A_81 = arith.constant 0 : i32
      %dma_wait3A_82 = tpu.memref_slice %arg2[%dma_wait3A_80, %dma_wait3A_81] : memref<10240x128xf32, #tpu.memory_space<hbm>> -> memref<10240x128xf32, #tpu.memory_space<hbm>>
      tpu.wait_indirect_dma semaphore(%arg13 : memref<!tpu.dma_semaphore, #tpu.memory_space<semaphore_mem>>) src(%dma_wait3A_82 : memref<10240x128xf32, #tpu.memory_space<hbm>>) dst(%arg10 : memref<128x128xf32, #tpu.memory_space<vmem>>)
      %dma_start3A_83 = arith.constant 0 : i32
      %dma_start3A_84 = tpu.memref_slice %arg7[%min3A_64, %dma_start3A_83] : memref<40x128xi32, #tpu.memory_space<vmem>> -> memref<1x128xi32, #tpu.memory_space<vmem>>
      %dma_start3A_85 = tpu.memref_squeeze %dma_start3A_84 : memref<1x128xi32, #tpu.memory_space<vmem>> -> memref<128xi32, #tpu.memory_space<vmem>>
      %dma_start3A_86 = arith.constant 0 : i32
      %dma_start3A_87 = arith.constant 0 : i32
      %dma_start3A_88 = tpu.memref_slice %arg2[%dma_start3A_86, %dma_start3A_87] : memref<10240x128xf32, #tpu.memory_space<hbm>> -> memref<10240x128xf32, #tpu.memory_space<hbm>>
      tpu.enqueue_indirect_dma source(%dma_start3A_88 : memref<10240x128xf32, #tpu.memory_space<hbm>>) target(%arg9 : memref<128x128xf32, #tpu.memory_space<vmem>>) offsets(%dma_start3A_85 : memref<128xi32, #tpu.memory_space<vmem>>) semaphore(%arg12 : memref<!tpu.dma_semaphore, #tpu.memory_space<semaphore_mem>>)
      "tpu.region"() ({
        %run_scoped3A = tpu.sem_alloc : memref<!tpu.dma_semaphore, #tpu.memory_space<semaphore_mem>>
        %dma_start3A_89 = arith.constant 0 : i32
        %dma_start3A_90 = tpu.memref_slice %arg8[%add3A_59, %dma_start3A_89] : memref<40x128xi32, #tpu.memory_space<vmem>> -> memref<1x128xi32, #tpu.memory_space<vmem>>
        %dma_start3A_91 = tpu.memref_squeeze %dma_start3A_90 : memref<1x128xi32, #tpu.memory_space<vmem>> -> memref<128xi32, #tpu.memory_space<vmem>>
        %dma_start3A_92 = arith.constant 0 : i32
        %dma_start3A_93 = arith.constant 0 : i32
        %dma_start3A_94 = tpu.memref_slice %arg11[%dma_start3A_92, %dma_start3A_93] : memref<10240x128xf32, #tpu.memory_space<vmem_shared>> -> memref<10240x128xf32, #tpu.memory_space<vmem_shared>>
        tpu.enqueue_indirect_dma source(%arg10 : memref<128x128xf32, #tpu.memory_space<vmem>>) target(%dma_start3A_94 : memref<10240x128xf32, #tpu.memory_space<vmem_shared>>) offsets(%dma_start3A_91 : memref<128xi32, #tpu.memory_space<vmem>>) semaphore(%run_scoped3A : memref<!tpu.dma_semaphore, #tpu.memory_space<semaphore_mem>>) {add = true}
        %dma_wait3A_95 = arith.constant 0 : i32
        %dma_wait3A_96 = tpu.memref_slice %arg8[%add3A_59, %dma_wait3A_95] : memref<40x128xi32, #tpu.memory_space<vmem>> -> memref<1x128xi32, #tpu.memory_space<vmem>>
        %dma_wait3A_97 = tpu.memref_squeeze %dma_wait3A_96 : memref<1x128xi32, #tpu.memory_space<vmem>> -> memref<128xi32, #tpu.memory_space<vmem>>
        %dma_wait3A_98 = arith.constant 0 : i32
        %dma_wait3A_99 = arith.constant 0 : i32
        %dma_wait3A_100 = tpu.memref_slice %arg11[%dma_wait3A_98, %dma_wait3A_99] : memref<10240x128xf32, #tpu.memory_space<vmem_shared>> -> memref<10240x128xf32, #tpu.memory_space<vmem_shared>>
        tpu.wait_indirect_dma semaphore(%run_scoped3A : memref<!tpu.dma_semaphore, #tpu.memory_space<semaphore_mem>>) src(%arg10 : memref<128x128xf32, #tpu.memory_space<vmem>>) dst(%dma_wait3A_100 : memref<10240x128xf32, #tpu.memory_space<vmem_shared>>)
        tpu.yield
      }) : () -> ()
    }
    %scan3A_40 = arith.constant 20 : i32
    %dma_wait3A_41 = arith.constant 39 : i32
    %dma_wait3A_42 = arith.constant 0 : i32
    %dma_wait3A_43 = tpu.memref_slice %arg7[%dma_wait3A_41, %dma_wait3A_42] : memref<40x128xi32, #tpu.memory_space<vmem>> -> memref<1x128xi32, #tpu.memory_space<vmem>>
    %dma_wait3A_44 = tpu.memref_squeeze %dma_wait3A_43 : memref<1x128xi32, #tpu.memory_space<vmem>> -> memref<128xi32, #tpu.memory_space<vmem>>
    %dma_wait3A_45 = arith.constant 0 : i32
    %dma_wait3A_46 = arith.constant 0 : i32
    %dma_wait3A_47 = tpu.memref_slice %arg2[%dma_wait3A_45, %dma_wait3A_46] : memref<10240x128xf32, #tpu.memory_space<hbm>> -> memref<10240x128xf32, #tpu.memory_space<hbm>>
    tpu.wait_indirect_dma semaphore(%arg12 : memref<!tpu.dma_semaphore, #tpu.memory_space<semaphore_mem>>) src(%dma_wait3A_47 : memref<10240x128xf32, #tpu.memory_space<hbm>>) dst(%arg9 : memref<128x128xf32, #tpu.memory_space<vmem>>)
    %barrier3A_48 = arith.constant 0 : index
    tpu.barrier barrier_id(%barrier3A_48)
    %mul3A_49 = arith.constant 640 : i32
    %mul3A_50 = arith.muli %arg1, %mul3A_49 : i32
    %mul3A_51 = arith.constant 640 : i32
    %mul3A_52 = arith.muli %arg1, %mul3A_51 : i32
    "tpu.region"() ({
      %run_scoped3A = tpu.sem_alloc : memref<!tpu.dma_semaphore, #tpu.memory_space<semaphore_mem>>
      %dma_start3A_53 = arith.constant 0 : i32
      %dma_start3A_54 = tpu.memref_slice %arg6[%arg0, %mul3A_52, %dma_start3A_53] : memref<2x10240x128xf32, #tpu.memory_space<hbm>> -> memref<1x640x128xf32, #tpu.memory_space<hbm>>
      %dma_start3A_55 = tpu.memref_squeeze %dma_start3A_54 : memref<1x640x128xf32, #tpu.memory_space<hbm>> -> memref<640x128xf32, #tpu.memory_space<hbm>>
      %dma_start3A_56 = arith.constant 0 : i32
      %dma_start3A_57 = tpu.memref_slice %arg11[%mul3A_50, %dma_start3A_56] : memref<10240x128xf32, #tpu.memory_space<vmem_shared>> -> memref<640x128xf32, #tpu.memory_space<vmem_shared>>
      tpu.enqueue_dma source(%dma_start3A_57 : memref<640x128xf32, #tpu.memory_space<vmem_shared>>) target(%dma_start3A_55 : memref<640x128xf32, #tpu.memory_space<hbm>>) target_semaphore(%run_scoped3A : memref<!tpu.dma_semaphore, #tpu.memory_space<semaphore_mem>>)
      %dma_wait3A_58 = arith.constant 0 : i32
      %dma_wait3A_59 = tpu.memref_slice %arg6[%arg0, %mul3A_52, %dma_wait3A_58] : memref<2x10240x128xf32, #tpu.memory_space<hbm>> -> memref<1x640x128xf32, #tpu.memory_space<hbm>>
      %dma_wait3A_60 = tpu.memref_squeeze %dma_wait3A_59 : memref<1x640x128xf32, #tpu.memory_space<hbm>> -> memref<640x128xf32, #tpu.memory_space<hbm>>
      %dma_wait3A_61 = arith.constant 0 : i32
      %dma_wait3A_62 = tpu.memref_slice %arg11[%mul3A_50, %dma_wait3A_61] : memref<10240x128xf32, #tpu.memory_space<vmem_shared>> -> memref<640x128xf32, #tpu.memory_space<vmem_shared>>
      tpu.wait_dma2 semaphore(%run_scoped3A : memref<!tpu.dma_semaphore, #tpu.memory_space<semaphore_mem>>) src(%dma_wait3A_62 : memref<640x128xf32, #tpu.memory_space<vmem_shared>>) dst(%dma_wait3A_60 : memref<640x128xf32, #tpu.memory_space<hbm>>)
      tpu.yield
    }) : () -> ()
    return
  }
}

#map = affine_map<(d0, d1) -> (0, 0)>
#map1 = affine_map<(d0, d1) -> (0)>
module attributes {stable_mosaic.version = 14 : i64} {
  func.func @_sc_degree(%arg0: i32, %arg1: i32, %arg2: memref<2560x128xi32, #tpu.memory_space<hbm>>, %arg3: memref<128xf32, #tpu.memory_space<hbm>>, %arg4: memref<10240xf32, #tpu.memory_space<hbm>>, %arg5: memref<2x10240xf32, #tpu.memory_space<hbm>>, %arg6: memref<80x128xi32, #tpu.memory_space<vmem>>, %arg7: memref<128xf32, #tpu.memory_space<vmem>>, %arg8: memref<10240xf32, #tpu.memory_space<vmem_shared>>) attributes {dimension_semantics = [#tpu.dimension_semantics<core_parallel>, #tpu.dimension_semantics<subcore_parallel>], iteration_bounds = array<i64: 2, 16>, scalar_prefetch = 0 : i64, scratch_operands = 3 : i64, tpu.core_type = #tpu.core_type<sc_vector_subcore>, window_params = [{transform_indices = #map}, {transform_indices = #map1}, {transform_indices = #map1}, {transform_indices = #map}]} {
    %mul3A = arith.constant 2 : i32
    %mul3A_0 = arith.muli %arg1, %mul3A : i32
    %add3A = arith.addi %mul3A_0, %arg0 : i32
    %mul3A_1 = arith.constant 640 : i32
    %mul3A_2 = arith.muli %arg1, %mul3A_1 : i32
    %mul3A_3 = arith.constant 640 : i32
    %mul3A_4 = arith.muli %arg1, %mul3A_3 : i32
    "tpu.region"() ({
      %run_scoped3A = tpu.sem_alloc : memref<!tpu.dma_semaphore, #tpu.memory_space<semaphore_mem>>
      %dma_start3A = tpu.memref_slice %arg8[%mul3A_4] : memref<10240xf32, #tpu.memory_space<vmem_shared>> -> memref<640xf32, #tpu.memory_space<vmem_shared>>
      %dma_start3A_17 = tpu.memref_slice %arg4[%mul3A_2] : memref<10240xf32, #tpu.memory_space<hbm>> -> memref<640xf32, #tpu.memory_space<hbm>>
      tpu.enqueue_dma source(%dma_start3A_17 : memref<640xf32, #tpu.memory_space<hbm>>) target(%dma_start3A : memref<640xf32, #tpu.memory_space<vmem_shared>>) target_semaphore(%run_scoped3A : memref<!tpu.dma_semaphore, #tpu.memory_space<semaphore_mem>>)
      %dma_wait3A = tpu.memref_slice %arg8[%mul3A_4] : memref<10240xf32, #tpu.memory_space<vmem_shared>> -> memref<640xf32, #tpu.memory_space<vmem_shared>>
      %dma_wait3A_18 = tpu.memref_slice %arg4[%mul3A_2] : memref<10240xf32, #tpu.memory_space<hbm>> -> memref<640xf32, #tpu.memory_space<hbm>>
      tpu.wait_dma2 semaphore(%run_scoped3A : memref<!tpu.dma_semaphore, #tpu.memory_space<semaphore_mem>>) src(%dma_wait3A_18 : memref<640xf32, #tpu.memory_space<hbm>>) dst(%dma_wait3A : memref<640xf32, #tpu.memory_space<vmem_shared>>)
      tpu.yield
    }) : () -> ()
    %mul3A_5 = arith.constant 80 : i32
    %mul3A_6 = arith.muli %add3A, %mul3A_5 : i32
    "tpu.region"() ({
      %run_scoped3A = tpu.sem_alloc : memref<!tpu.dma_semaphore, #tpu.memory_space<semaphore_mem>>
      %dma_start3A = arith.constant 0 : i32
      %dma_start3A_17 = tpu.memref_slice %arg2[%mul3A_6, %dma_start3A] : memref<2560x128xi32, #tpu.memory_space<hbm>> -> memref<80x128xi32, #tpu.memory_space<hbm>>
      %dma_start3A_18 = arith.constant 0 : i32
      %dma_start3A_19 = tpu.memref_slice %arg2[%mul3A_6, %dma_start3A_18] : memref<2560x128xi32, #tpu.memory_space<hbm>> -> memref<80x128xi32, #tpu.memory_space<hbm>>
      tpu.enqueue_dma source(%dma_start3A_19 : memref<80x128xi32, #tpu.memory_space<hbm>>) target(%arg6 : memref<80x128xi32, #tpu.memory_space<vmem>>) target_semaphore(%run_scoped3A : memref<!tpu.dma_semaphore, #tpu.memory_space<semaphore_mem>>)
      %dma_wait3A = arith.constant 0 : i32
      %dma_wait3A_20 = tpu.memref_slice %arg2[%mul3A_6, %dma_wait3A] : memref<2560x128xi32, #tpu.memory_space<hbm>> -> memref<80x128xi32, #tpu.memory_space<hbm>>
      %dma_wait3A_21 = arith.constant 0 : i32
      %dma_wait3A_22 = tpu.memref_slice %arg2[%mul3A_6, %dma_wait3A_21] : memref<2560x128xi32, #tpu.memory_space<hbm>> -> memref<80x128xi32, #tpu.memory_space<hbm>>
      tpu.wait_dma2 semaphore(%run_scoped3A : memref<!tpu.dma_semaphore, #tpu.memory_space<semaphore_mem>>) src(%dma_wait3A_22 : memref<80x128xi32, #tpu.memory_space<hbm>>) dst(%arg6 : memref<80x128xi32, #tpu.memory_space<vmem>>)
      tpu.yield
    }) : () -> ()
    "tpu.region"() ({
      %run_scoped3A = tpu.sem_alloc : memref<!tpu.dma_semaphore, #tpu.memory_space<semaphore_mem>>
      tpu.enqueue_dma source(%arg3 : memref<128xf32, #tpu.memory_space<hbm>>) target(%arg7 : memref<128xf32, #tpu.memory_space<vmem>>) target_semaphore(%run_scoped3A : memref<!tpu.dma_semaphore, #tpu.memory_space<semaphore_mem>>)
      tpu.wait_dma2 semaphore(%run_scoped3A : memref<!tpu.dma_semaphore, #tpu.memory_space<semaphore_mem>>) src(%arg3 : memref<128xf32, #tpu.memory_space<hbm>>) dst(%arg7 : memref<128xf32, #tpu.memory_space<vmem>>)
      tpu.yield
    }) : () -> ()
    %barrier3A = arith.constant 0 : index
    tpu.barrier barrier_id(%barrier3A)
    %scan3A = arith.constant 0 : i32
    %scan3A_7 = arith.constant 0 : i32
    %scan3A_8 = arith.constant 80 : i32
    %scan3A_9 = arith.addi %scan3A_7, %scan3A_8 : i32
    %scan3A_10 = arith.constant 1 : i32
    scf.for %scan3A_17 = %scan3A_7 to %scan3A_9 step %scan3A_10  : i32 {
      "tpu.region"() ({
        %run_scoped3A = tpu.sem_alloc : memref<!tpu.dma_semaphore, #tpu.memory_space<semaphore_mem>>
        %dma_start3A = arith.constant 0 : i32
        %dma_start3A_18 = tpu.memref_slice %arg6[%scan3A_17, %dma_start3A] : memref<80x128xi32, #tpu.memory_space<vmem>> -> memref<1x128xi32, #tpu.memory_space<vmem>>
        %dma_start3A_19 = tpu.memref_squeeze %dma_start3A_18 : memref<1x128xi32, #tpu.memory_space<vmem>> -> memref<128xi32, #tpu.memory_space<vmem>>
        %dma_start3A_20 = arith.constant 0 : i32
        %dma_start3A_21 = tpu.memref_slice %arg8[%dma_start3A_20] : memref<10240xf32, #tpu.memory_space<vmem_shared>> -> memref<10240xf32, #tpu.memory_space<vmem_shared>>
        tpu.enqueue_indirect_dma source(%arg7 : memref<128xf32, #tpu.memory_space<vmem>>) target(%dma_start3A_21 : memref<10240xf32, #tpu.memory_space<vmem_shared>>) offsets(%dma_start3A_19 : memref<128xi32, #tpu.memory_space<vmem>>) semaphore(%run_scoped3A : memref<!tpu.dma_semaphore, #tpu.memory_space<semaphore_mem>>) {add = true}
        %dma_wait3A = arith.constant 0 : i32
        %dma_wait3A_22 = tpu.memref_slice %arg6[%scan3A_17, %dma_wait3A] : memref<80x128xi32, #tpu.memory_space<vmem>> -> memref<1x128xi32, #tpu.memory_space<vmem>>
        %dma_wait3A_23 = tpu.memref_squeeze %dma_wait3A_22 : memref<1x128xi32, #tpu.memory_space<vmem>> -> memref<128xi32, #tpu.memory_space<vmem>>
        %dma_wait3A_24 = arith.constant 0 : i32
        %dma_wait3A_25 = tpu.memref_slice %arg8[%dma_wait3A_24] : memref<10240xf32, #tpu.memory_space<vmem_shared>> -> memref<10240xf32, #tpu.memory_space<vmem_shared>>
        tpu.wait_indirect_dma semaphore(%run_scoped3A : memref<!tpu.dma_semaphore, #tpu.memory_space<semaphore_mem>>) src(%arg7 : memref<128xf32, #tpu.memory_space<vmem>>) dst(%dma_wait3A_25 : memref<10240xf32, #tpu.memory_space<vmem_shared>>)
        tpu.yield
      }) : () -> ()
    }
    %scan3A_11 = arith.constant 80 : i32
    %barrier3A_12 = arith.constant 0 : index
    tpu.barrier barrier_id(%barrier3A_12)
    %mul3A_13 = arith.constant 640 : i32
    %mul3A_14 = arith.muli %arg1, %mul3A_13 : i32
    %mul3A_15 = arith.constant 640 : i32
    %mul3A_16 = arith.muli %arg1, %mul3A_15 : i32
    "tpu.region"() ({
      %run_scoped3A = tpu.sem_alloc : memref<!tpu.dma_semaphore, #tpu.memory_space<semaphore_mem>>
      %dma_start3A = tpu.memref_slice %arg5[%arg0, %mul3A_16] : memref<2x10240xf32, #tpu.memory_space<hbm>> -> memref<1x640xf32, #tpu.memory_space<hbm>>
      %dma_start3A_17 = tpu.memref_squeeze %dma_start3A : memref<1x640xf32, #tpu.memory_space<hbm>> -> memref<640xf32, #tpu.memory_space<hbm>>
      %dma_start3A_18 = tpu.memref_slice %arg8[%mul3A_14] : memref<10240xf32, #tpu.memory_space<vmem_shared>> -> memref<640xf32, #tpu.memory_space<vmem_shared>>
      tpu.enqueue_dma source(%dma_start3A_18 : memref<640xf32, #tpu.memory_space<vmem_shared>>) target(%dma_start3A_17 : memref<640xf32, #tpu.memory_space<hbm>>) target_semaphore(%run_scoped3A : memref<!tpu.dma_semaphore, #tpu.memory_space<semaphore_mem>>)
      %dma_wait3A = tpu.memref_slice %arg5[%arg0, %mul3A_16] : memref<2x10240xf32, #tpu.memory_space<hbm>> -> memref<1x640xf32, #tpu.memory_space<hbm>>
      %dma_wait3A_19 = tpu.memref_squeeze %dma_wait3A : memref<1x640xf32, #tpu.memory_space<hbm>> -> memref<640xf32, #tpu.memory_space<hbm>>
      %dma_wait3A_20 = tpu.memref_slice %arg8[%mul3A_14] : memref<10240xf32, #tpu.memory_space<vmem_shared>> -> memref<640xf32, #tpu.memory_space<vmem_shared>>
      tpu.wait_dma2 semaphore(%run_scoped3A : memref<!tpu.dma_semaphore, #tpu.memory_space<semaphore_mem>>) src(%dma_wait3A_20 : memref<640xf32, #tpu.memory_space<vmem_shared>>) dst(%dma_wait3A_19 : memref<640xf32, #tpu.memory_space<hbm>>)
      tpu.yield
    }) : () -> ()
    return
  }
}

#map = affine_map<(d0, d1) -> (0, 0)>
#map1 = affine_map<(d0, d1) -> (0, 0, 0)>
module attributes {stable_mosaic.version = 14 : i64} {
  func.func @_sc_scatter(%arg0: i32, %arg1: i32, %arg2: memref<10240x128xf32, #tpu.memory_space<hbm>>, %arg3: memref<2560x128xi32, #tpu.memory_space<hbm>>, %arg4: memref<2560x128xi32, #tpu.memory_space<hbm>>, %arg5: memref<10240x128xf32, #tpu.memory_space<hbm>>, %arg6: memref<2x10240x128xf32, #tpu.memory_space<hbm>>, %arg7: memref<40x128xi32, #tpu.memory_space<vmem>>, %arg8: memref<40x128xi32, #tpu.memory_space<vmem>>, %arg9: memref<128x128xf32, #tpu.memory_space<vmem>>, %arg10: memref<128x128xf32, #tpu.memory_space<vmem>>, %arg11: memref<10240x128xf32, #tpu.memory_space<vmem_shared>>, %arg12: memref<!tpu.dma_semaphore, #tpu.memory_space<semaphore_mem>>, %arg13: memref<!tpu.dma_semaphore, #tpu.memory_space<semaphore_mem>>) attributes {dimension_semantics = [#tpu.dimension_semantics<core_parallel>, #tpu.dimension_semantics<subcore_parallel>], iteration_bounds = array<i64: 2, 16>, scalar_prefetch = 0 : i64, scratch_operands = 7 : i64, tpu.core_type = #tpu.core_type<sc_vector_subcore>, window_params = [{transform_indices = #map}, {transform_indices = #map}, {transform_indices = #map}, {transform_indices = #map}, {transform_indices = #map1}]} {
    %mul3A = arith.constant 640 : i32
    %mul3A_0 = arith.muli %arg1, %mul3A : i32
    %mul3A_1 = arith.constant 640 : i32
    %mul3A_2 = arith.muli %arg1, %mul3A_1 : i32
    "tpu.region"() ({
      %run_scoped3A = tpu.sem_alloc : memref<!tpu.dma_semaphore, #tpu.memory_space<semaphore_mem>>
      %dma_start3A_53 = arith.constant 0 : i32
      %dma_start3A_54 = tpu.memref_slice %arg11[%mul3A_2, %dma_start3A_53] : memref<10240x128xf32, #tpu.memory_space<vmem_shared>> -> memref<640x128xf32, #tpu.memory_space<vmem_shared>>
      %dma_start3A_55 = arith.constant 0 : i32
      %dma_start3A_56 = tpu.memref_slice %arg5[%mul3A_0, %dma_start3A_55] : memref<10240x128xf32, #tpu.memory_space<hbm>> -> memref<640x128xf32, #tpu.memory_space<hbm>>
      tpu.enqueue_dma source(%dma_start3A_56 : memref<640x128xf32, #tpu.memory_space<hbm>>) target(%dma_start3A_54 : memref<640x128xf32, #tpu.memory_space<vmem_shared>>) target_semaphore(%run_scoped3A : memref<!tpu.dma_semaphore, #tpu.memory_space<semaphore_mem>>)
      %dma_wait3A_57 = arith.constant 0 : i32
      %dma_wait3A_58 = tpu.memref_slice %arg11[%mul3A_2, %dma_wait3A_57] : memref<10240x128xf32, #tpu.memory_space<vmem_shared>> -> memref<640x128xf32, #tpu.memory_space<vmem_shared>>
      %dma_wait3A_59 = arith.constant 0 : i32
      %dma_wait3A_60 = tpu.memref_slice %arg5[%mul3A_0, %dma_wait3A_59] : memref<10240x128xf32, #tpu.memory_space<hbm>> -> memref<640x128xf32, #tpu.memory_space<hbm>>
      tpu.wait_dma2 semaphore(%run_scoped3A : memref<!tpu.dma_semaphore, #tpu.memory_space<semaphore_mem>>) src(%dma_wait3A_60 : memref<640x128xf32, #tpu.memory_space<hbm>>) dst(%dma_wait3A_58 : memref<640x128xf32, #tpu.memory_space<vmem_shared>>)
      tpu.yield
    }) : () -> ()
    %barrier3A = arith.constant 0 : index
    tpu.barrier barrier_id(%barrier3A)
    %mul3A_3 = arith.constant 160 : i32
    %mul3A_4 = arith.muli %arg1, %mul3A_3 : i32
    %mul3A_5 = arith.constant 80 : i32
    %mul3A_6 = arith.muli %arg0, %mul3A_5 : i32
    %add3A = arith.addi %mul3A_4, %mul3A_6 : i32
    %add3A_7 = arith.constant 0 : i32
    %add3A_8 = arith.addi %add3A, %add3A_7 : i32
    "tpu.region"() ({
      %run_scoped3A = tpu.sem_alloc : memref<!tpu.dma_semaphore, #tpu.memory_space<semaphore_mem>>
      %dma_start3A_53 = arith.constant 0 : i32
      %dma_start3A_54 = tpu.memref_slice %arg3[%add3A_8, %dma_start3A_53] : memref<2560x128xi32, #tpu.memory_space<hbm>> -> memref<40x128xi32, #tpu.memory_space<hbm>>
      %dma_start3A_55 = arith.constant 0 : i32
      %dma_start3A_56 = tpu.memref_slice %arg3[%add3A_8, %dma_start3A_55] : memref<2560x128xi32, #tpu.memory_space<hbm>> -> memref<40x128xi32, #tpu.memory_space<hbm>>
      tpu.enqueue_dma source(%dma_start3A_56 : memref<40x128xi32, #tpu.memory_space<hbm>>) target(%arg7 : memref<40x128xi32, #tpu.memory_space<vmem>>) target_semaphore(%run_scoped3A : memref<!tpu.dma_semaphore, #tpu.memory_space<semaphore_mem>>)
      %dma_wait3A_57 = arith.constant 0 : i32
      %dma_wait3A_58 = tpu.memref_slice %arg3[%add3A_8, %dma_wait3A_57] : memref<2560x128xi32, #tpu.memory_space<hbm>> -> memref<40x128xi32, #tpu.memory_space<hbm>>
      %dma_wait3A_59 = arith.constant 0 : i32
      %dma_wait3A_60 = tpu.memref_slice %arg3[%add3A_8, %dma_wait3A_59] : memref<2560x128xi32, #tpu.memory_space<hbm>> -> memref<40x128xi32, #tpu.memory_space<hbm>>
      tpu.wait_dma2 semaphore(%run_scoped3A : memref<!tpu.dma_semaphore, #tpu.memory_space<semaphore_mem>>) src(%dma_wait3A_60 : memref<40x128xi32, #tpu.memory_space<hbm>>) dst(%arg7 : memref<40x128xi32, #tpu.memory_space<vmem>>)
      tpu.yield
    }) : () -> ()
    "tpu.region"() ({
      %run_scoped3A = tpu.sem_alloc : memref<!tpu.dma_semaphore, #tpu.memory_space<semaphore_mem>>
      %dma_start3A_53 = arith.constant 0 : i32
      %dma_start3A_54 = tpu.memref_slice %arg4[%add3A_8, %dma_start3A_53] : memref<2560x128xi32, #tpu.memory_space<hbm>> -> memref<40x128xi32, #tpu.memory_space<hbm>>
      %dma_start3A_55 = arith.constant 0 : i32
      %dma_start3A_56 = tpu.memref_slice %arg4[%add3A_8, %dma_start3A_55] : memref<2560x128xi32, #tpu.memory_space<hbm>> -> memref<40x128xi32, #tpu.memory_space<hbm>>
      tpu.enqueue_dma source(%dma_start3A_56 : memref<40x128xi32, #tpu.memory_space<hbm>>) target(%arg8 : memref<40x128xi32, #tpu.memory_space<vmem>>) target_semaphore(%run_scoped3A : memref<!tpu.dma_semaphore, #tpu.memory_space<semaphore_mem>>)
      %dma_wait3A_57 = arith.constant 0 : i32
      %dma_wait3A_58 = tpu.memref_slice %arg4[%add3A_8, %dma_wait3A_57] : memref<2560x128xi32, #tpu.memory_space<hbm>> -> memref<40x128xi32, #tpu.memory_space<hbm>>
      %dma_wait3A_59 = arith.constant 0 : i32
      %dma_wait3A_60 = tpu.memref_slice %arg4[%add3A_8, %dma_wait3A_59] : memref<2560x128xi32, #tpu.memory_space<hbm>> -> memref<40x128xi32, #tpu.memory_space<hbm>>
      tpu.wait_dma2 semaphore(%run_scoped3A : memref<!tpu.dma_semaphore, #tpu.memory_space<semaphore_mem>>) src(%dma_wait3A_60 : memref<40x128xi32, #tpu.memory_space<hbm>>) dst(%arg8 : memref<40x128xi32, #tpu.memory_space<vmem>>)
      tpu.yield
    }) : () -> ()
    %dma_start3A = arith.constant 0 : i32
    %dma_start3A_9 = arith.constant 0 : i32
    %dma_start3A_10 = tpu.memref_slice %arg7[%dma_start3A, %dma_start3A_9] : memref<40x128xi32, #tpu.memory_space<vmem>> -> memref<1x128xi32, #tpu.memory_space<vmem>>
    %dma_start3A_11 = tpu.memref_squeeze %dma_start3A_10 : memref<1x128xi32, #tpu.memory_space<vmem>> -> memref<128xi32, #tpu.memory_space<vmem>>
    %dma_start3A_12 = arith.constant 0 : i32
    %dma_start3A_13 = arith.constant 0 : i32
    %dma_start3A_14 = tpu.memref_slice %arg2[%dma_start3A_12, %dma_start3A_13] : memref<10240x128xf32, #tpu.memory_space<hbm>> -> memref<10240x128xf32, #tpu.memory_space<hbm>>
    tpu.enqueue_indirect_dma source(%dma_start3A_14 : memref<10240x128xf32, #tpu.memory_space<hbm>>) target(%arg9 : memref<128x128xf32, #tpu.memory_space<vmem>>) offsets(%dma_start3A_11 : memref<128xi32, #tpu.memory_space<vmem>>) semaphore(%arg12 : memref<!tpu.dma_semaphore, #tpu.memory_space<semaphore_mem>>)
    %scan3A = arith.constant 0 : i32
    %scan3A_15 = arith.constant 0 : i32
    %scan3A_16 = arith.constant 20 : i32
    %scan3A_17 = arith.addi %scan3A_15, %scan3A_16 : i32
    %scan3A_18 = arith.constant 1 : i32
    scf.for %scan3A_53 = %scan3A_15 to %scan3A_17 step %scan3A_18  : i32 {
      %mul3A_54 = arith.constant 2 : i32
      %mul3A_55 = arith.muli %mul3A_54, %scan3A_53 : i32
      %mul3A_56 = arith.constant 2 : i32
      %mul3A_57 = arith.muli %mul3A_56, %scan3A_53 : i32
      %add3A_58 = arith.constant 1 : i32
      %add3A_59 = arith.addi %mul3A_57, %add3A_58 : i32
      %mul3A_60 = arith.constant 2 : i32
      %mul3A_61 = arith.muli %mul3A_60, %scan3A_53 : i32
      %add3A_62 = arith.constant 2 : i32
      %add3A_63 = arith.addi %mul3A_61, %add3A_62 : i32
      %min3A = arith.constant 39 : i32
      %min3A_64 = arith.minsi %add3A_63, %min3A : i32
      %dma_wait3A_65 = arith.constant 0 : i32
      %dma_wait3A_66 = tpu.memref_slice %arg7[%mul3A_55, %dma_wait3A_65] : memref<40x128xi32, #tpu.memory_space<vmem>> -> memref<1x128xi32, #tpu.memory_space<vmem>>
      %dma_wait3A_67 = tpu.memref_squeeze %dma_wait3A_66 : memref<1x128xi32, #tpu.memory_space<vmem>> -> memref<128xi32, #tpu.memory_space<vmem>>
      %dma_wait3A_68 = arith.constant 0 : i32
      %dma_wait3A_69 = arith.constant 0 : i32
      %dma_wait3A_70 = tpu.memref_slice %arg2[%dma_wait3A_68, %dma_wait3A_69] : memref<10240x128xf32, #tpu.memory_space<hbm>> -> memref<10240x128xf32, #tpu.memory_space<hbm>>
      tpu.wait_indirect_dma semaphore(%arg12 : memref<!tpu.dma_semaphore, #tpu.memory_space<semaphore_mem>>) src(%dma_wait3A_70 : memref<10240x128xf32, #tpu.memory_space<hbm>>) dst(%arg9 : memref<128x128xf32, #tpu.memory_space<vmem>>)
      %dma_start3A_71 = arith.constant 0 : i32
      %dma_start3A_72 = tpu.memref_slice %arg7[%add3A_59, %dma_start3A_71] : memref<40x128xi32, #tpu.memory_space<vmem>> -> memref<1x128xi32, #tpu.memory_space<vmem>>
      %dma_start3A_73 = tpu.memref_squeeze %dma_start3A_72 : memref<1x128xi32, #tpu.memory_space<vmem>> -> memref<128xi32, #tpu.memory_space<vmem>>
      %dma_start3A_74 = arith.constant 0 : i32
      %dma_start3A_75 = arith.constant 0 : i32
      %dma_start3A_76 = tpu.memref_slice %arg2[%dma_start3A_74, %dma_start3A_75] : memref<10240x128xf32, #tpu.memory_space<hbm>> -> memref<10240x128xf32, #tpu.memory_space<hbm>>
      tpu.enqueue_indirect_dma source(%dma_start3A_76 : memref<10240x128xf32, #tpu.memory_space<hbm>>) target(%arg10 : memref<128x128xf32, #tpu.memory_space<vmem>>) offsets(%dma_start3A_73 : memref<128xi32, #tpu.memory_space<vmem>>) semaphore(%arg13 : memref<!tpu.dma_semaphore, #tpu.memory_space<semaphore_mem>>)
      "tpu.region"() ({
        %run_scoped3A = tpu.sem_alloc : memref<!tpu.dma_semaphore, #tpu.memory_space<semaphore_mem>>
        %dma_start3A_89 = arith.constant 0 : i32
        %dma_start3A_90 = tpu.memref_slice %arg8[%mul3A_55, %dma_start3A_89] : memref<40x128xi32, #tpu.memory_space<vmem>> -> memref<1x128xi32, #tpu.memory_space<vmem>>
        %dma_start3A_91 = tpu.memref_squeeze %dma_start3A_90 : memref<1x128xi32, #tpu.memory_space<vmem>> -> memref<128xi32, #tpu.memory_space<vmem>>
        %dma_start3A_92 = arith.constant 0 : i32
        %dma_start3A_93 = arith.constant 0 : i32
        %dma_start3A_94 = tpu.memref_slice %arg11[%dma_start3A_92, %dma_start3A_93] : memref<10240x128xf32, #tpu.memory_space<vmem_shared>> -> memref<10240x128xf32, #tpu.memory_space<vmem_shared>>
        tpu.enqueue_indirect_dma source(%arg9 : memref<128x128xf32, #tpu.memory_space<vmem>>) target(%dma_start3A_94 : memref<10240x128xf32, #tpu.memory_space<vmem_shared>>) offsets(%dma_start3A_91 : memref<128xi32, #tpu.memory_space<vmem>>) semaphore(%run_scoped3A : memref<!tpu.dma_semaphore, #tpu.memory_space<semaphore_mem>>) {add = true}
        %dma_wait3A_95 = arith.constant 0 : i32
        %dma_wait3A_96 = tpu.memref_slice %arg8[%mul3A_55, %dma_wait3A_95] : memref<40x128xi32, #tpu.memory_space<vmem>> -> memref<1x128xi32, #tpu.memory_space<vmem>>
        %dma_wait3A_97 = tpu.memref_squeeze %dma_wait3A_96 : memref<1x128xi32, #tpu.memory_space<vmem>> -> memref<128xi32, #tpu.memory_space<vmem>>
        %dma_wait3A_98 = arith.constant 0 : i32
        %dma_wait3A_99 = arith.constant 0 : i32
        %dma_wait3A_100 = tpu.memref_slice %arg11[%dma_wait3A_98, %dma_wait3A_99] : memref<10240x128xf32, #tpu.memory_space<vmem_shared>> -> memref<10240x128xf32, #tpu.memory_space<vmem_shared>>
        tpu.wait_indirect_dma semaphore(%run_scoped3A : memref<!tpu.dma_semaphore, #tpu.memory_space<semaphore_mem>>) src(%arg9 : memref<128x128xf32, #tpu.memory_space<vmem>>) dst(%dma_wait3A_100 : memref<10240x128xf32, #tpu.memory_space<vmem_shared>>)
        tpu.yield
      }) : () -> ()
      %dma_wait3A_77 = arith.constant 0 : i32
      %dma_wait3A_78 = tpu.memref_slice %arg7[%add3A_59, %dma_wait3A_77] : memref<40x128xi32, #tpu.memory_space<vmem>> -> memref<1x128xi32, #tpu.memory_space<vmem>>
      %dma_wait3A_79 = tpu.memref_squeeze %dma_wait3A_78 : memref<1x128xi32, #tpu.memory_space<vmem>> -> memref<128xi32, #tpu.memory_space<vmem>>
      %dma_wait3A_80 = arith.constant 0 : i32
      %dma_wait3A_81 = arith.constant 0 : i32
      %dma_wait3A_82 = tpu.memref_slice %arg2[%dma_wait3A_80, %dma_wait3A_81] : memref<10240x128xf32, #tpu.memory_space<hbm>> -> memref<10240x128xf32, #tpu.memory_space<hbm>>
      tpu.wait_indirect_dma semaphore(%arg13 : memref<!tpu.dma_semaphore, #tpu.memory_space<semaphore_mem>>) src(%dma_wait3A_82 : memref<10240x128xf32, #tpu.memory_space<hbm>>) dst(%arg10 : memref<128x128xf32, #tpu.memory_space<vmem>>)
      %dma_start3A_83 = arith.constant 0 : i32
      %dma_start3A_84 = tpu.memref_slice %arg7[%min3A_64, %dma_start3A_83] : memref<40x128xi32, #tpu.memory_space<vmem>> -> memref<1x128xi32, #tpu.memory_space<vmem>>
      %dma_start3A_85 = tpu.memref_squeeze %dma_start3A_84 : memref<1x128xi32, #tpu.memory_space<vmem>> -> memref<128xi32, #tpu.memory_space<vmem>>
      %dma_start3A_86 = arith.constant 0 : i32
      %dma_start3A_87 = arith.constant 0 : i32
      %dma_start3A_88 = tpu.memref_slice %arg2[%dma_start3A_86, %dma_start3A_87] : memref<10240x128xf32, #tpu.memory_space<hbm>> -> memref<10240x128xf32, #tpu.memory_space<hbm>>
      tpu.enqueue_indirect_dma source(%dma_start3A_88 : memref<10240x128xf32, #tpu.memory_space<hbm>>) target(%arg9 : memref<128x128xf32, #tpu.memory_space<vmem>>) offsets(%dma_start3A_85 : memref<128xi32, #tpu.memory_space<vmem>>) semaphore(%arg12 : memref<!tpu.dma_semaphore, #tpu.memory_space<semaphore_mem>>)
      "tpu.region"() ({
        %run_scoped3A = tpu.sem_alloc : memref<!tpu.dma_semaphore, #tpu.memory_space<semaphore_mem>>
        %dma_start3A_89 = arith.constant 0 : i32
        %dma_start3A_90 = tpu.memref_slice %arg8[%add3A_59, %dma_start3A_89] : memref<40x128xi32, #tpu.memory_space<vmem>> -> memref<1x128xi32, #tpu.memory_space<vmem>>
        %dma_start3A_91 = tpu.memref_squeeze %dma_start3A_90 : memref<1x128xi32, #tpu.memory_space<vmem>> -> memref<128xi32, #tpu.memory_space<vmem>>
        %dma_start3A_92 = arith.constant 0 : i32
        %dma_start3A_93 = arith.constant 0 : i32
        %dma_start3A_94 = tpu.memref_slice %arg11[%dma_start3A_92, %dma_start3A_93] : memref<10240x128xf32, #tpu.memory_space<vmem_shared>> -> memref<10240x128xf32, #tpu.memory_space<vmem_shared>>
        tpu.enqueue_indirect_dma source(%arg10 : memref<128x128xf32, #tpu.memory_space<vmem>>) target(%dma_start3A_94 : memref<10240x128xf32, #tpu.memory_space<vmem_shared>>) offsets(%dma_start3A_91 : memref<128xi32, #tpu.memory_space<vmem>>) semaphore(%run_scoped3A : memref<!tpu.dma_semaphore, #tpu.memory_space<semaphore_mem>>) {add = true}
        %dma_wait3A_95 = arith.constant 0 : i32
        %dma_wait3A_96 = tpu.memref_slice %arg8[%add3A_59, %dma_wait3A_95] : memref<40x128xi32, #tpu.memory_space<vmem>> -> memref<1x128xi32, #tpu.memory_space<vmem>>
        %dma_wait3A_97 = tpu.memref_squeeze %dma_wait3A_96 : memref<1x128xi32, #tpu.memory_space<vmem>> -> memref<128xi32, #tpu.memory_space<vmem>>
        %dma_wait3A_98 = arith.constant 0 : i32
        %dma_wait3A_99 = arith.constant 0 : i32
        %dma_wait3A_100 = tpu.memref_slice %arg11[%dma_wait3A_98, %dma_wait3A_99] : memref<10240x128xf32, #tpu.memory_space<vmem_shared>> -> memref<10240x128xf32, #tpu.memory_space<vmem_shared>>
        tpu.wait_indirect_dma semaphore(%run_scoped3A : memref<!tpu.dma_semaphore, #tpu.memory_space<semaphore_mem>>) src(%arg10 : memref<128x128xf32, #tpu.memory_space<vmem>>) dst(%dma_wait3A_100 : memref<10240x128xf32, #tpu.memory_space<vmem_shared>>)
        tpu.yield
      }) : () -> ()
    }
    %scan3A_19 = arith.constant 20 : i32
    %dma_wait3A = arith.constant 39 : i32
    %dma_wait3A_20 = arith.constant 0 : i32
    %dma_wait3A_21 = tpu.memref_slice %arg7[%dma_wait3A, %dma_wait3A_20] : memref<40x128xi32, #tpu.memory_space<vmem>> -> memref<1x128xi32, #tpu.memory_space<vmem>>
    %dma_wait3A_22 = tpu.memref_squeeze %dma_wait3A_21 : memref<1x128xi32, #tpu.memory_space<vmem>> -> memref<128xi32, #tpu.memory_space<vmem>>
    %dma_wait3A_23 = arith.constant 0 : i32
    %dma_wait3A_24 = arith.constant 0 : i32
    %dma_wait3A_25 = tpu.memref_slice %arg2[%dma_wait3A_23, %dma_wait3A_24] : memref<10240x128xf32, #tpu.memory_space<hbm>> -> memref<10240x128xf32, #tpu.memory_space<hbm>>
    tpu.wait_indirect_dma semaphore(%arg12 : memref<!tpu.dma_semaphore, #tpu.memory_space<semaphore_mem>>) src(%dma_wait3A_25 : memref<10240x128xf32, #tpu.memory_space<hbm>>) dst(%arg9 : memref<128x128xf32, #tpu.memory_space<vmem>>)
    %add3A_26 = arith.constant 40 : i32
    %add3A_27 = arith.addi %add3A, %add3A_26 : i32
    "tpu.region"() ({
      %run_scoped3A = tpu.sem_alloc : memref<!tpu.dma_semaphore, #tpu.memory_space<semaphore_mem>>
      %dma_start3A_53 = arith.constant 0 : i32
      %dma_start3A_54 = tpu.memref_slice %arg3[%add3A_27, %dma_start3A_53] : memref<2560x128xi32, #tpu.memory_space<hbm>> -> memref<40x128xi32, #tpu.memory_space<hbm>>
      %dma_start3A_55 = arith.constant 0 : i32
      %dma_start3A_56 = tpu.memref_slice %arg3[%add3A_27, %dma_start3A_55] : memref<2560x128xi32, #tpu.memory_space<hbm>> -> memref<40x128xi32, #tpu.memory_space<hbm>>
      tpu.enqueue_dma source(%dma_start3A_56 : memref<40x128xi32, #tpu.memory_space<hbm>>) target(%arg7 : memref<40x128xi32, #tpu.memory_space<vmem>>) target_semaphore(%run_scoped3A : memref<!tpu.dma_semaphore, #tpu.memory_space<semaphore_mem>>)
      %dma_wait3A_57 = arith.constant 0 : i32
      %dma_wait3A_58 = tpu.memref_slice %arg3[%add3A_27, %dma_wait3A_57] : memref<2560x128xi32, #tpu.memory_space<hbm>> -> memref<40x128xi32, #tpu.memory_space<hbm>>
      %dma_wait3A_59 = arith.constant 0 : i32
      %dma_wait3A_60 = tpu.memref_slice %arg3[%add3A_27, %dma_wait3A_59] : memref<2560x128xi32, #tpu.memory_space<hbm>> -> memref<40x128xi32, #tpu.memory_space<hbm>>
      tpu.wait_dma2 semaphore(%run_scoped3A : memref<!tpu.dma_semaphore, #tpu.memory_space<semaphore_mem>>) src(%dma_wait3A_60 : memref<40x128xi32, #tpu.memory_space<hbm>>) dst(%arg7 : memref<40x128xi32, #tpu.memory_space<vmem>>)
      tpu.yield
    }) : () -> ()
    "tpu.region"() ({
      %run_scoped3A = tpu.sem_alloc : memref<!tpu.dma_semaphore, #tpu.memory_space<semaphore_mem>>
      %dma_start3A_53 = arith.constant 0 : i32
      %dma_start3A_54 = tpu.memref_slice %arg4[%add3A_27, %dma_start3A_53] : memref<2560x128xi32, #tpu.memory_space<hbm>> -> memref<40x128xi32, #tpu.memory_space<hbm>>
      %dma_start3A_55 = arith.constant 0 : i32
      %dma_start3A_56 = tpu.memref_slice %arg4[%add3A_27, %dma_start3A_55] : memref<2560x128xi32, #tpu.memory_space<hbm>> -> memref<40x128xi32, #tpu.memory_space<hbm>>
      tpu.enqueue_dma source(%dma_start3A_56 : memref<40x128xi32, #tpu.memory_space<hbm>>) target(%arg8 : memref<40x128xi32, #tpu.memory_space<vmem>>) target_semaphore(%run_scoped3A : memref<!tpu.dma_semaphore, #tpu.memory_space<semaphore_mem>>)
      %dma_wait3A_57 = arith.constant 0 : i32
      %dma_wait3A_58 = tpu.memref_slice %arg4[%add3A_27, %dma_wait3A_57] : memref<2560x128xi32, #tpu.memory_space<hbm>> -> memref<40x128xi32, #tpu.memory_space<hbm>>
      %dma_wait3A_59 = arith.constant 0 : i32
      %dma_wait3A_60 = tpu.memref_slice %arg4[%add3A_27, %dma_wait3A_59] : memref<2560x128xi32, #tpu.memory_space<hbm>> -> memref<40x128xi32, #tpu.memory_space<hbm>>
      tpu.wait_dma2 semaphore(%run_scoped3A : memref<!tpu.dma_semaphore, #tpu.memory_space<semaphore_mem>>) src(%dma_wait3A_60 : memref<40x128xi32, #tpu.memory_space<hbm>>) dst(%arg8 : memref<40x128xi32, #tpu.memory_space<vmem>>)
      tpu.yield
    }) : () -> ()
    %dma_start3A_28 = arith.constant 0 : i32
    %dma_start3A_29 = arith.constant 0 : i32
    %dma_start3A_30 = tpu.memref_slice %arg7[%dma_start3A_28, %dma_start3A_29] : memref<40x128xi32, #tpu.memory_space<vmem>> -> memref<1x128xi32, #tpu.memory_space<vmem>>
    %dma_start3A_31 = tpu.memref_squeeze %dma_start3A_30 : memref<1x128xi32, #tpu.memory_space<vmem>> -> memref<128xi32, #tpu.memory_space<vmem>>
    %dma_start3A_32 = arith.constant 0 : i32
    %dma_start3A_33 = arith.constant 0 : i32
    %dma_start3A_34 = tpu.memref_slice %arg2[%dma_start3A_32, %dma_start3A_33] : memref<10240x128xf32, #tpu.memory_space<hbm>> -> memref<10240x128xf32, #tpu.memory_space<hbm>>
    tpu.enqueue_indirect_dma source(%dma_start3A_34 : memref<10240x128xf32, #tpu.memory_space<hbm>>) target(%arg9 : memref<128x128xf32, #tpu.memory_space<vmem>>) offsets(%dma_start3A_31 : memref<128xi32, #tpu.memory_space<vmem>>) semaphore(%arg12 : memref<!tpu.dma_semaphore, #tpu.memory_space<semaphore_mem>>)
    %scan3A_35 = arith.constant 0 : i32
    %scan3A_36 = arith.constant 0 : i32
    %scan3A_37 = arith.constant 20 : i32
    %scan3A_38 = arith.addi %scan3A_36, %scan3A_37 : i32
    %scan3A_39 = arith.constant 1 : i32
    scf.for %scan3A_53 = %scan3A_36 to %scan3A_38 step %scan3A_39  : i32 {
      %mul3A_54 = arith.constant 2 : i32
      %mul3A_55 = arith.muli %mul3A_54, %scan3A_53 : i32
      %mul3A_56 = arith.constant 2 : i32
      %mul3A_57 = arith.muli %mul3A_56, %scan3A_53 : i32
      %add3A_58 = arith.constant 1 : i32
      %add3A_59 = arith.addi %mul3A_57, %add3A_58 : i32
      %mul3A_60 = arith.constant 2 : i32
      %mul3A_61 = arith.muli %mul3A_60, %scan3A_53 : i32
      %add3A_62 = arith.constant 2 : i32
      %add3A_63 = arith.addi %mul3A_61, %add3A_62 : i32
      %min3A = arith.constant 39 : i32
      %min3A_64 = arith.minsi %add3A_63, %min3A : i32
      %dma_wait3A_65 = arith.constant 0 : i32
      %dma_wait3A_66 = tpu.memref_slice %arg7[%mul3A_55, %dma_wait3A_65] : memref<40x128xi32, #tpu.memory_space<vmem>> -> memref<1x128xi32, #tpu.memory_space<vmem>>
      %dma_wait3A_67 = tpu.memref_squeeze %dma_wait3A_66 : memref<1x128xi32, #tpu.memory_space<vmem>> -> memref<128xi32, #tpu.memory_space<vmem>>
      %dma_wait3A_68 = arith.constant 0 : i32
      %dma_wait3A_69 = arith.constant 0 : i32
      %dma_wait3A_70 = tpu.memref_slice %arg2[%dma_wait3A_68, %dma_wait3A_69] : memref<10240x128xf32, #tpu.memory_space<hbm>> -> memref<10240x128xf32, #tpu.memory_space<hbm>>
      tpu.wait_indirect_dma semaphore(%arg12 : memref<!tpu.dma_semaphore, #tpu.memory_space<semaphore_mem>>) src(%dma_wait3A_70 : memref<10240x128xf32, #tpu.memory_space<hbm>>) dst(%arg9 : memref<128x128xf32, #tpu.memory_space<vmem>>)
      %dma_start3A_71 = arith.constant 0 : i32
      %dma_start3A_72 = tpu.memref_slice %arg7[%add3A_59, %dma_start3A_71] : memref<40x128xi32, #tpu.memory_space<vmem>> -> memref<1x128xi32, #tpu.memory_space<vmem>>
      %dma_start3A_73 = tpu.memref_squeeze %dma_start3A_72 : memref<1x128xi32, #tpu.memory_space<vmem>> -> memref<128xi32, #tpu.memory_space<vmem>>
      %dma_start3A_74 = arith.constant 0 : i32
      %dma_start3A_75 = arith.constant 0 : i32
      %dma_start3A_76 = tpu.memref_slice %arg2[%dma_start3A_74, %dma_start3A_75] : memref<10240x128xf32, #tpu.memory_space<hbm>> -> memref<10240x128xf32, #tpu.memory_space<hbm>>
      tpu.enqueue_indirect_dma source(%dma_start3A_76 : memref<10240x128xf32, #tpu.memory_space<hbm>>) target(%arg10 : memref<128x128xf32, #tpu.memory_space<vmem>>) offsets(%dma_start3A_73 : memref<128xi32, #tpu.memory_space<vmem>>) semaphore(%arg13 : memref<!tpu.dma_semaphore, #tpu.memory_space<semaphore_mem>>)
      "tpu.region"() ({
        %run_scoped3A = tpu.sem_alloc : memref<!tpu.dma_semaphore, #tpu.memory_space<semaphore_mem>>
        %dma_start3A_89 = arith.constant 0 : i32
        %dma_start3A_90 = tpu.memref_slice %arg8[%mul3A_55, %dma_start3A_89] : memref<40x128xi32, #tpu.memory_space<vmem>> -> memref<1x128xi32, #tpu.memory_space<vmem>>
        %dma_start3A_91 = tpu.memref_squeeze %dma_start3A_90 : memref<1x128xi32, #tpu.memory_space<vmem>> -> memref<128xi32, #tpu.memory_space<vmem>>
        %dma_start3A_92 = arith.constant 0 : i32
        %dma_start3A_93 = arith.constant 0 : i32
        %dma_start3A_94 = tpu.memref_slice %arg11[%dma_start3A_92, %dma_start3A_93] : memref<10240x128xf32, #tpu.memory_space<vmem_shared>> -> memref<10240x128xf32, #tpu.memory_space<vmem_shared>>
        tpu.enqueue_indirect_dma source(%arg9 : memref<128x128xf32, #tpu.memory_space<vmem>>) target(%dma_start3A_94 : memref<10240x128xf32, #tpu.memory_space<vmem_shared>>) offsets(%dma_start3A_91 : memref<128xi32, #tpu.memory_space<vmem>>) semaphore(%run_scoped3A : memref<!tpu.dma_semaphore, #tpu.memory_space<semaphore_mem>>) {add = true}
        %dma_wait3A_95 = arith.constant 0 : i32
        %dma_wait3A_96 = tpu.memref_slice %arg8[%mul3A_55, %dma_wait3A_95] : memref<40x128xi32, #tpu.memory_space<vmem>> -> memref<1x128xi32, #tpu.memory_space<vmem>>
        %dma_wait3A_97 = tpu.memref_squeeze %dma_wait3A_96 : memref<1x128xi32, #tpu.memory_space<vmem>> -> memref<128xi32, #tpu.memory_space<vmem>>
        %dma_wait3A_98 = arith.constant 0 : i32
        %dma_wait3A_99 = arith.constant 0 : i32
        %dma_wait3A_100 = tpu.memref_slice %arg11[%dma_wait3A_98, %dma_wait3A_99] : memref<10240x128xf32, #tpu.memory_space<vmem_shared>> -> memref<10240x128xf32, #tpu.memory_space<vmem_shared>>
        tpu.wait_indirect_dma semaphore(%run_scoped3A : memref<!tpu.dma_semaphore, #tpu.memory_space<semaphore_mem>>) src(%arg9 : memref<128x128xf32, #tpu.memory_space<vmem>>) dst(%dma_wait3A_100 : memref<10240x128xf32, #tpu.memory_space<vmem_shared>>)
        tpu.yield
      }) : () -> ()
      %dma_wait3A_77 = arith.constant 0 : i32
      %dma_wait3A_78 = tpu.memref_slice %arg7[%add3A_59, %dma_wait3A_77] : memref<40x128xi32, #tpu.memory_space<vmem>> -> memref<1x128xi32, #tpu.memory_space<vmem>>
      %dma_wait3A_79 = tpu.memref_squeeze %dma_wait3A_78 : memref<1x128xi32, #tpu.memory_space<vmem>> -> memref<128xi32, #tpu.memory_space<vmem>>
      %dma_wait3A_80 = arith.constant 0 : i32
      %dma_wait3A_81 = arith.constant 0 : i32
      %dma_wait3A_82 = tpu.memref_slice %arg2[%dma_wait3A_80, %dma_wait3A_81] : memref<10240x128xf32, #tpu.memory_space<hbm>> -> memref<10240x128xf32, #tpu.memory_space<hbm>>
      tpu.wait_indirect_dma semaphore(%arg13 : memref<!tpu.dma_semaphore, #tpu.memory_space<semaphore_mem>>) src(%dma_wait3A_82 : memref<10240x128xf32, #tpu.memory_space<hbm>>) dst(%arg10 : memref<128x128xf32, #tpu.memory_space<vmem>>)
      %dma_start3A_83 = arith.constant 0 : i32
      %dma_start3A_84 = tpu.memref_slice %arg7[%min3A_64, %dma_start3A_83] : memref<40x128xi32, #tpu.memory_space<vmem>> -> memref<1x128xi32, #tpu.memory_space<vmem>>
      %dma_start3A_85 = tpu.memref_squeeze %dma_start3A_84 : memref<1x128xi32, #tpu.memory_space<vmem>> -> memref<128xi32, #tpu.memory_space<vmem>>
      %dma_start3A_86 = arith.constant 0 : i32
      %dma_start3A_87 = arith.constant 0 : i32
      %dma_start3A_88 = tpu.memref_slice %arg2[%dma_start3A_86, %dma_start3A_87] : memref<10240x128xf32, #tpu.memory_space<hbm>> -> memref<10240x128xf32, #tpu.memory_space<hbm>>
      tpu.enqueue_indirect_dma source(%dma_start3A_88 : memref<10240x128xf32, #tpu.memory_space<hbm>>) target(%arg9 : memref<128x128xf32, #tpu.memory_space<vmem>>) offsets(%dma_start3A_85 : memref<128xi32, #tpu.memory_space<vmem>>) semaphore(%arg12 : memref<!tpu.dma_semaphore, #tpu.memory_space<semaphore_mem>>)
      "tpu.region"() ({
        %run_scoped3A = tpu.sem_alloc : memref<!tpu.dma_semaphore, #tpu.memory_space<semaphore_mem>>
        %dma_start3A_89 = arith.constant 0 : i32
        %dma_start3A_90 = tpu.memref_slice %arg8[%add3A_59, %dma_start3A_89] : memref<40x128xi32, #tpu.memory_space<vmem>> -> memref<1x128xi32, #tpu.memory_space<vmem>>
        %dma_start3A_91 = tpu.memref_squeeze %dma_start3A_90 : memref<1x128xi32, #tpu.memory_space<vmem>> -> memref<128xi32, #tpu.memory_space<vmem>>
        %dma_start3A_92 = arith.constant 0 : i32
        %dma_start3A_93 = arith.constant 0 : i32
        %dma_start3A_94 = tpu.memref_slice %arg11[%dma_start3A_92, %dma_start3A_93] : memref<10240x128xf32, #tpu.memory_space<vmem_shared>> -> memref<10240x128xf32, #tpu.memory_space<vmem_shared>>
        tpu.enqueue_indirect_dma source(%arg10 : memref<128x128xf32, #tpu.memory_space<vmem>>) target(%dma_start3A_94 : memref<10240x128xf32, #tpu.memory_space<vmem_shared>>) offsets(%dma_start3A_91 : memref<128xi32, #tpu.memory_space<vmem>>) semaphore(%run_scoped3A : memref<!tpu.dma_semaphore, #tpu.memory_space<semaphore_mem>>) {add = true}
        %dma_wait3A_95 = arith.constant 0 : i32
        %dma_wait3A_96 = tpu.memref_slice %arg8[%add3A_59, %dma_wait3A_95] : memref<40x128xi32, #tpu.memory_space<vmem>> -> memref<1x128xi32, #tpu.memory_space<vmem>>
        %dma_wait3A_97 = tpu.memref_squeeze %dma_wait3A_96 : memref<1x128xi32, #tpu.memory_space<vmem>> -> memref<128xi32, #tpu.memory_space<vmem>>
        %dma_wait3A_98 = arith.constant 0 : i32
        %dma_wait3A_99 = arith.constant 0 : i32
        %dma_wait3A_100 = tpu.memref_slice %arg11[%dma_wait3A_98, %dma_wait3A_99] : memref<10240x128xf32, #tpu.memory_space<vmem_shared>> -> memref<10240x128xf32, #tpu.memory_space<vmem_shared>>
        tpu.wait_indirect_dma semaphore(%run_scoped3A : memref<!tpu.dma_semaphore, #tpu.memory_space<semaphore_mem>>) src(%arg10 : memref<128x128xf32, #tpu.memory_space<vmem>>) dst(%dma_wait3A_100 : memref<10240x128xf32, #tpu.memory_space<vmem_shared>>)
        tpu.yield
      }) : () -> ()
    }
    %scan3A_40 = arith.constant 20 : i32
    %dma_wait3A_41 = arith.constant 39 : i32
    %dma_wait3A_42 = arith.constant 0 : i32
    %dma_wait3A_43 = tpu.memref_slice %arg7[%dma_wait3A_41, %dma_wait3A_42] : memref<40x128xi32, #tpu.memory_space<vmem>> -> memref<1x128xi32, #tpu.memory_space<vmem>>
    %dma_wait3A_44 = tpu.memref_squeeze %dma_wait3A_43 : memref<1x128xi32, #tpu.memory_space<vmem>> -> memref<128xi32, #tpu.memory_space<vmem>>
    %dma_wait3A_45 = arith.constant 0 : i32
    %dma_wait3A_46 = arith.constant 0 : i32
    %dma_wait3A_47 = tpu.memref_slice %arg2[%dma_wait3A_45, %dma_wait3A_46] : memref<10240x128xf32, #tpu.memory_space<hbm>> -> memref<10240x128xf32, #tpu.memory_space<hbm>>
    tpu.wait_indirect_dma semaphore(%arg12 : memref<!tpu.dma_semaphore, #tpu.memory_space<semaphore_mem>>) src(%dma_wait3A_47 : memref<10240x128xf32, #tpu.memory_space<hbm>>) dst(%arg9 : memref<128x128xf32, #tpu.memory_space<vmem>>)
    %barrier3A_48 = arith.constant 0 : index
    tpu.barrier barrier_id(%barrier3A_48)
    %mul3A_49 = arith.constant 640 : i32
    %mul3A_50 = arith.muli %arg1, %mul3A_49 : i32
    %mul3A_51 = arith.constant 640 : i32
    %mul3A_52 = arith.muli %arg1, %mul3A_51 : i32
    "tpu.region"() ({
      %run_scoped3A = tpu.sem_alloc : memref<!tpu.dma_semaphore, #tpu.memory_space<semaphore_mem>>
      %dma_start3A_53 = arith.constant 0 : i32
      %dma_start3A_54 = tpu.memref_slice %arg6[%arg0, %mul3A_52, %dma_start3A_53] : memref<2x10240x128xf32, #tpu.memory_space<hbm>> -> memref<1x640x128xf32, #tpu.memory_space<hbm>>
      %dma_start3A_55 = tpu.memref_squeeze %dma_start3A_54 : memref<1x640x128xf32, #tpu.memory_space<hbm>> -> memref<640x128xf32, #tpu.memory_space<hbm>>
      %dma_start3A_56 = arith.constant 0 : i32
      %dma_start3A_57 = tpu.memref_slice %arg11[%mul3A_50, %dma_start3A_56] : memref<10240x128xf32, #tpu.memory_space<vmem_shared>> -> memref<640x128xf32, #tpu.memory_space<vmem_shared>>
      tpu.enqueue_dma source(%dma_start3A_57 : memref<640x128xf32, #tpu.memory_space<vmem_shared>>) target(%dma_start3A_55 : memref<640x128xf32, #tpu.memory_space<hbm>>) target_semaphore(%run_scoped3A : memref<!tpu.dma_semaphore, #tpu.memory_space<semaphore_mem>>)
      %dma_wait3A_58 = arith.constant 0 : i32
      %dma_wait3A_59 = tpu.memref_slice %arg6[%arg0, %mul3A_52, %dma_wait3A_58] : memref<2x10240x128xf32, #tpu.memory_space<hbm>> -> memref<1x640x128xf32, #tpu.memory_space<hbm>>
      %dma_wait3A_60 = tpu.memref_squeeze %dma_wait3A_59 : memref<1x640x128xf32, #tpu.memory_space<hbm>> -> memref<640x128xf32, #tpu.memory_space<hbm>>
      %dma_wait3A_61 = arith.constant 0 : i32
      %dma_wait3A_62 = tpu.memref_slice %arg11[%mul3A_50, %dma_wait3A_61] : memref<10240x128xf32, #tpu.memory_space<vmem_shared>> -> memref<640x128xf32, #tpu.memory_space<vmem_shared>>
      tpu.wait_dma2 semaphore(%run_scoped3A : memref<!tpu.dma_semaphore, #tpu.memory_space<semaphore_mem>>) src(%dma_wait3A_62 : memref<640x128xf32, #tpu.memory_space<vmem_shared>>) dst(%dma_wait3A_60 : memref<640x128xf32, #tpu.memory_space<hbm>>)
      tpu.yield
    }) : () -> ()
    return
  }
}

#map = affine_map<(d0, d1) -> (0, 0)>
#map1 = affine_map<(d0, d1) -> (0, 0, 0)>
module attributes {stable_mosaic.version = 14 : i64} {
  func.func @_sc_scatter(%arg0: i32, %arg1: i32, %arg2: memref<10240x128xf32, #tpu.memory_space<hbm>>, %arg3: memref<2560x128xi32, #tpu.memory_space<hbm>>, %arg4: memref<2560x128xi32, #tpu.memory_space<hbm>>, %arg5: memref<10240x128xf32, #tpu.memory_space<hbm>>, %arg6: memref<2x10240x128xf32, #tpu.memory_space<hbm>>, %arg7: memref<40x128xi32, #tpu.memory_space<vmem>>, %arg8: memref<40x128xi32, #tpu.memory_space<vmem>>, %arg9: memref<128x128xf32, #tpu.memory_space<vmem>>, %arg10: memref<128x128xf32, #tpu.memory_space<vmem>>, %arg11: memref<10240x128xf32, #tpu.memory_space<vmem_shared>>, %arg12: memref<!tpu.dma_semaphore, #tpu.memory_space<semaphore_mem>>, %arg13: memref<!tpu.dma_semaphore, #tpu.memory_space<semaphore_mem>>) attributes {dimension_semantics = [#tpu.dimension_semantics<core_parallel>, #tpu.dimension_semantics<subcore_parallel>], iteration_bounds = array<i64: 2, 16>, scalar_prefetch = 0 : i64, scratch_operands = 7 : i64, tpu.core_type = #tpu.core_type<sc_vector_subcore>, window_params = [{transform_indices = #map}, {transform_indices = #map}, {transform_indices = #map}, {transform_indices = #map}, {transform_indices = #map1}]} {
    %mul3A = arith.constant 640 : i32
    %mul3A_0 = arith.muli %arg1, %mul3A : i32
    %mul3A_1 = arith.constant 640 : i32
    %mul3A_2 = arith.muli %arg1, %mul3A_1 : i32
    "tpu.region"() ({
      %run_scoped3A = tpu.sem_alloc : memref<!tpu.dma_semaphore, #tpu.memory_space<semaphore_mem>>
      %dma_start3A_53 = arith.constant 0 : i32
      %dma_start3A_54 = tpu.memref_slice %arg11[%mul3A_2, %dma_start3A_53] : memref<10240x128xf32, #tpu.memory_space<vmem_shared>> -> memref<640x128xf32, #tpu.memory_space<vmem_shared>>
      %dma_start3A_55 = arith.constant 0 : i32
      %dma_start3A_56 = tpu.memref_slice %arg5[%mul3A_0, %dma_start3A_55] : memref<10240x128xf32, #tpu.memory_space<hbm>> -> memref<640x128xf32, #tpu.memory_space<hbm>>
      tpu.enqueue_dma source(%dma_start3A_56 : memref<640x128xf32, #tpu.memory_space<hbm>>) target(%dma_start3A_54 : memref<640x128xf32, #tpu.memory_space<vmem_shared>>) target_semaphore(%run_scoped3A : memref<!tpu.dma_semaphore, #tpu.memory_space<semaphore_mem>>)
      %dma_wait3A_57 = arith.constant 0 : i32
      %dma_wait3A_58 = tpu.memref_slice %arg11[%mul3A_2, %dma_wait3A_57] : memref<10240x128xf32, #tpu.memory_space<vmem_shared>> -> memref<640x128xf32, #tpu.memory_space<vmem_shared>>
      %dma_wait3A_59 = arith.constant 0 : i32
      %dma_wait3A_60 = tpu.memref_slice %arg5[%mul3A_0, %dma_wait3A_59] : memref<10240x128xf32, #tpu.memory_space<hbm>> -> memref<640x128xf32, #tpu.memory_space<hbm>>
      tpu.wait_dma2 semaphore(%run_scoped3A : memref<!tpu.dma_semaphore, #tpu.memory_space<semaphore_mem>>) src(%dma_wait3A_60 : memref<640x128xf32, #tpu.memory_space<hbm>>) dst(%dma_wait3A_58 : memref<640x128xf32, #tpu.memory_space<vmem_shared>>)
      tpu.yield
    }) : () -> ()
    %barrier3A = arith.constant 0 : index
    tpu.barrier barrier_id(%barrier3A)
    %mul3A_3 = arith.constant 160 : i32
    %mul3A_4 = arith.muli %arg1, %mul3A_3 : i32
    %mul3A_5 = arith.constant 80 : i32
    %mul3A_6 = arith.muli %arg0, %mul3A_5 : i32
    %add3A = arith.addi %mul3A_4, %mul3A_6 : i32
    %add3A_7 = arith.constant 0 : i32
    %add3A_8 = arith.addi %add3A, %add3A_7 : i32
    "tpu.region"() ({
      %run_scoped3A = tpu.sem_alloc : memref<!tpu.dma_semaphore, #tpu.memory_space<semaphore_mem>>
      %dma_start3A_53 = arith.constant 0 : i32
      %dma_start3A_54 = tpu.memref_slice %arg3[%add3A_8, %dma_start3A_53] : memref<2560x128xi32, #tpu.memory_space<hbm>> -> memref<40x128xi32, #tpu.memory_space<hbm>>
      %dma_start3A_55 = arith.constant 0 : i32
      %dma_start3A_56 = tpu.memref_slice %arg3[%add3A_8, %dma_start3A_55] : memref<2560x128xi32, #tpu.memory_space<hbm>> -> memref<40x128xi32, #tpu.memory_space<hbm>>
      tpu.enqueue_dma source(%dma_start3A_56 : memref<40x128xi32, #tpu.memory_space<hbm>>) target(%arg7 : memref<40x128xi32, #tpu.memory_space<vmem>>) target_semaphore(%run_scoped3A : memref<!tpu.dma_semaphore, #tpu.memory_space<semaphore_mem>>)
      %dma_wait3A_57 = arith.constant 0 : i32
      %dma_wait3A_58 = tpu.memref_slice %arg3[%add3A_8, %dma_wait3A_57] : memref<2560x128xi32, #tpu.memory_space<hbm>> -> memref<40x128xi32, #tpu.memory_space<hbm>>
      %dma_wait3A_59 = arith.constant 0 : i32
      %dma_wait3A_60 = tpu.memref_slice %arg3[%add3A_8, %dma_wait3A_59] : memref<2560x128xi32, #tpu.memory_space<hbm>> -> memref<40x128xi32, #tpu.memory_space<hbm>>
      tpu.wait_dma2 semaphore(%run_scoped3A : memref<!tpu.dma_semaphore, #tpu.memory_space<semaphore_mem>>) src(%dma_wait3A_60 : memref<40x128xi32, #tpu.memory_space<hbm>>) dst(%arg7 : memref<40x128xi32, #tpu.memory_space<vmem>>)
      tpu.yield
    }) : () -> ()
    "tpu.region"() ({
      %run_scoped3A = tpu.sem_alloc : memref<!tpu.dma_semaphore, #tpu.memory_space<semaphore_mem>>
      %dma_start3A_53 = arith.constant 0 : i32
      %dma_start3A_54 = tpu.memref_slice %arg4[%add3A_8, %dma_start3A_53] : memref<2560x128xi32, #tpu.memory_space<hbm>> -> memref<40x128xi32, #tpu.memory_space<hbm>>
      %dma_start3A_55 = arith.constant 0 : i32
      %dma_start3A_56 = tpu.memref_slice %arg4[%add3A_8, %dma_start3A_55] : memref<2560x128xi32, #tpu.memory_space<hbm>> -> memref<40x128xi32, #tpu.memory_space<hbm>>
      tpu.enqueue_dma source(%dma_start3A_56 : memref<40x128xi32, #tpu.memory_space<hbm>>) target(%arg8 : memref<40x128xi32, #tpu.memory_space<vmem>>) target_semaphore(%run_scoped3A : memref<!tpu.dma_semaphore, #tpu.memory_space<semaphore_mem>>)
      %dma_wait3A_57 = arith.constant 0 : i32
      %dma_wait3A_58 = tpu.memref_slice %arg4[%add3A_8, %dma_wait3A_57] : memref<2560x128xi32, #tpu.memory_space<hbm>> -> memref<40x128xi32, #tpu.memory_space<hbm>>
      %dma_wait3A_59 = arith.constant 0 : i32
      %dma_wait3A_60 = tpu.memref_slice %arg4[%add3A_8, %dma_wait3A_59] : memref<2560x128xi32, #tpu.memory_space<hbm>> -> memref<40x128xi32, #tpu.memory_space<hbm>>
      tpu.wait_dma2 semaphore(%run_scoped3A : memref<!tpu.dma_semaphore, #tpu.memory_space<semaphore_mem>>) src(%dma_wait3A_60 : memref<40x128xi32, #tpu.memory_space<hbm>>) dst(%arg8 : memref<40x128xi32, #tpu.memory_space<vmem>>)
      tpu.yield
    }) : () -> ()
    %dma_start3A = arith.constant 0 : i32
    %dma_start3A_9 = arith.constant 0 : i32
    %dma_start3A_10 = tpu.memref_slice %arg7[%dma_start3A, %dma_start3A_9] : memref<40x128xi32, #tpu.memory_space<vmem>> -> memref<1x128xi32, #tpu.memory_space<vmem>>
    %dma_start3A_11 = tpu.memref_squeeze %dma_start3A_10 : memref<1x128xi32, #tpu.memory_space<vmem>> -> memref<128xi32, #tpu.memory_space<vmem>>
    %dma_start3A_12 = arith.constant 0 : i32
    %dma_start3A_13 = arith.constant 0 : i32
    %dma_start3A_14 = tpu.memref_slice %arg2[%dma_start3A_12, %dma_start3A_13] : memref<10240x128xf32, #tpu.memory_space<hbm>> -> memref<10240x128xf32, #tpu.memory_space<hbm>>
    tpu.enqueue_indirect_dma source(%dma_start3A_14 : memref<10240x128xf32, #tpu.memory_space<hbm>>) target(%arg9 : memref<128x128xf32, #tpu.memory_space<vmem>>) offsets(%dma_start3A_11 : memref<128xi32, #tpu.memory_space<vmem>>) semaphore(%arg12 : memref<!tpu.dma_semaphore, #tpu.memory_space<semaphore_mem>>)
    %scan3A = arith.constant 0 : i32
    %scan3A_15 = arith.constant 0 : i32
    %scan3A_16 = arith.constant 20 : i32
    %scan3A_17 = arith.addi %scan3A_15, %scan3A_16 : i32
    %scan3A_18 = arith.constant 1 : i32
    scf.for %scan3A_53 = %scan3A_15 to %scan3A_17 step %scan3A_18  : i32 {
      %mul3A_54 = arith.constant 2 : i32
      %mul3A_55 = arith.muli %mul3A_54, %scan3A_53 : i32
      %mul3A_56 = arith.constant 2 : i32
      %mul3A_57 = arith.muli %mul3A_56, %scan3A_53 : i32
      %add3A_58 = arith.constant 1 : i32
      %add3A_59 = arith.addi %mul3A_57, %add3A_58 : i32
      %mul3A_60 = arith.constant 2 : i32
      %mul3A_61 = arith.muli %mul3A_60, %scan3A_53 : i32
      %add3A_62 = arith.constant 2 : i32
      %add3A_63 = arith.addi %mul3A_61, %add3A_62 : i32
      %min3A = arith.constant 39 : i32
      %min3A_64 = arith.minsi %add3A_63, %min3A : i32
      %dma_wait3A_65 = arith.constant 0 : i32
      %dma_wait3A_66 = tpu.memref_slice %arg7[%mul3A_55, %dma_wait3A_65] : memref<40x128xi32, #tpu.memory_space<vmem>> -> memref<1x128xi32, #tpu.memory_space<vmem>>
      %dma_wait3A_67 = tpu.memref_squeeze %dma_wait3A_66 : memref<1x128xi32, #tpu.memory_space<vmem>> -> memref<128xi32, #tpu.memory_space<vmem>>
      %dma_wait3A_68 = arith.constant 0 : i32
      %dma_wait3A_69 = arith.constant 0 : i32
      %dma_wait3A_70 = tpu.memref_slice %arg2[%dma_wait3A_68, %dma_wait3A_69] : memref<10240x128xf32, #tpu.memory_space<hbm>> -> memref<10240x128xf32, #tpu.memory_space<hbm>>
      tpu.wait_indirect_dma semaphore(%arg12 : memref<!tpu.dma_semaphore, #tpu.memory_space<semaphore_mem>>) src(%dma_wait3A_70 : memref<10240x128xf32, #tpu.memory_space<hbm>>) dst(%arg9 : memref<128x128xf32, #tpu.memory_space<vmem>>)
      %dma_start3A_71 = arith.constant 0 : i32
      %dma_start3A_72 = tpu.memref_slice %arg7[%add3A_59, %dma_start3A_71] : memref<40x128xi32, #tpu.memory_space<vmem>> -> memref<1x128xi32, #tpu.memory_space<vmem>>
      %dma_start3A_73 = tpu.memref_squeeze %dma_start3A_72 : memref<1x128xi32, #tpu.memory_space<vmem>> -> memref<128xi32, #tpu.memory_space<vmem>>
      %dma_start3A_74 = arith.constant 0 : i32
      %dma_start3A_75 = arith.constant 0 : i32
      %dma_start3A_76 = tpu.memref_slice %arg2[%dma_start3A_74, %dma_start3A_75] : memref<10240x128xf32, #tpu.memory_space<hbm>> -> memref<10240x128xf32, #tpu.memory_space<hbm>>
      tpu.enqueue_indirect_dma source(%dma_start3A_76 : memref<10240x128xf32, #tpu.memory_space<hbm>>) target(%arg10 : memref<128x128xf32, #tpu.memory_space<vmem>>) offsets(%dma_start3A_73 : memref<128xi32, #tpu.memory_space<vmem>>) semaphore(%arg13 : memref<!tpu.dma_semaphore, #tpu.memory_space<semaphore_mem>>)
      "tpu.region"() ({
        %run_scoped3A = tpu.sem_alloc : memref<!tpu.dma_semaphore, #tpu.memory_space<semaphore_mem>>
        %dma_start3A_89 = arith.constant 0 : i32
        %dma_start3A_90 = tpu.memref_slice %arg8[%mul3A_55, %dma_start3A_89] : memref<40x128xi32, #tpu.memory_space<vmem>> -> memref<1x128xi32, #tpu.memory_space<vmem>>
        %dma_start3A_91 = tpu.memref_squeeze %dma_start3A_90 : memref<1x128xi32, #tpu.memory_space<vmem>> -> memref<128xi32, #tpu.memory_space<vmem>>
        %dma_start3A_92 = arith.constant 0 : i32
        %dma_start3A_93 = arith.constant 0 : i32
        %dma_start3A_94 = tpu.memref_slice %arg11[%dma_start3A_92, %dma_start3A_93] : memref<10240x128xf32, #tpu.memory_space<vmem_shared>> -> memref<10240x128xf32, #tpu.memory_space<vmem_shared>>
        tpu.enqueue_indirect_dma source(%arg9 : memref<128x128xf32, #tpu.memory_space<vmem>>) target(%dma_start3A_94 : memref<10240x128xf32, #tpu.memory_space<vmem_shared>>) offsets(%dma_start3A_91 : memref<128xi32, #tpu.memory_space<vmem>>) semaphore(%run_scoped3A : memref<!tpu.dma_semaphore, #tpu.memory_space<semaphore_mem>>) {add = true}
        %dma_wait3A_95 = arith.constant 0 : i32
        %dma_wait3A_96 = tpu.memref_slice %arg8[%mul3A_55, %dma_wait3A_95] : memref<40x128xi32, #tpu.memory_space<vmem>> -> memref<1x128xi32, #tpu.memory_space<vmem>>
        %dma_wait3A_97 = tpu.memref_squeeze %dma_wait3A_96 : memref<1x128xi32, #tpu.memory_space<vmem>> -> memref<128xi32, #tpu.memory_space<vmem>>
        %dma_wait3A_98 = arith.constant 0 : i32
        %dma_wait3A_99 = arith.constant 0 : i32
        %dma_wait3A_100 = tpu.memref_slice %arg11[%dma_wait3A_98, %dma_wait3A_99] : memref<10240x128xf32, #tpu.memory_space<vmem_shared>> -> memref<10240x128xf32, #tpu.memory_space<vmem_shared>>
        tpu.wait_indirect_dma semaphore(%run_scoped3A : memref<!tpu.dma_semaphore, #tpu.memory_space<semaphore_mem>>) src(%arg9 : memref<128x128xf32, #tpu.memory_space<vmem>>) dst(%dma_wait3A_100 : memref<10240x128xf32, #tpu.memory_space<vmem_shared>>)
        tpu.yield
      }) : () -> ()
      %dma_wait3A_77 = arith.constant 0 : i32
      %dma_wait3A_78 = tpu.memref_slice %arg7[%add3A_59, %dma_wait3A_77] : memref<40x128xi32, #tpu.memory_space<vmem>> -> memref<1x128xi32, #tpu.memory_space<vmem>>
      %dma_wait3A_79 = tpu.memref_squeeze %dma_wait3A_78 : memref<1x128xi32, #tpu.memory_space<vmem>> -> memref<128xi32, #tpu.memory_space<vmem>>
      %dma_wait3A_80 = arith.constant 0 : i32
      %dma_wait3A_81 = arith.constant 0 : i32
      %dma_wait3A_82 = tpu.memref_slice %arg2[%dma_wait3A_80, %dma_wait3A_81] : memref<10240x128xf32, #tpu.memory_space<hbm>> -> memref<10240x128xf32, #tpu.memory_space<hbm>>
      tpu.wait_indirect_dma semaphore(%arg13 : memref<!tpu.dma_semaphore, #tpu.memory_space<semaphore_mem>>) src(%dma_wait3A_82 : memref<10240x128xf32, #tpu.memory_space<hbm>>) dst(%arg10 : memref<128x128xf32, #tpu.memory_space<vmem>>)
      %dma_start3A_83 = arith.constant 0 : i32
      %dma_start3A_84 = tpu.memref_slice %arg7[%min3A_64, %dma_start3A_83] : memref<40x128xi32, #tpu.memory_space<vmem>> -> memref<1x128xi32, #tpu.memory_space<vmem>>
      %dma_start3A_85 = tpu.memref_squeeze %dma_start3A_84 : memref<1x128xi32, #tpu.memory_space<vmem>> -> memref<128xi32, #tpu.memory_space<vmem>>
      %dma_start3A_86 = arith.constant 0 : i32
      %dma_start3A_87 = arith.constant 0 : i32
      %dma_start3A_88 = tpu.memref_slice %arg2[%dma_start3A_86, %dma_start3A_87] : memref<10240x128xf32, #tpu.memory_space<hbm>> -> memref<10240x128xf32, #tpu.memory_space<hbm>>
      tpu.enqueue_indirect_dma source(%dma_start3A_88 : memref<10240x128xf32, #tpu.memory_space<hbm>>) target(%arg9 : memref<128x128xf32, #tpu.memory_space<vmem>>) offsets(%dma_start3A_85 : memref<128xi32, #tpu.memory_space<vmem>>) semaphore(%arg12 : memref<!tpu.dma_semaphore, #tpu.memory_space<semaphore_mem>>)
      "tpu.region"() ({
        %run_scoped3A = tpu.sem_alloc : memref<!tpu.dma_semaphore, #tpu.memory_space<semaphore_mem>>
        %dma_start3A_89 = arith.constant 0 : i32
        %dma_start3A_90 = tpu.memref_slice %arg8[%add3A_59, %dma_start3A_89] : memref<40x128xi32, #tpu.memory_space<vmem>> -> memref<1x128xi32, #tpu.memory_space<vmem>>
        %dma_start3A_91 = tpu.memref_squeeze %dma_start3A_90 : memref<1x128xi32, #tpu.memory_space<vmem>> -> memref<128xi32, #tpu.memory_space<vmem>>
        %dma_start3A_92 = arith.constant 0 : i32
        %dma_start3A_93 = arith.constant 0 : i32
        %dma_start3A_94 = tpu.memref_slice %arg11[%dma_start3A_92, %dma_start3A_93] : memref<10240x128xf32, #tpu.memory_space<vmem_shared>> -> memref<10240x128xf32, #tpu.memory_space<vmem_shared>>
        tpu.enqueue_indirect_dma source(%arg10 : memref<128x128xf32, #tpu.memory_space<vmem>>) target(%dma_start3A_94 : memref<10240x128xf32, #tpu.memory_space<vmem_shared>>) offsets(%dma_start3A_91 : memref<128xi32, #tpu.memory_space<vmem>>) semaphore(%run_scoped3A : memref<!tpu.dma_semaphore, #tpu.memory_space<semaphore_mem>>) {add = true}
        %dma_wait3A_95 = arith.constant 0 : i32
        %dma_wait3A_96 = tpu.memref_slice %arg8[%add3A_59, %dma_wait3A_95] : memref<40x128xi32, #tpu.memory_space<vmem>> -> memref<1x128xi32, #tpu.memory_space<vmem>>
        %dma_wait3A_97 = tpu.memref_squeeze %dma_wait3A_96 : memref<1x128xi32, #tpu.memory_space<vmem>> -> memref<128xi32, #tpu.memory_space<vmem>>
        %dma_wait3A_98 = arith.constant 0 : i32
        %dma_wait3A_99 = arith.constant 0 : i32
        %dma_wait3A_100 = tpu.memref_slice %arg11[%dma_wait3A_98, %dma_wait3A_99] : memref<10240x128xf32, #tpu.memory_space<vmem_shared>> -> memref<10240x128xf32, #tpu.memory_space<vmem_shared>>
        tpu.wait_indirect_dma semaphore(%run_scoped3A : memref<!tpu.dma_semaphore, #tpu.memory_space<semaphore_mem>>) src(%arg10 : memref<128x128xf32, #tpu.memory_space<vmem>>) dst(%dma_wait3A_100 : memref<10240x128xf32, #tpu.memory_space<vmem_shared>>)
        tpu.yield
      }) : () -> ()
    }
    %scan3A_19 = arith.constant 20 : i32
    %dma_wait3A = arith.constant 39 : i32
    %dma_wait3A_20 = arith.constant 0 : i32
    %dma_wait3A_21 = tpu.memref_slice %arg7[%dma_wait3A, %dma_wait3A_20] : memref<40x128xi32, #tpu.memory_space<vmem>> -> memref<1x128xi32, #tpu.memory_space<vmem>>
    %dma_wait3A_22 = tpu.memref_squeeze %dma_wait3A_21 : memref<1x128xi32, #tpu.memory_space<vmem>> -> memref<128xi32, #tpu.memory_space<vmem>>
    %dma_wait3A_23 = arith.constant 0 : i32
    %dma_wait3A_24 = arith.constant 0 : i32
    %dma_wait3A_25 = tpu.memref_slice %arg2[%dma_wait3A_23, %dma_wait3A_24] : memref<10240x128xf32, #tpu.memory_space<hbm>> -> memref<10240x128xf32, #tpu.memory_space<hbm>>
    tpu.wait_indirect_dma semaphore(%arg12 : memref<!tpu.dma_semaphore, #tpu.memory_space<semaphore_mem>>) src(%dma_wait3A_25 : memref<10240x128xf32, #tpu.memory_space<hbm>>) dst(%arg9 : memref<128x128xf32, #tpu.memory_space<vmem>>)
    %add3A_26 = arith.constant 40 : i32
    %add3A_27 = arith.addi %add3A, %add3A_26 : i32
    "tpu.region"() ({
      %run_scoped3A = tpu.sem_alloc : memref<!tpu.dma_semaphore, #tpu.memory_space<semaphore_mem>>
      %dma_start3A_53 = arith.constant 0 : i32
      %dma_start3A_54 = tpu.memref_slice %arg3[%add3A_27, %dma_start3A_53] : memref<2560x128xi32, #tpu.memory_space<hbm>> -> memref<40x128xi32, #tpu.memory_space<hbm>>
      %dma_start3A_55 = arith.constant 0 : i32
      %dma_start3A_56 = tpu.memref_slice %arg3[%add3A_27, %dma_start3A_55] : memref<2560x128xi32, #tpu.memory_space<hbm>> -> memref<40x128xi32, #tpu.memory_space<hbm>>
      tpu.enqueue_dma source(%dma_start3A_56 : memref<40x128xi32, #tpu.memory_space<hbm>>) target(%arg7 : memref<40x128xi32, #tpu.memory_space<vmem>>) target_semaphore(%run_scoped3A : memref<!tpu.dma_semaphore, #tpu.memory_space<semaphore_mem>>)
      %dma_wait3A_57 = arith.constant 0 : i32
      %dma_wait3A_58 = tpu.memref_slice %arg3[%add3A_27, %dma_wait3A_57] : memref<2560x128xi32, #tpu.memory_space<hbm>> -> memref<40x128xi32, #tpu.memory_space<hbm>>
      %dma_wait3A_59 = arith.constant 0 : i32
      %dma_wait3A_60 = tpu.memref_slice %arg3[%add3A_27, %dma_wait3A_59] : memref<2560x128xi32, #tpu.memory_space<hbm>> -> memref<40x128xi32, #tpu.memory_space<hbm>>
      tpu.wait_dma2 semaphore(%run_scoped3A : memref<!tpu.dma_semaphore, #tpu.memory_space<semaphore_mem>>) src(%dma_wait3A_60 : memref<40x128xi32, #tpu.memory_space<hbm>>) dst(%arg7 : memref<40x128xi32, #tpu.memory_space<vmem>>)
      tpu.yield
    }) : () -> ()
    "tpu.region"() ({
      %run_scoped3A = tpu.sem_alloc : memref<!tpu.dma_semaphore, #tpu.memory_space<semaphore_mem>>
      %dma_start3A_53 = arith.constant 0 : i32
      %dma_start3A_54 = tpu.memref_slice %arg4[%add3A_27, %dma_start3A_53] : memref<2560x128xi32, #tpu.memory_space<hbm>> -> memref<40x128xi32, #tpu.memory_space<hbm>>
      %dma_start3A_55 = arith.constant 0 : i32
      %dma_start3A_56 = tpu.memref_slice %arg4[%add3A_27, %dma_start3A_55] : memref<2560x128xi32, #tpu.memory_space<hbm>> -> memref<40x128xi32, #tpu.memory_space<hbm>>
      tpu.enqueue_dma source(%dma_start3A_56 : memref<40x128xi32, #tpu.memory_space<hbm>>) target(%arg8 : memref<40x128xi32, #tpu.memory_space<vmem>>) target_semaphore(%run_scoped3A : memref<!tpu.dma_semaphore, #tpu.memory_space<semaphore_mem>>)
      %dma_wait3A_57 = arith.constant 0 : i32
      %dma_wait3A_58 = tpu.memref_slice %arg4[%add3A_27, %dma_wait3A_57] : memref<2560x128xi32, #tpu.memory_space<hbm>> -> memref<40x128xi32, #tpu.memory_space<hbm>>
      %dma_wait3A_59 = arith.constant 0 : i32
      %dma_wait3A_60 = tpu.memref_slice %arg4[%add3A_27, %dma_wait3A_59] : memref<2560x128xi32, #tpu.memory_space<hbm>> -> memref<40x128xi32, #tpu.memory_space<hbm>>
      tpu.wait_dma2 semaphore(%run_scoped3A : memref<!tpu.dma_semaphore, #tpu.memory_space<semaphore_mem>>) src(%dma_wait3A_60 : memref<40x128xi32, #tpu.memory_space<hbm>>) dst(%arg8 : memref<40x128xi32, #tpu.memory_space<vmem>>)
      tpu.yield
    }) : () -> ()
    %dma_start3A_28 = arith.constant 0 : i32
    %dma_start3A_29 = arith.constant 0 : i32
    %dma_start3A_30 = tpu.memref_slice %arg7[%dma_start3A_28, %dma_start3A_29] : memref<40x128xi32, #tpu.memory_space<vmem>> -> memref<1x128xi32, #tpu.memory_space<vmem>>
    %dma_start3A_31 = tpu.memref_squeeze %dma_start3A_30 : memref<1x128xi32, #tpu.memory_space<vmem>> -> memref<128xi32, #tpu.memory_space<vmem>>
    %dma_start3A_32 = arith.constant 0 : i32
    %dma_start3A_33 = arith.constant 0 : i32
    %dma_start3A_34 = tpu.memref_slice %arg2[%dma_start3A_32, %dma_start3A_33] : memref<10240x128xf32, #tpu.memory_space<hbm>> -> memref<10240x128xf32, #tpu.memory_space<hbm>>
    tpu.enqueue_indirect_dma source(%dma_start3A_34 : memref<10240x128xf32, #tpu.memory_space<hbm>>) target(%arg9 : memref<128x128xf32, #tpu.memory_space<vmem>>) offsets(%dma_start3A_31 : memref<128xi32, #tpu.memory_space<vmem>>) semaphore(%arg12 : memref<!tpu.dma_semaphore, #tpu.memory_space<semaphore_mem>>)
    %scan3A_35 = arith.constant 0 : i32
    %scan3A_36 = arith.constant 0 : i32
    %scan3A_37 = arith.constant 20 : i32
    %scan3A_38 = arith.addi %scan3A_36, %scan3A_37 : i32
    %scan3A_39 = arith.constant 1 : i32
    scf.for %scan3A_53 = %scan3A_36 to %scan3A_38 step %scan3A_39  : i32 {
      %mul3A_54 = arith.constant 2 : i32
      %mul3A_55 = arith.muli %mul3A_54, %scan3A_53 : i32
      %mul3A_56 = arith.constant 2 : i32
      %mul3A_57 = arith.muli %mul3A_56, %scan3A_53 : i32
      %add3A_58 = arith.constant 1 : i32
      %add3A_59 = arith.addi %mul3A_57, %add3A_58 : i32
      %mul3A_60 = arith.constant 2 : i32
      %mul3A_61 = arith.muli %mul3A_60, %scan3A_53 : i32
      %add3A_62 = arith.constant 2 : i32
      %add3A_63 = arith.addi %mul3A_61, %add3A_62 : i32
      %min3A = arith.constant 39 : i32
      %min3A_64 = arith.minsi %add3A_63, %min3A : i32
      %dma_wait3A_65 = arith.constant 0 : i32
      %dma_wait3A_66 = tpu.memref_slice %arg7[%mul3A_55, %dma_wait3A_65] : memref<40x128xi32, #tpu.memory_space<vmem>> -> memref<1x128xi32, #tpu.memory_space<vmem>>
      %dma_wait3A_67 = tpu.memref_squeeze %dma_wait3A_66 : memref<1x128xi32, #tpu.memory_space<vmem>> -> memref<128xi32, #tpu.memory_space<vmem>>
      %dma_wait3A_68 = arith.constant 0 : i32
      %dma_wait3A_69 = arith.constant 0 : i32
      %dma_wait3A_70 = tpu.memref_slice %arg2[%dma_wait3A_68, %dma_wait3A_69] : memref<10240x128xf32, #tpu.memory_space<hbm>> -> memref<10240x128xf32, #tpu.memory_space<hbm>>
      tpu.wait_indirect_dma semaphore(%arg12 : memref<!tpu.dma_semaphore, #tpu.memory_space<semaphore_mem>>) src(%dma_wait3A_70 : memref<10240x128xf32, #tpu.memory_space<hbm>>) dst(%arg9 : memref<128x128xf32, #tpu.memory_space<vmem>>)
      %dma_start3A_71 = arith.constant 0 : i32
      %dma_start3A_72 = tpu.memref_slice %arg7[%add3A_59, %dma_start3A_71] : memref<40x128xi32, #tpu.memory_space<vmem>> -> memref<1x128xi32, #tpu.memory_space<vmem>>
      %dma_start3A_73 = tpu.memref_squeeze %dma_start3A_72 : memref<1x128xi32, #tpu.memory_space<vmem>> -> memref<128xi32, #tpu.memory_space<vmem>>
      %dma_start3A_74 = arith.constant 0 : i32
      %dma_start3A_75 = arith.constant 0 : i32
      %dma_start3A_76 = tpu.memref_slice %arg2[%dma_start3A_74, %dma_start3A_75] : memref<10240x128xf32, #tpu.memory_space<hbm>> -> memref<10240x128xf32, #tpu.memory_space<hbm>>
      tpu.enqueue_indirect_dma source(%dma_start3A_76 : memref<10240x128xf32, #tpu.memory_space<hbm>>) target(%arg10 : memref<128x128xf32, #tpu.memory_space<vmem>>) offsets(%dma_start3A_73 : memref<128xi32, #tpu.memory_space<vmem>>) semaphore(%arg13 : memref<!tpu.dma_semaphore, #tpu.memory_space<semaphore_mem>>)
      "tpu.region"() ({
        %run_scoped3A = tpu.sem_alloc : memref<!tpu.dma_semaphore, #tpu.memory_space<semaphore_mem>>
        %dma_start3A_89 = arith.constant 0 : i32
        %dma_start3A_90 = tpu.memref_slice %arg8[%mul3A_55, %dma_start3A_89] : memref<40x128xi32, #tpu.memory_space<vmem>> -> memref<1x128xi32, #tpu.memory_space<vmem>>
        %dma_start3A_91 = tpu.memref_squeeze %dma_start3A_90 : memref<1x128xi32, #tpu.memory_space<vmem>> -> memref<128xi32, #tpu.memory_space<vmem>>
        %dma_start3A_92 = arith.constant 0 : i32
        %dma_start3A_93 = arith.constant 0 : i32
        %dma_start3A_94 = tpu.memref_slice %arg11[%dma_start3A_92, %dma_start3A_93] : memref<10240x128xf32, #tpu.memory_space<vmem_shared>> -> memref<10240x128xf32, #tpu.memory_space<vmem_shared>>
        tpu.enqueue_indirect_dma source(%arg9 : memref<128x128xf32, #tpu.memory_space<vmem>>) target(%dma_start3A_94 : memref<10240x128xf32, #tpu.memory_space<vmem_shared>>) offsets(%dma_start3A_91 : memref<128xi32, #tpu.memory_space<vmem>>) semaphore(%run_scoped3A : memref<!tpu.dma_semaphore, #tpu.memory_space<semaphore_mem>>) {add = true}
        %dma_wait3A_95 = arith.constant 0 : i32
        %dma_wait3A_96 = tpu.memref_slice %arg8[%mul3A_55, %dma_wait3A_95] : memref<40x128xi32, #tpu.memory_space<vmem>> -> memref<1x128xi32, #tpu.memory_space<vmem>>
        %dma_wait3A_97 = tpu.memref_squeeze %dma_wait3A_96 : memref<1x128xi32, #tpu.memory_space<vmem>> -> memref<128xi32, #tpu.memory_space<vmem>>
        %dma_wait3A_98 = arith.constant 0 : i32
        %dma_wait3A_99 = arith.constant 0 : i32
        %dma_wait3A_100 = tpu.memref_slice %arg11[%dma_wait3A_98, %dma_wait3A_99] : memref<10240x128xf32, #tpu.memory_space<vmem_shared>> -> memref<10240x128xf32, #tpu.memory_space<vmem_shared>>
        tpu.wait_indirect_dma semaphore(%run_scoped3A : memref<!tpu.dma_semaphore, #tpu.memory_space<semaphore_mem>>) src(%arg9 : memref<128x128xf32, #tpu.memory_space<vmem>>) dst(%dma_wait3A_100 : memref<10240x128xf32, #tpu.memory_space<vmem_shared>>)
        tpu.yield
      }) : () -> ()
      %dma_wait3A_77 = arith.constant 0 : i32
      %dma_wait3A_78 = tpu.memref_slice %arg7[%add3A_59, %dma_wait3A_77] : memref<40x128xi32, #tpu.memory_space<vmem>> -> memref<1x128xi32, #tpu.memory_space<vmem>>
      %dma_wait3A_79 = tpu.memref_squeeze %dma_wait3A_78 : memref<1x128xi32, #tpu.memory_space<vmem>> -> memref<128xi32, #tpu.memory_space<vmem>>
      %dma_wait3A_80 = arith.constant 0 : i32
      %dma_wait3A_81 = arith.constant 0 : i32
      %dma_wait3A_82 = tpu.memref_slice %arg2[%dma_wait3A_80, %dma_wait3A_81] : memref<10240x128xf32, #tpu.memory_space<hbm>> -> memref<10240x128xf32, #tpu.memory_space<hbm>>
      tpu.wait_indirect_dma semaphore(%arg13 : memref<!tpu.dma_semaphore, #tpu.memory_space<semaphore_mem>>) src(%dma_wait3A_82 : memref<10240x128xf32, #tpu.memory_space<hbm>>) dst(%arg10 : memref<128x128xf32, #tpu.memory_space<vmem>>)
      %dma_start3A_83 = arith.constant 0 : i32
      %dma_start3A_84 = tpu.memref_slice %arg7[%min3A_64, %dma_start3A_83] : memref<40x128xi32, #tpu.memory_space<vmem>> -> memref<1x128xi32, #tpu.memory_space<vmem>>
      %dma_start3A_85 = tpu.memref_squeeze %dma_start3A_84 : memref<1x128xi32, #tpu.memory_space<vmem>> -> memref<128xi32, #tpu.memory_space<vmem>>
      %dma_start3A_86 = arith.constant 0 : i32
      %dma_start3A_87 = arith.constant 0 : i32
      %dma_start3A_88 = tpu.memref_slice %arg2[%dma_start3A_86, %dma_start3A_87] : memref<10240x128xf32, #tpu.memory_space<hbm>> -> memref<10240x128xf32, #tpu.memory_space<hbm>>
      tpu.enqueue_indirect_dma source(%dma_start3A_88 : memref<10240x128xf32, #tpu.memory_space<hbm>>) target(%arg9 : memref<128x128xf32, #tpu.memory_space<vmem>>) offsets(%dma_start3A_85 : memref<128xi32, #tpu.memory_space<vmem>>) semaphore(%arg12 : memref<!tpu.dma_semaphore, #tpu.memory_space<semaphore_mem>>)
      "tpu.region"() ({
        %run_scoped3A = tpu.sem_alloc : memref<!tpu.dma_semaphore, #tpu.memory_space<semaphore_mem>>
        %dma_start3A_89 = arith.constant 0 : i32
        %dma_start3A_90 = tpu.memref_slice %arg8[%add3A_59, %dma_start3A_89] : memref<40x128xi32, #tpu.memory_space<vmem>> -> memref<1x128xi32, #tpu.memory_space<vmem>>
        %dma_start3A_91 = tpu.memref_squeeze %dma_start3A_90 : memref<1x128xi32, #tpu.memory_space<vmem>> -> memref<128xi32, #tpu.memory_space<vmem>>
        %dma_start3A_92 = arith.constant 0 : i32
        %dma_start3A_93 = arith.constant 0 : i32
        %dma_start3A_94 = tpu.memref_slice %arg11[%dma_start3A_92, %dma_start3A_93] : memref<10240x128xf32, #tpu.memory_space<vmem_shared>> -> memref<10240x128xf32, #tpu.memory_space<vmem_shared>>
        tpu.enqueue_indirect_dma source(%arg10 : memref<128x128xf32, #tpu.memory_space<vmem>>) target(%dma_start3A_94 : memref<10240x128xf32, #tpu.memory_space<vmem_shared>>) offsets(%dma_start3A_91 : memref<128xi32, #tpu.memory_space<vmem>>) semaphore(%run_scoped3A : memref<!tpu.dma_semaphore, #tpu.memory_space<semaphore_mem>>) {add = true}
        %dma_wait3A_95 = arith.constant 0 : i32
        %dma_wait3A_96 = tpu.memref_slice %arg8[%add3A_59, %dma_wait3A_95] : memref<40x128xi32, #tpu.memory_space<vmem>> -> memref<1x128xi32, #tpu.memory_space<vmem>>
        %dma_wait3A_97 = tpu.memref_squeeze %dma_wait3A_96 : memref<1x128xi32, #tpu.memory_space<vmem>> -> memref<128xi32, #tpu.memory_space<vmem>>
        %dma_wait3A_98 = arith.constant 0 : i32
        %dma_wait3A_99 = arith.constant 0 : i32
        %dma_wait3A_100 = tpu.memref_slice %arg11[%dma_wait3A_98, %dma_wait3A_99] : memref<10240x128xf32, #tpu.memory_space<vmem_shared>> -> memref<10240x128xf32, #tpu.memory_space<vmem_shared>>
        tpu.wait_indirect_dma semaphore(%run_scoped3A : memref<!tpu.dma_semaphore, #tpu.memory_space<semaphore_mem>>) src(%arg10 : memref<128x128xf32, #tpu.memory_space<vmem>>) dst(%dma_wait3A_100 : memref<10240x128xf32, #tpu.memory_space<vmem_shared>>)
        tpu.yield
      }) : () -> ()
    }
    %scan3A_40 = arith.constant 20 : i32
    %dma_wait3A_41 = arith.constant 39 : i32
    %dma_wait3A_42 = arith.constant 0 : i32
    %dma_wait3A_43 = tpu.memref_slice %arg7[%dma_wait3A_41, %dma_wait3A_42] : memref<40x128xi32, #tpu.memory_space<vmem>> -> memref<1x128xi32, #tpu.memory_space<vmem>>
    %dma_wait3A_44 = tpu.memref_squeeze %dma_wait3A_43 : memref<1x128xi32, #tpu.memory_space<vmem>> -> memref<128xi32, #tpu.memory_space<vmem>>
    %dma_wait3A_45 = arith.constant 0 : i32
    %dma_wait3A_46 = arith.constant 0 : i32
    %dma_wait3A_47 = tpu.memref_slice %arg2[%dma_wait3A_45, %dma_wait3A_46] : memref<10240x128xf32, #tpu.memory_space<hbm>> -> memref<10240x128xf32, #tpu.memory_space<hbm>>
    tpu.wait_indirect_dma semaphore(%arg12 : memref<!tpu.dma_semaphore, #tpu.memory_space<semaphore_mem>>) src(%dma_wait3A_47 : memref<10240x128xf32, #tpu.memory_space<hbm>>) dst(%arg9 : memref<128x128xf32, #tpu.memory_space<vmem>>)
    %barrier3A_48 = arith.constant 0 : index
    tpu.barrier barrier_id(%barrier3A_48)
    %mul3A_49 = arith.constant 640 : i32
    %mul3A_50 = arith.muli %arg1, %mul3A_49 : i32
    %mul3A_51 = arith.constant 640 : i32
    %mul3A_52 = arith.muli %arg1, %mul3A_51 : i32
    "tpu.region"() ({
      %run_scoped3A = tpu.sem_alloc : memref<!tpu.dma_semaphore, #tpu.memory_space<semaphore_mem>>
      %dma_start3A_53 = arith.constant 0 : i32
      %dma_start3A_54 = tpu.memref_slice %arg6[%arg0, %mul3A_52, %dma_start3A_53] : memref<2x10240x128xf32, #tpu.memory_space<hbm>> -> memref<1x640x128xf32, #tpu.memory_space<hbm>>
      %dma_start3A_55 = tpu.memref_squeeze %dma_start3A_54 : memref<1x640x128xf32, #tpu.memory_space<hbm>> -> memref<640x128xf32, #tpu.memory_space<hbm>>
      %dma_start3A_56 = arith.constant 0 : i32
      %dma_start3A_57 = tpu.memref_slice %arg11[%mul3A_50, %dma_start3A_56] : memref<10240x128xf32, #tpu.memory_space<vmem_shared>> -> memref<640x128xf32, #tpu.memory_space<vmem_shared>>
      tpu.enqueue_dma source(%dma_start3A_57 : memref<640x128xf32, #tpu.memory_space<vmem_shared>>) target(%dma_start3A_55 : memref<640x128xf32, #tpu.memory_space<hbm>>) target_semaphore(%run_scoped3A : memref<!tpu.dma_semaphore, #tpu.memory_space<semaphore_mem>>)
      %dma_wait3A_58 = arith.constant 0 : i32
      %dma_wait3A_59 = tpu.memref_slice %arg6[%arg0, %mul3A_52, %dma_wait3A_58] : memref<2x10240x128xf32, #tpu.memory_space<hbm>> -> memref<1x640x128xf32, #tpu.memory_space<hbm>>
      %dma_wait3A_60 = tpu.memref_squeeze %dma_wait3A_59 : memref<1x640x128xf32, #tpu.memory_space<hbm>> -> memref<640x128xf32, #tpu.memory_space<hbm>>
      %dma_wait3A_61 = arith.constant 0 : i32
      %dma_wait3A_62 = tpu.memref_slice %arg11[%mul3A_50, %dma_wait3A_61] : memref<10240x128xf32, #tpu.memory_space<vmem_shared>> -> memref<640x128xf32, #tpu.memory_space<vmem_shared>>
      tpu.wait_dma2 semaphore(%run_scoped3A : memref<!tpu.dma_semaphore, #tpu.memory_space<semaphore_mem>>) src(%dma_wait3A_62 : memref<640x128xf32, #tpu.memory_space<vmem_shared>>) dst(%dma_wait3A_60 : memref<640x128xf32, #tpu.memory_space<hbm>>)
      tpu.yield
    }) : () -> ()
    return
  }
}

module attributes {stable_mosaic.version = 14 : i64} {
  func.func @_dinv_body(%arg0: i32, %arg1: memref<2x512x1xf32, #tpu.memory_space<vmem>>, %arg2: memref<512x1xf32, #tpu.memory_space<vmem>>) attributes {dimension_semantics = [#tpu.dimension_semantics<arbitrary>], iteration_bounds = array<i64: 20>, scalar_prefetch = 0 : i64, scratch_operands = 0 : i64, tpu.core_type = #tpu.core_type<tc>, window_params = [{transform_indices = @transform_0, window_bounds = array<i64: 2, 512, 1>}, {transform_indices = @transform_1, window_bounds = array<i64: 512, 1>}]} {
    %get3A = arith.constant 0 : index
    %get3A_0 = arith.constant 0 : index
    %get3A_1 = arith.constant 0 : index
    %get3A_2 = vector.load %arg1[%get3A, %get3A_0, %get3A_1] : memref<2x512x1xf32, #tpu.memory_space<vmem>>, vector<2x512x1xf32>
    %slice3A = vector.extract_strided_slice %get3A_2 {offsets = [0, 0, 0], sizes = [1, 512, 1], strides = [1, 1, 1]} : vector<2x512x1xf32> to vector<1x512x1xf32>
    %squeeze3A = vector.shape_cast %slice3A : vector<1x512x1xf32> to vector<512x1xf32>
    %add3A = arith.constant 1.000000e+00 : f32
    %add3A_3 = vector.broadcast %add3A : f32 to vector<512x1xf32>
    %add3A_4 = arith.addf %add3A_3, %squeeze3A : vector<512x1xf32>
    %slice3A_5 = vector.extract_strided_slice %get3A_2 {offsets = [1, 0, 0], sizes = [1, 512, 1], strides = [1, 1, 1]} : vector<2x512x1xf32> to vector<1x512x1xf32>
    %squeeze3A_6 = vector.shape_cast %slice3A_5 : vector<1x512x1xf32> to vector<512x1xf32>
    %add3A_7 = arith.addf %add3A_4, %squeeze3A_6 : vector<512x1xf32>
    %rsqrt3A = math.rsqrt %add3A_7 : vector<512x1xf32>
    %swap3A = arith.constant 0 : index
    %swap3A_8 = arith.constant 0 : index
    %swap3A_9 = vector.load %arg2[%swap3A, %swap3A_8] : memref<512x1xf32, #tpu.memory_space<vmem>>, vector<512x1xf32>
    tpu.vector_store %arg2[%swap3A, %swap3A_8], %rsqrt3A {strides = array<i32>} : memref<512x1xf32, #tpu.memory_space<vmem>>, vector<512x1xf32>,
    return
  }
  func.func @transform_0(%arg0: i32) -> (i32, i32, i32) {
    %c0_i32 = arith.constant 0 : i32
    %c0_i32_0 = arith.constant 0 : i32
    %c0_i32_1 = arith.constant 0 : i32
    return %c0_i32, %arg0, %c0_i32_0 : i32, i32, i32
  }
  func.func @transform_1(%arg0: i32) -> (i32, i32) {
    %c0_i32 = arith.constant 0 : i32
    %c0_i32_0 = arith.constant 0 : i32
    return %arg0, %c0_i32 : i32, i32
  }
}

module attributes {stable_mosaic.version = 14 : i64} {
  func.func @_mm1_body(%arg0: i32, %arg1: memref<512x128xf32, #tpu.memory_space<vmem>>, %arg2: memref<128x128xf32, #tpu.memory_space<vmem>>, %arg3: memref<512x1xf32, #tpu.memory_space<vmem>>, %arg4: memref<512x128xf32, #tpu.memory_space<vmem>>) attributes {dimension_semantics = [#tpu.dimension_semantics<arbitrary>], iteration_bounds = array<i64: 20>, scalar_prefetch = 0 : i64, scratch_operands = 0 : i64, tpu.core_type = #tpu.core_type<tc>, window_params = [{transform_indices = @transform_0, window_bounds = array<i64: 512, 128>}, {pipeline_mode = #tpu.pipeline_mode<synchronous>, transform_indices = @transform_1, window_bounds = array<i64: 128, 128>}, {transform_indices = @transform_2, window_bounds = array<i64: 512, 1>}, {transform_indices = @transform_3, window_bounds = array<i64: 512, 128>}]} {
    %get3A = arith.constant 0 : index
    %get3A_0 = arith.constant 0 : index
    %get3A_1 = vector.load %arg1[%get3A, %get3A_0] : memref<512x128xf32, #tpu.memory_space<vmem>>, vector<512x128xf32>
    %get3A_2 = arith.constant 0 : index
    %get3A_3 = arith.constant 0 : index
    %get3A_4 = vector.load %arg2[%get3A_2, %get3A_3] : memref<128x128xf32, #tpu.memory_space<vmem>>, vector<128x128xf32>
    %dot_general3A = arith.constant dense<0.000000e+00> : vector<512x128xf32>
    %dot_general3A_5 = tpu.matmul %get3A_1, %get3A_4, %dot_general3A {dimension_numbers = #tpu.dot_dimension_numbers<[1], [0], [0], [1], [0, 0, 1, 1], [], []>, transpose_lhs_hint = false} : vector<512x128xf32>, vector<128x128xf32>, vector<512x128xf32> -> vector<512x128xf32>
    %get3A_6 = arith.constant 0 : index
    %get3A_7 = arith.constant 0 : index
    %get3A_8 = vector.load %arg3[%get3A_6, %get3A_7] : memref<512x1xf32, #tpu.memory_space<vmem>>, vector<512x1xf32>
    %mul3A = vector.broadcast %get3A_8 : vector<512x1xf32> to vector<512x128xf32>
    %mul3A_9 = arith.mulf %dot_general3A_5, %mul3A : vector<512x128xf32>
    %swap3A = arith.constant 0 : index
    %swap3A_10 = arith.constant 0 : index
    %swap3A_11 = vector.load %arg4[%swap3A, %swap3A_10] : memref<512x128xf32, #tpu.memory_space<vmem>>, vector<512x128xf32>
    tpu.vector_store %arg4[%swap3A, %swap3A_10], %mul3A_9 {strides = array<i32>} : memref<512x128xf32, #tpu.memory_space<vmem>>, vector<512x128xf32>,
    return
  }
  func.func @transform_0(%arg0: i32) -> (i32, i32) {
    %c0_i32 = arith.constant 0 : i32
    %c0_i32_0 = arith.constant 0 : i32
    return %arg0, %c0_i32 : i32, i32
  }
  func.func @transform_1(%arg0: i32) -> (i32, i32) {
    %c0_i32 = arith.constant 0 : i32
    %c0_i32_0 = arith.constant 0 : i32
    %c0_i32_1 = arith.constant 0 : i32
    return %c0_i32, %c0_i32_0 : i32, i32
  }
  func.func @transform_2(%arg0: i32) -> (i32, i32) {
    %c0_i32 = arith.constant 0 : i32
    %c0_i32_0 = arith.constant 0 : i32
    return %arg0, %c0_i32 : i32, i32
  }
  func.func @transform_3(%arg0: i32) -> (i32, i32) {
    %c0_i32 = arith.constant 0 : i32
    %c0_i32_0 = arith.constant 0 : i32
    return %arg0, %c0_i32 : i32, i32
  }
}

module attributes {stable_mosaic.version = 14 : i64} {
  func.func @_epi_mm_body(%arg0: i32, %arg1: memref<2x512x128xf32, #tpu.memory_space<vmem>>, %arg2: memref<512x128xf32, #tpu.memory_space<vmem>>, %arg3: memref<512x1xf32, #tpu.memory_space<vmem>>, %arg4: memref<1x128xf32, #tpu.memory_space<vmem>>, %arg5: memref<128x128xf32, #tpu.memory_space<vmem>>, %arg6: memref<512x128xf32, #tpu.memory_space<vmem>>, %arg7: memref<512x128xf32, #tpu.memory_space<vmem>>) attributes {dimension_semantics = [#tpu.dimension_semantics<arbitrary>], iteration_bounds = array<i64: 20>, scalar_prefetch = 0 : i64, scratch_operands = 0 : i64, tpu.core_type = #tpu.core_type<tc>, window_params = [{transform_indices = @transform_0, window_bounds = array<i64: 2, 512, 128>}, {transform_indices = @transform_1, window_bounds = array<i64: 512, 128>}, {transform_indices = @transform_2, window_bounds = array<i64: 512, 1>}, {pipeline_mode = #tpu.pipeline_mode<synchronous>, transform_indices = @transform_3, window_bounds = array<i64: 1, 128>}, {pipeline_mode = #tpu.pipeline_mode<synchronous>, transform_indices = @transform_4, window_bounds = array<i64: 128, 128>}, {transform_indices = @transform_5, window_bounds = array<i64: 512, 128>}, {transform_indices = @transform_6, window_bounds = array<i64: 512, 128>}]} {
    %get3A = arith.constant 0 : index
    %get3A_0 = arith.constant 0 : index
    %get3A_1 = arith.constant 0 : index
    %get3A_2 = vector.load %arg1[%get3A, %get3A_0, %get3A_1] : memref<2x512x128xf32, #tpu.memory_space<vmem>>, vector<2x512x128xf32>
    %get3A_3 = arith.constant 0 : index
    %get3A_4 = arith.constant 0 : index
    %get3A_5 = vector.load %arg3[%get3A_3, %get3A_4] : memref<512x1xf32, #tpu.memory_space<vmem>>, vector<512x1xf32>
    %slice3A = vector.extract_strided_slice %get3A_2 {offsets = [0, 0, 0], sizes = [1, 512, 128], strides = [1, 1, 1]} : vector<2x512x128xf32> to vector<1x512x128xf32>
    %squeeze3A = vector.shape_cast %slice3A : vector<1x512x128xf32> to vector<512x128xf32>
    %slice3A_6 = vector.extract_strided_slice %get3A_2 {offsets = [1, 0, 0], sizes = [1, 512, 128], strides = [1, 1, 1]} : vector<2x512x128xf32> to vector<1x512x128xf32>
    %squeeze3A_7 = vector.shape_cast %slice3A_6 : vector<1x512x128xf32> to vector<512x128xf32>
    %add3A = arith.addf %squeeze3A, %squeeze3A_7 : vector<512x128xf32>
    %get3A_8 = arith.constant 0 : index
    %get3A_9 = arith.constant 0 : index
    %get3A_10 = vector.load %arg2[%get3A_8, %get3A_9] : memref<512x128xf32, #tpu.memory_space<vmem>>, vector<512x128xf32>
    %add3A_11 = arith.addf %add3A, %get3A_10 : vector<512x128xf32>
    %mul3A = vector.broadcast %get3A_5 : vector<512x1xf32> to vector<512x128xf32>
    %mul3A_12 = arith.mulf %mul3A, %add3A_11 : vector<512x128xf32>
    %get3A_13 = arith.constant 0 : index
    %get3A_14 = arith.constant 0 : index
    %get3A_15 = vector.load %arg4[%get3A_13, %get3A_14] : memref<1x128xf32, #tpu.memory_space<vmem>>, vector<1x128xf32>
    %add3A_16 = vector.broadcast %get3A_15 : vector<1x128xf32> to vector<512x128xf32>
    %add3A_17 = arith.addf %mul3A_12, %add3A_16 : vector<512x128xf32>
    %max3A = arith.constant 0.000000e+00 : f32
    %max3A_18 = vector.broadcast %max3A : f32 to vector<512x128xf32>
    %max3A_19 = arith.maximumf %add3A_17, %max3A_18 : vector<512x128xf32>
    %swap3A = arith.constant 0 : index
    %swap3A_20 = arith.constant 0 : index
    %swap3A_21 = vector.load %arg6[%swap3A, %swap3A_20] : memref<512x128xf32, #tpu.memory_space<vmem>>, vector<512x128xf32>
    tpu.vector_store %arg6[%swap3A, %swap3A_20], %max3A_19 {strides = array<i32>} : memref<512x128xf32, #tpu.memory_space<vmem>>, vector<512x128xf32>,
    %get3A_22 = arith.constant 0 : index
    %get3A_23 = arith.constant 0 : index
    %get3A_24 = vector.load %arg5[%get3A_22, %get3A_23] : memref<128x128xf32, #tpu.memory_space<vmem>>, vector<128x128xf32>
    %dot_general3A = arith.constant dense<0.000000e+00> : vector<512x128xf32>
    %dot_general3A_25 = tpu.matmul %max3A_19, %get3A_24, %dot_general3A {dimension_numbers = #tpu.dot_dimension_numbers<[1], [0], [0], [1], [0, 0, 1, 1], [], []>, transpose_lhs_hint = false} : vector<512x128xf32>, vector<128x128xf32>, vector<512x128xf32> -> vector<512x128xf32>
    %get3A_26 = arith.constant 0 : index
    %get3A_27 = arith.constant 0 : index
    %get3A_28 = vector.load %arg3[%get3A_26, %get3A_27] : memref<512x1xf32, #tpu.memory_space<vmem>>, vector<512x1xf32>
    %mul3A_29 = vector.broadcast %get3A_28 : vector<512x1xf32> to vector<512x128xf32>
    %mul3A_30 = arith.mulf %dot_general3A_25, %mul3A_29 : vector<512x128xf32>
    %swap3A_31 = arith.constant 0 : index
    %swap3A_32 = arith.constant 0 : index
    %swap3A_33 = vector.load %arg7[%swap3A_31, %swap3A_32] : memref<512x128xf32, #tpu.memory_space<vmem>>, vector<512x128xf32>
    tpu.vector_store %arg7[%swap3A_31, %swap3A_32], %mul3A_30 {strides = array<i32>} : memref<512x128xf32, #tpu.memory_space<vmem>>, vector<512x128xf32>,
    return
  }
  func.func @transform_0(%arg0: i32) -> (i32, i32, i32) {
    %c0_i32 = arith.constant 0 : i32
    %c0_i32_0 = arith.constant 0 : i32
    %c0_i32_1 = arith.constant 0 : i32
    return %c0_i32, %arg0, %c0_i32_0 : i32, i32, i32
  }
  func.func @transform_1(%arg0: i32) -> (i32, i32) {
    %c0_i32 = arith.constant 0 : i32
    %c0_i32_0 = arith.constant 0 : i32
    return %arg0, %c0_i32 : i32, i32
  }
  func.func @transform_2(%arg0: i32) -> (i32, i32) {
    %c0_i32 = arith.constant 0 : i32
    %c0_i32_0 = arith.constant 0 : i32
    return %arg0, %c0_i32 : i32, i32
  }
  func.func @transform_3(%arg0: i32) -> (i32, i32) {
    %c0_i32 = arith.constant 0 : i32
    %c0_i32_0 = arith.constant 0 : i32
    %c0_i32_1 = arith.constant 0 : i32
    return %c0_i32, %c0_i32_0 : i32, i32
  }
  func.func @transform_4(%arg0: i32) -> (i32, i32) {
    %c0_i32 = arith.constant 0 : i32
    %c0_i32_0 = arith.constant 0 : i32
    %c0_i32_1 = arith.constant 0 : i32
    return %c0_i32, %c0_i32_0 : i32, i32
  }
  func.func @transform_5(%arg0: i32) -> (i32, i32) {
    %c0_i32 = arith.constant 0 : i32
    %c0_i32_0 = arith.constant 0 : i32
    return %arg0, %c0_i32 : i32, i32
  }
  func.func @transform_6(%arg0: i32) -> (i32, i32) {
    %c0_i32 = arith.constant 0 : i32
    %c0_i32_0 = arith.constant 0 : i32
    return %arg0, %c0_i32 : i32, i32
  }
}

module attributes {stable_mosaic.version = 14 : i64} {
  func.func @_epi_mm2_body(%arg0: i32, %arg1: memref<2x512x128xf32, #tpu.memory_space<vmem>>, %arg2: memref<512x128xf32, #tpu.memory_space<vmem>>, %arg3: memref<512x1xf32, #tpu.memory_space<vmem>>, %arg4: memref<1x128xf32, #tpu.memory_space<vmem>>, %arg5: memref<512x128xf32, #tpu.memory_space<vmem>>, %arg6: memref<128x128xf32, #tpu.memory_space<vmem>>, %arg7: memref<128x128xf32, #tpu.memory_space<vmem>>, %arg8: memref<512x128xf32, #tpu.memory_space<vmem>>, %arg9: memref<512x128xf32, #tpu.memory_space<vmem>>) attributes {dimension_semantics = [#tpu.dimension_semantics<arbitrary>], iteration_bounds = array<i64: 20>, scalar_prefetch = 0 : i64, scratch_operands = 0 : i64, tpu.core_type = #tpu.core_type<tc>, window_params = [{transform_indices = @transform_0, window_bounds = array<i64: 2, 512, 128>}, {transform_indices = @transform_1, window_bounds = array<i64: 512, 128>}, {transform_indices = @transform_2, window_bounds = array<i64: 512, 1>}, {pipeline_mode = #tpu.pipeline_mode<synchronous>, transform_indices = @transform_3, window_bounds = array<i64: 1, 128>}, {transform_indices = @transform_4, window_bounds = array<i64: 512, 128>}, {pipeline_mode = #tpu.pipeline_mode<synchronous>, transform_indices = @transform_5, window_bounds = array<i64: 128, 128>}, {pipeline_mode = #tpu.pipeline_mode<synchronous>, transform_indices = @transform_6, window_bounds = array<i64: 128, 128>}, {transform_indices = @transform_7, window_bounds = array<i64: 512, 128>}, {transform_indices = @transform_8, window_bounds = array<i64: 512, 128>}]} {
    %get3A = arith.constant 0 : index
    %get3A_0 = arith.constant 0 : index
    %get3A_1 = arith.constant 0 : index
    %get3A_2 = vector.load %arg1[%get3A, %get3A_0, %get3A_1] : memref<2x512x128xf32, #tpu.memory_space<vmem>>, vector<2x512x128xf32>
    %get3A_3 = arith.constant 0 : index
    %get3A_4 = arith.constant 0 : index
    %get3A_5 = vector.load %arg3[%get3A_3, %get3A_4] : memref<512x1xf32, #tpu.memory_space<vmem>>, vector<512x1xf32>
    %slice3A = vector.extract_strided_slice %get3A_2 {offsets = [0, 0, 0], sizes = [1, 512, 128], strides = [1, 1, 1]} : vector<2x512x128xf32> to vector<1x512x128xf32>
    %squeeze3A = vector.shape_cast %slice3A : vector<1x512x128xf32> to vector<512x128xf32>
    %slice3A_6 = vector.extract_strided_slice %get3A_2 {offsets = [1, 0, 0], sizes = [1, 512, 128], strides = [1, 1, 1]} : vector<2x512x128xf32> to vector<1x512x128xf32>
    %squeeze3A_7 = vector.shape_cast %slice3A_6 : vector<1x512x128xf32> to vector<512x128xf32>
    %add3A = arith.addf %squeeze3A, %squeeze3A_7 : vector<512x128xf32>
    %get3A_8 = arith.constant 0 : index
    %get3A_9 = arith.constant 0 : index
    %get3A_10 = vector.load %arg2[%get3A_8, %get3A_9] : memref<512x128xf32, #tpu.memory_space<vmem>>, vector<512x128xf32>
    %add3A_11 = arith.addf %add3A, %get3A_10 : vector<512x128xf32>
    %mul3A = vector.broadcast %get3A_5 : vector<512x1xf32> to vector<512x128xf32>
    %mul3A_12 = arith.mulf %mul3A, %add3A_11 : vector<512x128xf32>
    %get3A_13 = arith.constant 0 : index
    %get3A_14 = arith.constant 0 : index
    %get3A_15 = vector.load %arg4[%get3A_13, %get3A_14] : memref<1x128xf32, #tpu.memory_space<vmem>>, vector<1x128xf32>
    %add3A_16 = vector.broadcast %get3A_15 : vector<1x128xf32> to vector<512x128xf32>
    %add3A_17 = arith.addf %mul3A_12, %add3A_16 : vector<512x128xf32>
    %max3A = arith.constant 0.000000e+00 : f32
    %max3A_18 = vector.broadcast %max3A : f32 to vector<512x128xf32>
    %max3A_19 = arith.maximumf %add3A_17, %max3A_18 : vector<512x128xf32>
    %swap3A = arith.constant 0 : index
    %swap3A_20 = arith.constant 0 : index
    %swap3A_21 = vector.load %arg8[%swap3A, %swap3A_20] : memref<512x128xf32, #tpu.memory_space<vmem>>, vector<512x128xf32>
    tpu.vector_store %arg8[%swap3A, %swap3A_20], %max3A_19 {strides = array<i32>} : memref<512x128xf32, #tpu.memory_space<vmem>>, vector<512x128xf32>,
    %get3A_22 = arith.constant 0 : index
    %get3A_23 = arith.constant 0 : index
    %get3A_24 = vector.load %arg5[%get3A_22, %get3A_23] : memref<512x128xf32, #tpu.memory_space<vmem>>, vector<512x128xf32>
    %get3A_25 = arith.constant 0 : index
    %get3A_26 = arith.constant 0 : index
    %get3A_27 = vector.load %arg6[%get3A_25, %get3A_26] : memref<128x128xf32, #tpu.memory_space<vmem>>, vector<128x128xf32>
    %dot_general3A = arith.constant dense<0.000000e+00> : vector<512x128xf32>
    %dot_general3A_28 = tpu.matmul %get3A_24, %get3A_27, %dot_general3A {dimension_numbers = #tpu.dot_dimension_numbers<[1], [0], [0], [1], [0, 0, 1, 1], [], []>, transpose_lhs_hint = false} : vector<512x128xf32>, vector<128x128xf32>, vector<512x128xf32> -> vector<512x128xf32>
    %get3A_29 = arith.constant 0 : index
    %get3A_30 = arith.constant 0 : index
    %get3A_31 = vector.load %arg7[%get3A_29, %get3A_30] : memref<128x128xf32, #tpu.memory_space<vmem>>, vector<128x128xf32>
    %dot_general3A_32 = arith.constant dense<0.000000e+00> : vector<512x128xf32>
    %dot_general3A_33 = tpu.matmul %max3A_19, %get3A_31, %dot_general3A_32 {dimension_numbers = #tpu.dot_dimension_numbers<[1], [0], [0], [1], [0, 0, 1, 1], [], []>, transpose_lhs_hint = false} : vector<512x128xf32>, vector<128x128xf32>, vector<512x128xf32> -> vector<512x128xf32>
    %add3A_34 = arith.addf %dot_general3A_28, %dot_general3A_33 : vector<512x128xf32>
    %get3A_35 = arith.constant 0 : index
    %get3A_36 = arith.constant 0 : index
    %get3A_37 = vector.load %arg3[%get3A_35, %get3A_36] : memref<512x1xf32, #tpu.memory_space<vmem>>, vector<512x1xf32>
    %mul3A_38 = vector.broadcast %get3A_37 : vector<512x1xf32> to vector<512x128xf32>
    %mul3A_39 = arith.mulf %add3A_34, %mul3A_38 : vector<512x128xf32>
    %swap3A_40 = arith.constant 0 : index
    %swap3A_41 = arith.constant 0 : index
    %swap3A_42 = vector.load %arg9[%swap3A_40, %swap3A_41] : memref<512x128xf32, #tpu.memory_space<vmem>>, vector<512x128xf32>
    tpu.vector_store %arg9[%swap3A_40, %swap3A_41], %mul3A_39 {strides = array<i32>} : memref<512x128xf32, #tpu.memory_space<vmem>>, vector<512x128xf32>,
    return
  }
  func.func @transform_0(%arg0: i32) -> (i32, i32, i32) {
    %c0_i32 = arith.constant 0 : i32
    %c0_i32_0 = arith.constant 0 : i32
    %c0_i32_1 = arith.constant 0 : i32
    return %c0_i32, %arg0, %c0_i32_0 : i32, i32, i32
  }
  func.func @transform_1(%arg0: i32) -> (i32, i32) {
    %c0_i32 = arith.constant 0 : i32
    %c0_i32_0 = arith.constant 0 : i32
    return %arg0, %c0_i32 : i32, i32
  }
  func.func @transform_2(%arg0: i32) -> (i32, i32) {
    %c0_i32 = arith.constant 0 : i32
    %c0_i32_0 = arith.constant 0 : i32
    return %arg0, %c0_i32 : i32, i32
  }
  func.func @transform_3(%arg0: i32) -> (i32, i32) {
    %c0_i32 = arith.constant 0 : i32
    %c0_i32_0 = arith.constant 0 : i32
    %c0_i32_1 = arith.constant 0 : i32
    return %c0_i32, %c0_i32_0 : i32, i32
  }
  func.func @transform_4(%arg0: i32) -> (i32, i32) {
    %c0_i32 = arith.constant 0 : i32
    %c0_i32_0 = arith.constant 0 : i32
    return %arg0, %c0_i32 : i32, i32
  }
  func.func @transform_5(%arg0: i32) -> (i32, i32) {
    %c0_i32 = arith.constant 0 : i32
    %c0_i32_0 = arith.constant 0 : i32
    %c0_i32_1 = arith.constant 0 : i32
    return %c0_i32, %c0_i32_0 : i32, i32
  }
  func.func @transform_6(%arg0: i32) -> (i32, i32) {
    %c0_i32 = arith.constant 0 : i32
    %c0_i32_0 = arith.constant 0 : i32
    %c0_i32_1 = arith.constant 0 : i32
    return %c0_i32, %c0_i32_0 : i32, i32
  }
  func.func @transform_7(%arg0: i32) -> (i32, i32) {
    %c0_i32 = arith.constant 0 : i32
    %c0_i32_0 = arith.constant 0 : i32
    return %arg0, %c0_i32 : i32, i32
  }
  func.func @transform_8(%arg0: i32) -> (i32, i32) {
    %c0_i32 = arith.constant 0 : i32
    %c0_i32_0 = arith.constant 0 : i32
    return %arg0, %c0_i32 : i32, i32
  }
}

module attributes {stable_mosaic.version = 14 : i64} {
  func.func @_head_body(%arg0: i32, %arg1: memref<2x512x128xf32, #tpu.memory_space<vmem>>, %arg2: memref<512x128xf32, #tpu.memory_space<vmem>>, %arg3: memref<512x1xf32, #tpu.memory_space<vmem>>, %arg4: memref<1x128xf32, #tpu.memory_space<vmem>>, %arg5: memref<512x128xf32, #tpu.memory_space<vmem>>, %arg6: memref<512x128xf32, #tpu.memory_space<vmem>>, %arg7: memref<128x256xf32, #tpu.memory_space<vmem>>, %arg8: memref<128x256xf32, #tpu.memory_space<vmem>>, %arg9: memref<128x256xf32, #tpu.memory_space<vmem>>, %arg10: memref<1x256xf32, #tpu.memory_space<vmem>>, %arg11: memref<256x128xf32, #tpu.memory_space<vmem>>, %arg12: memref<1x128xf32, #tpu.memory_space<vmem>>, %arg13: memref<512x1xi32, #tpu.memory_space<vmem>>, %arg14: memref<128x128xf32, #tpu.memory_space<vmem>>, %arg15: memref<128x128xf32, #tpu.memory_space<vmem>>) attributes {dimension_semantics = [#tpu.dimension_semantics<arbitrary>], iteration_bounds = array<i64: 20>, scalar_prefetch = 0 : i64, scratch_operands = 0 : i64, tpu.core_type = #tpu.core_type<tc>, window_params = [{transform_indices = @transform_0, window_bounds = array<i64: 2, 512, 128>}, {transform_indices = @transform_1, window_bounds = array<i64: 512, 128>}, {transform_indices = @transform_2, window_bounds = array<i64: 512, 1>}, {pipeline_mode = #tpu.pipeline_mode<synchronous>, transform_indices = @transform_3, window_bounds = array<i64: 1, 128>}, {transform_indices = @transform_4, window_bounds = array<i64: 512, 128>}, {transform_indices = @transform_5, window_bounds = array<i64: 512, 128>}, {pipeline_mode = #tpu.pipeline_mode<synchronous>, transform_indices = @transform_6, window_bounds = array<i64: 128, 256>}, {pipeline_mode = #tpu.pipeline_mode<synchronous>, transform_indices = @transform_7, window_bounds = array<i64: 128, 256>}, {pipeline_mode = #tpu.pipeline_mode<synchronous>, transform_indices = @transform_8, window_bounds = array<i64: 128, 256>}, {pipeline_mode = #tpu.pipeline_mode<synchronous>, transform_indices = @transform_9, window_bounds = array<i64: 1, 256>}, {pipeline_mode = #tpu.pipeline_mode<synchronous>, transform_indices = @transform_10, window_bounds = array<i64: 256, 128>}, {pipeline_mode = #tpu.pipeline_mode<synchronous>, transform_indices = @transform_11, window_bounds = array<i64: 1, 128>}, {transform_indices = @transform_12, window_bounds = array<i64: 512, 1>}, {pipeline_mode = #tpu.pipeline_mode<synchronous>, transform_indices = @transform_13, window_bounds = array<i64: 128, 128>}, {pipeline_mode = #tpu.pipeline_mode<synchronous>, transform_indices = @transform_14, window_bounds = array<i64: 128, 128>}]} {
    %get3A = arith.constant 0 : index
    %get3A_0 = arith.constant 0 : index
    %get3A_1 = arith.constant 0 : index
    %get3A_2 = vector.load %arg1[%get3A, %get3A_0, %get3A_1] : memref<2x512x128xf32, #tpu.memory_space<vmem>>, vector<2x512x128xf32>
    %get3A_3 = arith.constant 0 : index
    %get3A_4 = arith.constant 0 : index
    %get3A_5 = vector.load %arg3[%get3A_3, %get3A_4] : memref<512x1xf32, #tpu.memory_space<vmem>>, vector<512x1xf32>
    %slice3A = vector.extract_strided_slice %get3A_2 {offsets = [0, 0, 0], sizes = [1, 512, 128], strides = [1, 1, 1]} : vector<2x512x128xf32> to vector<1x512x128xf32>
    %squeeze3A = vector.shape_cast %slice3A : vector<1x512x128xf32> to vector<512x128xf32>
    %slice3A_6 = vector.extract_strided_slice %get3A_2 {offsets = [1, 0, 0], sizes = [1, 512, 128], strides = [1, 1, 1]} : vector<2x512x128xf32> to vector<1x512x128xf32>
    %squeeze3A_7 = vector.shape_cast %slice3A_6 : vector<1x512x128xf32> to vector<512x128xf32>
    %add3A = arith.addf %squeeze3A, %squeeze3A_7 : vector<512x128xf32>
    %get3A_8 = arith.constant 0 : index
    %get3A_9 = arith.constant 0 : index
    %get3A_10 = vector.load %arg2[%get3A_8, %get3A_9] : memref<512x128xf32, #tpu.memory_space<vmem>>, vector<512x128xf32>
    %add3A_11 = arith.addf %add3A, %get3A_10 : vector<512x128xf32>
    %mul3A = vector.broadcast %get3A_5 : vector<512x1xf32> to vector<512x128xf32>
    %mul3A_12 = arith.mulf %mul3A, %add3A_11 : vector<512x128xf32>
    %get3A_13 = arith.constant 0 : index
    %get3A_14 = arith.constant 0 : index
    %get3A_15 = vector.load %arg4[%get3A_13, %get3A_14] : memref<1x128xf32, #tpu.memory_space<vmem>>, vector<1x128xf32>
    %add3A_16 = vector.broadcast %get3A_15 : vector<1x128xf32> to vector<512x128xf32>
    %add3A_17 = arith.addf %mul3A_12, %add3A_16 : vector<512x128xf32>
    %max3A = arith.constant 0.000000e+00 : f32
    %max3A_18 = vector.broadcast %max3A : f32 to vector<512x128xf32>
    %max3A_19 = arith.maximumf %add3A_17, %max3A_18 : vector<512x128xf32>
    %get3A_20 = arith.constant 0 : index
    %get3A_21 = arith.constant 0 : index
    %get3A_22 = vector.load %arg5[%get3A_20, %get3A_21] : memref<512x128xf32, #tpu.memory_space<vmem>>, vector<512x128xf32>
    %get3A_23 = arith.constant 0 : index
    %get3A_24 = arith.constant 0 : index
    %get3A_25 = vector.load %arg7[%get3A_23, %get3A_24] : memref<128x256xf32, #tpu.memory_space<vmem>>, vector<128x256xf32>
    %dot_general3A = arith.constant dense<0.000000e+00> : vector<512x256xf32>
    %dot_general3A_26 = tpu.matmul %get3A_22, %get3A_25, %dot_general3A {dimension_numbers = #tpu.dot_dimension_numbers<[1], [0], [0], [1], [0, 0, 1, 1], [], []>, transpose_lhs_hint = false} : vector<512x128xf32>, vector<128x256xf32>, vector<512x256xf32> -> vector<512x256xf32>
    %get3A_27 = arith.constant 0 : index
    %get3A_28 = arith.constant 0 : index
    %get3A_29 = vector.load %arg6[%get3A_27, %get3A_28] : memref<512x128xf32, #tpu.memory_space<vmem>>, vector<512x128xf32>
    %get3A_30 = arith.constant 0 : index
    %get3A_31 = arith.constant 0 : index
    %get3A_32 = vector.load %arg8[%get3A_30, %get3A_31] : memref<128x256xf32, #tpu.memory_space<vmem>>, vector<128x256xf32>
    %dot_general3A_33 = arith.constant dense<0.000000e+00> : vector<512x256xf32>
    %dot_general3A_34 = tpu.matmul %get3A_29, %get3A_32, %dot_general3A_33 {dimension_numbers = #tpu.dot_dimension_numbers<[1], [0], [0], [1], [0, 0, 1, 1], [], []>, transpose_lhs_hint = false} : vector<512x128xf32>, vector<128x256xf32>, vector<512x256xf32> -> vector<512x256xf32>
    %add3A_35 = arith.addf %dot_general3A_26, %dot_general3A_34 : vector<512x256xf32>
    %get3A_36 = arith.constant 0 : index
    %get3A_37 = arith.constant 0 : index
    %get3A_38 = vector.load %arg9[%get3A_36, %get3A_37] : memref<128x256xf32, #tpu.memory_space<vmem>>, vector<128x256xf32>
    %dot_general3A_39 = arith.constant dense<0.000000e+00> : vector<512x256xf32>
    %dot_general3A_40 = tpu.matmul %max3A_19, %get3A_38, %dot_general3A_39 {dimension_numbers = #tpu.dot_dimension_numbers<[1], [0], [0], [1], [0, 0, 1, 1], [], []>, transpose_lhs_hint = false} : vector<512x128xf32>, vector<128x256xf32>, vector<512x256xf32> -> vector<512x256xf32>
    %add3A_41 = arith.addf %add3A_35, %dot_general3A_40 : vector<512x256xf32>
    %get3A_42 = arith.constant 0 : index
    %get3A_43 = arith.constant 0 : index
    %get3A_44 = vector.load %arg10[%get3A_42, %get3A_43] : memref<1x256xf32, #tpu.memory_space<vmem>>, vector<1x256xf32>
    %add3A_45 = vector.broadcast %get3A_44 : vector<1x256xf32> to vector<512x256xf32>
    %add3A_46 = arith.addf %add3A_41, %add3A_45 : vector<512x256xf32>
    %max3A_47 = arith.constant 0.000000e+00 : f32
    %max3A_48 = vector.broadcast %max3A_47 : f32 to vector<512x256xf32>
    %max3A_49 = arith.maximumf %add3A_46, %max3A_48 : vector<512x256xf32>
    %get3A_50 = arith.constant 0 : index
    %get3A_51 = arith.constant 0 : index
    %get3A_52 = vector.load %arg11[%get3A_50, %get3A_51] : memref<256x128xf32, #tpu.memory_space<vmem>>, vector<256x128xf32>
    %dot_general3A_53 = arith.constant dense<0.000000e+00> : vector<512x128xf32>
    %dot_general3A_54 = tpu.matmul %max3A_49, %get3A_52, %dot_general3A_53 {dimension_numbers = #tpu.dot_dimension_numbers<[1], [0], [0], [1], [0, 0, 1, 1], [], []>, transpose_lhs_hint = false} : vector<512x256xf32>, vector<256x128xf32>, vector<512x128xf32> -> vector<512x128xf32>
    %get3A_55 = arith.constant 0 : index
    %get3A_56 = arith.constant 0 : index
    %get3A_57 = vector.load %arg12[%get3A_55, %get3A_56] : memref<1x128xf32, #tpu.memory_space<vmem>>, vector<1x128xf32>
    %add3A_58 = vector.broadcast %get3A_57 : vector<1x128xf32> to vector<512x128xf32>
    %add3A_59 = arith.addf %dot_general3A_54, %add3A_58 : vector<512x128xf32>
    %max3A_60 = arith.constant 0.000000e+00 : f32
    %max3A_61 = vector.broadcast %max3A_60 : f32 to vector<512x128xf32>
    %max3A_62 = arith.maximumf %add3A_59, %max3A_61 : vector<512x128xf32>
    %iota3A = tpu.iota {dimensions = array<i32: 1>} : vector<512x128xi32>
    %get3A_63 = arith.constant 0 : index
    %get3A_64 = arith.constant 0 : index
    %get3A_65 = vector.load %arg13[%get3A_63, %get3A_64] : memref<512x1xi32, #tpu.memory_space<vmem>>, vector<512x1xi32>
    %eq3A = vector.broadcast %get3A_65 : vector<512x1xi32> to vector<512x128xi32>
    %eq3A_66 = arith.cmpi eq, %eq3A, %iota3A : vector<512x128xi32>
    %convert_element_type3A = arith.extui %eq3A_66 : vector<512x128xi1> to vector<512x128xi32>
    %convert_element_type3A_67 = arith.sitofp %convert_element_type3A : vector<512x128xi32> to vector<512x128xf32>
    %dot_general3A_68 = arith.constant dense<0.000000e+00> : vector<128x128xf32>
    %dot_general3A_69 = tpu.matmul %convert_element_type3A_67, %max3A_62, %dot_general3A_68 {dimension_numbers = #tpu.dot_dimension_numbers<[0], [0], [1], [1], [0, 1, 1, 1], [], []>, transpose_lhs_hint = false} : vector<512x128xf32>, vector<512x128xf32>, vector<128x128xf32> -> vector<128x128xf32>
    %broadcast_in_dim3A = arith.constant 1.000000e+00 : f32
    %broadcast_in_dim3A_70 = vector.broadcast %broadcast_in_dim3A : f32 to vector<512x128xf32>
    %dot_general3A_71 = arith.constant dense<0.000000e+00> : vector<128x128xf32>
    %dot_general3A_72 = tpu.matmul %convert_element_type3A_67, %broadcast_in_dim3A_70, %dot_general3A_71 {dimension_numbers = #tpu.dot_dimension_numbers<[0], [0], [1], [1], [0, 1, 1, 1], [], []>, transpose_lhs_hint = false} : vector<512x128xf32>, vector<512x128xf32>, vector<128x128xf32> -> vector<128x128xf32>
    %eq3A_73 = arith.constant 0 : i32
    %eq3A_74 = arith.cmpi eq, %arg0, %eq3A_73 : i32
    %convert_element_type3A_75 = arith.extui %eq3A_74 : i1 to i32
    %cond3A = arith.constant 0 : i32
    %cond3A_76 = arith.cmpi ne, %convert_element_type3A_75, %cond3A : i32
    scf.if %cond3A_76 {
      %broadcast_in_dim3A_90 = arith.constant 0.000000e+00 : f32
      %broadcast_in_dim3A_91 = vector.broadcast %broadcast_in_dim3A_90 : f32 to vector<128x128xf32>
      %swap3A_92 = arith.constant 0 : index
      %swap3A_93 = arith.constant 0 : index
      %swap3A_94 = vector.load %arg14[%swap3A_92, %swap3A_93] : memref<128x128xf32, #tpu.memory_space<vmem>>, vector<128x128xf32>
      tpu.vector_store %arg14[%swap3A_92, %swap3A_93], %broadcast_in_dim3A_91 {strides = array<i32>} : memref<128x128xf32, #tpu.memory_space<vmem>>, vector<128x128xf32>,
      %broadcast_in_dim3A_95 = arith.constant 0.000000e+00 : f32
      %broadcast_in_dim3A_96 = vector.broadcast %broadcast_in_dim3A_95 : f32 to vector<128x128xf32>
      %swap3A_97 = arith.constant 0 : index
      %swap3A_98 = arith.constant 0 : index
      %swap3A_99 = vector.load %arg15[%swap3A_97, %swap3A_98] : memref<128x128xf32, #tpu.memory_space<vmem>>, vector<128x128xf32>
      tpu.vector_store %arg15[%swap3A_97, %swap3A_98], %broadcast_in_dim3A_96 {strides = array<i32>} : memref<128x128xf32, #tpu.memory_space<vmem>>, vector<128x128xf32>,
    } else {
    }
    %get3A_77 = arith.constant 0 : index
    %get3A_78 = arith.constant 0 : index
    %get3A_79 = vector.load %arg14[%get3A_77, %get3A_78] : memref<128x128xf32, #tpu.memory_space<vmem>>, vector<128x128xf32>
    %add3A_80 = arith.addf %get3A_79, %dot_general3A_69 : vector<128x128xf32>
    %swap3A = arith.constant 0 : index
    %swap3A_81 = arith.constant 0 : index
    %swap3A_82 = vector.load %arg14[%swap3A, %swap3A_81] : memref<128x128xf32, #tpu.memory_space<vmem>>, vector<128x128xf32>
    tpu.vector_store %arg14[%swap3A, %swap3A_81], %add3A_80 {strides = array<i32>} : memref<128x128xf32, #tpu.memory_space<vmem>>, vector<128x128xf32>,
    %get3A_83 = arith.constant 0 : index
    %get3A_84 = arith.constant 0 : index
    %get3A_85 = vector.load %arg15[%get3A_83, %get3A_84] : memref<128x128xf32, #tpu.memory_space<vmem>>, vector<128x128xf32>
    %add3A_86 = arith.addf %get3A_85, %dot_general3A_72 : vector<128x128xf32>
    %swap3A_87 = arith.constant 0 : index
    %swap3A_88 = arith.constant 0 : index
    %swap3A_89 = vector.load %arg15[%swap3A_87, %swap3A_88] : memref<128x128xf32, #tpu.memory_space<vmem>>, vector<128x128xf32>
    tpu.vector_store %arg15[%swap3A_87, %swap3A_88], %add3A_86 {strides = array<i32>} : memref<128x128xf32, #tpu.memory_space<vmem>>, vector<128x128xf32>,
    return
  }
  func.func @transform_0(%arg0: i32) -> (i32, i32, i32) {
    %c0_i32 = arith.constant 0 : i32
    %c0_i32_0 = arith.constant 0 : i32
    %c0_i32_1 = arith.constant 0 : i32
    return %c0_i32, %arg0, %c0_i32_0 : i32, i32, i32
  }
  func.func @transform_1(%arg0: i32) -> (i32, i32) {
    %c0_i32 = arith.constant 0 : i32
    %c0_i32_0 = arith.constant 0 : i32
    return %arg0, %c0_i32 : i32, i32
  }
  func.func @transform_2(%arg0: i32) -> (i32, i32) {
    %c0_i32 = arith.constant 0 : i32
    %c0_i32_0 = arith.constant 0 : i32
    return %arg0, %c0_i32 : i32, i32
  }
  func.func @transform_3(%arg0: i32) -> (i32, i32) {
    %c0_i32 = arith.constant 0 : i32
    %c0_i32_0 = arith.constant 0 : i32
    %c0_i32_1 = arith.constant 0 : i32
    return %c0_i32, %c0_i32_0 : i32, i32
  }
  func.func @transform_4(%arg0: i32) -> (i32, i32) {
    %c0_i32 = arith.constant 0 : i32
    %c0_i32_0 = arith.constant 0 : i32
    return %arg0, %c0_i32 : i32, i32
  }
  func.func @transform_5(%arg0: i32) -> (i32, i32) {
    %c0_i32 = arith.constant 0 : i32
    %c0_i32_0 = arith.constant 0 : i32
    return %arg0, %c0_i32 : i32, i32
  }
  func.func @transform_6(%arg0: i32) -> (i32, i32) {
    %c0_i32 = arith.constant 0 : i32
    %c0_i32_0 = arith.constant 0 : i32
    %c0_i32_1 = arith.constant 0 : i32
    return %c0_i32, %c0_i32_0 : i32, i32
  }
  func.func @transform_7(%arg0: i32) -> (i32, i32) {
    %c0_i32 = arith.constant 0 : i32
    %c0_i32_0 = arith.constant 0 : i32
    %c0_i32_1 = arith.constant 0 : i32
    return %c0_i32, %c0_i32_0 : i32, i32
  }
  func.func @transform_8(%arg0: i32) -> (i32, i32) {
    %c0_i32 = arith.constant 0 : i32
    %c0_i32_0 = arith.constant 0 : i32
    %c0_i32_1 = arith.constant 0 : i32
    return %c0_i32, %c0_i32_0 : i32, i32
  }
  func.func @transform_9(%arg0: i32) -> (i32, i32) {
    %c0_i32 = arith.constant 0 : i32
    %c0_i32_0 = arith.constant 0 : i32
    %c0_i32_1 = arith.constant 0 : i32
    return %c0_i32, %c0_i32_0 : i32, i32
  }
  func.func @transform_10(%arg0: i32) -> (i32, i32) {
    %c0_i32 = arith.constant 0 : i32
    %c0_i32_0 = arith.constant 0 : i32
    %c0_i32_1 = arith.constant 0 : i32
    return %c0_i32, %c0_i32_0 : i32, i32
  }
  func.func @transform_11(%arg0: i32) -> (i32, i32) {
    %c0_i32 = arith.constant 0 : i32
    %c0_i32_0 = arith.constant 0 : i32
    %c0_i32_1 = arith.constant 0 : i32
    return %c0_i32, %c0_i32_0 : i32, i32
  }
  func.func @transform_12(%arg0: i32) -> (i32, i32) {
    %c0_i32 = arith.constant 0 : i32
    %c0_i32_0 = arith.constant 0 : i32
    return %arg0, %c0_i32 : i32, i32
  }
  func.func @transform_13(%arg0: i32) -> (i32, i32) {
    %c0_i32 = arith.constant 0 : i32
    %c0_i32_0 = arith.constant 0 : i32
    %c0_i32_1 = arith.constant 0 : i32
    return %c0_i32, %c0_i32_0 : i32, i32
  }
  func.func @transform_14(%arg0: i32) -> (i32, i32) {
    %c0_i32 = arith.constant 0 : i32
    %c0_i32_0 = arith.constant 0 : i32
    %c0_i32_1 = arith.constant 0 : i32
    return %c0_i32, %c0_i32_0 : i32, i32
  }
}

module attributes {stable_mosaic.version = 14 : i64} {
  func.func @_decoder_body(%arg0: i32, %arg1: memref<128x128xf32, #tpu.memory_space<vmem>>, %arg2: memref<128x128xf32, #tpu.memory_space<vmem>>, %arg3: memref<128x128xf32, #tpu.memory_space<vmem>>, %arg4: memref<1x128xf32, #tpu.memory_space<vmem>>, %arg5: memref<128x128xf32, #tpu.memory_space<vmem>>, %arg6: memref<1x128xf32, #tpu.memory_space<vmem>>, %arg7: memref<128x128xf32, #tpu.memory_space<vmem>>) attributes {dimension_semantics = [#tpu.dimension_semantics<arbitrary>], iteration_bounds = array<i64: 1>, scalar_prefetch = 0 : i64, scratch_operands = 0 : i64, tpu.core_type = #tpu.core_type<tc>, window_params = [{pipeline_mode = #tpu.pipeline_mode<synchronous>, transform_indices = @transform_0, window_bounds = array<i64: 128, 128>}, {pipeline_mode = #tpu.pipeline_mode<synchronous>, transform_indices = @transform_1, window_bounds = array<i64: 128, 128>}, {pipeline_mode = #tpu.pipeline_mode<synchronous>, transform_indices = @transform_2, window_bounds = array<i64: 128, 128>}, {pipeline_mode = #tpu.pipeline_mode<synchronous>, transform_indices = @transform_3, window_bounds = array<i64: 1, 128>}, {pipeline_mode = #tpu.pipeline_mode<synchronous>, transform_indices = @transform_4, window_bounds = array<i64: 128, 128>}, {pipeline_mode = #tpu.pipeline_mode<synchronous>, transform_indices = @transform_5, window_bounds = array<i64: 1, 128>}, {pipeline_mode = #tpu.pipeline_mode<synchronous>, transform_indices = @transform_6, window_bounds = array<i64: 128, 128>}]} {
    %get3A = arith.constant 0 : index
    %get3A_0 = arith.constant 0 : index
    %get3A_1 = vector.load %arg1[%get3A, %get3A_0] : memref<128x128xf32, #tpu.memory_space<vmem>>, vector<128x128xf32>
    %get3A_2 = arith.constant 0 : index
    %get3A_3 = arith.constant 0 : index
    %get3A_4 = vector.load %arg2[%get3A_2, %get3A_3] : memref<128x128xf32, #tpu.memory_space<vmem>>, vector<128x128xf32>
    %max3A = arith.constant 1.000000e+00 : f32
    %max3A_5 = vector.broadcast %max3A : f32 to vector<128x128xf32>
    %max3A_6 = arith.maximumf %get3A_4, %max3A_5 : vector<128x128xf32>
    %div3A = arith.divf %get3A_1, %max3A_6 : vector<128x128xf32>
    %get3A_7 = arith.constant 0 : index
    %get3A_8 = arith.constant 0 : index
    %get3A_9 = vector.load %arg3[%get3A_7, %get3A_8] : memref<128x128xf32, #tpu.memory_space<vmem>>, vector<128x128xf32>
    %dot_general3A = arith.constant dense<0.000000e+00> : vector<128x128xf32>
    %dot_general3A_10 = tpu.matmul %div3A, %get3A_9, %dot_general3A {dimension_numbers = #tpu.dot_dimension_numbers<[1], [0], [0], [1], [0, 0, 1, 1], [], []>, transpose_lhs_hint = false} : vector<128x128xf32>, vector<128x128xf32>, vector<128x128xf32> -> vector<128x128xf32>
    %get3A_11 = arith.constant 0 : index
    %get3A_12 = arith.constant 0 : index
    %get3A_13 = vector.load %arg4[%get3A_11, %get3A_12] : memref<1x128xf32, #tpu.memory_space<vmem>>, vector<1x128xf32>
    %add3A = vector.broadcast %get3A_13 : vector<1x128xf32> to vector<128x128xf32>
    %add3A_14 = arith.addf %dot_general3A_10, %add3A : vector<128x128xf32>
    %max3A_15 = arith.constant 0.000000e+00 : f32
    %max3A_16 = vector.broadcast %max3A_15 : f32 to vector<128x128xf32>
    %max3A_17 = arith.maximumf %add3A_14, %max3A_16 : vector<128x128xf32>
    %get3A_18 = arith.constant 0 : index
    %get3A_19 = arith.constant 0 : index
    %get3A_20 = vector.load %arg5[%get3A_18, %get3A_19] : memref<128x128xf32, #tpu.memory_space<vmem>>, vector<128x128xf32>
    %dot_general3A_21 = arith.constant dense<0.000000e+00> : vector<128x128xf32>
    %dot_general3A_22 = tpu.matmul %max3A_17, %get3A_20, %dot_general3A_21 {dimension_numbers = #tpu.dot_dimension_numbers<[1], [0], [0], [1], [0, 0, 1, 1], [], []>, transpose_lhs_hint = false} : vector<128x128xf32>, vector<128x128xf32>, vector<128x128xf32> -> vector<128x128xf32>
    %get3A_23 = arith.constant 0 : index
    %get3A_24 = arith.constant 0 : index
    %get3A_25 = vector.load %arg6[%get3A_23, %get3A_24] : memref<1x128xf32, #tpu.memory_space<vmem>>, vector<1x128xf32>
    %add3A_26 = vector.broadcast %get3A_25 : vector<1x128xf32> to vector<128x128xf32>
    %add3A_27 = arith.addf %dot_general3A_22, %add3A_26 : vector<128x128xf32>
    %swap3A = arith.constant 0 : index
    %swap3A_28 = arith.constant 0 : index
    %swap3A_29 = vector.load %arg7[%swap3A, %swap3A_28] : memref<128x128xf32, #tpu.memory_space<vmem>>, vector<128x128xf32>
    tpu.vector_store %arg7[%swap3A, %swap3A_28], %add3A_27 {strides = array<i32>} : memref<128x128xf32, #tpu.memory_space<vmem>>, vector<128x128xf32>,
    return
  }
  func.func @transform_0(%arg0: i32) -> (i32, i32) {
    %c0_i32 = arith.constant 0 : i32
    %c0_i32_0 = arith.constant 0 : i32
    %c0_i32_1 = arith.constant 0 : i32
    return %c0_i32, %c0_i32_0 : i32, i32
  }
  func.func @transform_1(%arg0: i32) -> (i32, i32) {
    %c0_i32 = arith.constant 0 : i32
    %c0_i32_0 = arith.constant 0 : i32
    %c0_i32_1 = arith.constant 0 : i32
    return %c0_i32, %c0_i32_0 : i32, i32
  }
  func.func @transform_2(%arg0: i32) -> (i32, i32) {
    %c0_i32 = arith.constant 0 : i32
    %c0_i32_0 = arith.constant 0 : i32
    %c0_i32_1 = arith.constant 0 : i32
    return %c0_i32, %c0_i32_0 : i32, i32
  }
  func.func @transform_3(%arg0: i32) -> (i32, i32) {
    %c0_i32 = arith.constant 0 : i32
    %c0_i32_0 = arith.constant 0 : i32
    %c0_i32_1 = arith.constant 0 : i32
    return %c0_i32, %c0_i32_0 : i32, i32
  }
  func.func @transform_4(%arg0: i32) -> (i32, i32) {
    %c0_i32 = arith.constant 0 : i32
    %c0_i32_0 = arith.constant 0 : i32
    %c0_i32_1 = arith.constant 0 : i32
    return %c0_i32, %c0_i32_0 : i32, i32
  }
  func.func @transform_5(%arg0: i32) -> (i32, i32) {
    %c0_i32 = arith.constant 0 : i32
    %c0_i32_0 = arith.constant 0 : i32
    %c0_i32_1 = arith.constant 0 : i32
    return %c0_i32, %c0_i32_0 : i32, i32
  }
  func.func @transform_6(%arg0: i32) -> (i32, i32) {
    %c0_i32 = arith.constant 0 : i32
    %c0_i32_0 = arith.constant 0 : i32
    %c0_i32_1 = arith.constant 0 : i32
    return %c0_i32, %c0_i32_0 : i32, i32
  }
}

</mosaic_0001>

<sc_bundles>
// kernel: kernel.12.cloned.1.call-start
scs
__scs_entry_jumppad:
0x0: {  	(pc) =	sbr.rel $0x88, $3  }
0x1: {  	(tag) =	ssettag $0x0;
	lr =	simm.s32 $0x1  }
0x2: {  	[smem:$0x3F90] =	sst lr;
	_ =	strace $0xD0000000  }
0x3: {  	_ = 	snop  }
0x4: {  	_ = 	snop  }
0x5: {  	_ = 	snop  }
0x6: {  	_ = 	snop  }
0x7: {  	_ = 	snop  }
__scs_overlays_trampoline_lowered:
0x8: {  	[smem:$0x3F9F] =	sst s0  }
0x9: {  	[smem:$0x3FA0] =	sst s1  }
0xa: {  	[smem:$0x3FA1] =	sst s2  }
0xb: {  	[smem:$0x3FA2] =	sst s3  }
0xc: {  	[smem:$0x3FA3] =	sst s4  }
0xd: {  	[smem:$0x3FA4] =	sst s5  }
0xe: {  	[smem:$0x3FA5] =	sst s6  }
0xf: {  	[smem:$0x3FA6] =	sst s7  }
0x10: {  	[smem:$0x3FA7] =	sst s8  }
0x11: {  	[smem:$0x3FA8] =	sst s9;
	s0 =	simm.s32 @!p0 $0x0  }
0x12: {  	s1 =	sld [smem:$0x3F8E];
	s0 =	simm.s32 @p0 $0x1  }
0x13: {  	[smem:$0x3FA9] =	sst s0;
	s0 =	simm.s32 @!p1 $0x0  }
0x14: {  	s2 =	sld [smem:$0x3F8D];
	s0 =	simm.s32 @p1 $0x1  }
0x15: {  	[smem:$0x3FAA] =	sst s0;
	s0 =	simm.s32 @!p2 $0x0  }
0x16: {  	s3 =	sld [smem:$0x3FDB];
	s0 =	simm.s32 @p2 $0x1  }
0x17: {  	s4 =	simm.s32 $0x1BF5;
	[smem:$0x3FAC] =	sst s0  }
0x18: {  	s0 =	sld [smem:$0x3F8F];
	_ =	swait.ge [sflag:s4], $0x0  }
0x19: {  	s7 =	sld [smem:$0x3F90]  }
0x1a: {  	s8 =	sadd.s32 $0xFFFFE003, lr  }
0x1b: {  	s9 =	sadd.s32 $0xFFFFFEF7, lr;
	s5 =	simm.s32 $0xFFFFFFFF;
	p2 =	slt.u32 s8, $0xFFFFF086  }
0x1c: {  	p1 =	slt.u32 s9, $0xF7A;
	s5 =	simm.s32 @!p2 $0x0  }
0x1d: {  	s5 =	simm.s32 @p1 $0x1;
	p0 =	seq.s32 s7, s2  }
0x1e: {  	s7 =	smul.u32 @!p0 $0xF7A, s2;
	p2 =	seq.s32 @!p0 s5, $0x0  }
0x1f: {  	s9 =	smul.u32 $0xF7A, s1;
	s8 =	simm.s32 @!p0 $0x1BF5;
	p2 =	por !p2, p0  }
0x20: {  	[sflag:s8] =	ssyncset.s32 @!p0 $0xFFFFF086;
	s6 =	sadd.s32 @!p0 s3, s7;
	s7 =	simm.s32 @!p0 $0x108  }
0x21: {  	s3 =	sadd.s32 s3, s9;
	s6 =	sadd.s32 @!p0 $0x88, s6;
	s7 =	simm.s32 @p2 $0x1082  }
0x22: {  	[simem:s7], [sflag:s8] =	dma.local @!p0 [hbm:s6], $0xF7A  }
0x23: {  	s9 =	sor.u32 $0xD0000000, s2;
	s6 =	simm.s32 $0x108;
	_ =	swait.ge @!p0 [sflag:s8], $0x0  }
0x24: {  	s3 =	sadd.s32 $0x88, s3;
	s6 =	simm.s32 @!p1 $0x1082;
	[sflag:s4] =	ssyncset.s32 $0xFFFFF086  }
0x25: {  	[simem:s6], [sflag:s4] =	dma.local [hbm:s3], $0xF7A  }
0x26: {  	[smem:$0x3F90] =	sst s1;
	(tag) =	ssettag s2;
	_ =	strace s9  }
0x27: {  	s1 =	sld [smem:$0x3FA0]  }
0x28: {  	s2 =	sld [smem:$0x3FA1]  }
0x29: {  	s4 =	sld [smem:$0x3FA3]  }
0x2a: {  	p0 =	seq.s32 s5, $0x0;
	s5 =	sld [smem:$0x3FA4]  }
0x2b: {  	s6 =	sld [smem:$0x3FA5]  }
0x2c: {  	s7 =	sld [smem:$0x3FA6]  }
0x2d: {  	s3 =	simm.s32 $0x108;
	s8 =	sld [smem:$0x3FA7]  }
0x2e: {  	s3 =	simm.s32 @!p0 $0x1082;
	s9 =	sld [smem:$0x3FA8]  }
0x2f: {  	lr =	sadd.s32 s0, s3;
	s0 =	sld [smem:$0x3F9F]  }
0x30: {  	s3 =	sld [smem:$0x3FA2]  }
0x31: {  	[smem:$0x3FAB] =	sst s10  }
0x32: {  	s10 =	sld [smem:$0x3FA9];
	_ =	sdelay $0x3  }
0x33: {  	p0 =	seq.s32 s10, $0x1;
	s10 =	sld [smem:$0x3FAB];
	_ =	sdelay $0x3  }
0x34: {  	[smem:$0x3FAB] =	sst s10  }
0x35: {  	s10 =	sld [smem:$0x3FAA];
	_ =	sdelay $0x3  }
0x36: {  	p1 =	seq.s32 s10, $0x1;
	s10 =	sld [smem:$0x3FAB];
	_ =	sdelay $0x3  }
0x37: {  	[smem:$0x3FAB] =	sst s10  }
0x38: {  	s10 =	sld [smem:$0x3FAC]  }
0x39: {  	_ = 	snop;
	(pc) =	sbr.ind lr, $3  }
0x3a: {  	_ = 	snop  }
0x3b: {  	_ = 	snop  }
0x3c: {  	p2 =	seq.s32 s10, $0x1;
	s10 =	sld [smem:$0x3FAB]  }
0x3d: {  	_ =	shalt  }
0x3e: {  	_ =	shalt  }
0x3f: {  	_ =	shalt  }
0x40: {  	_ =	shalt  }
0x41: {  	_ =	shalt  }
0x42: {  	_ =	shalt  }
0x43: {  	_ =	shalt  }
0x44: {  	_ =	shalt  }
0x45: {  	_ =	shalt  }
0x46: {  	_ =	shalt  }
0x47: {  	_ =	shalt  }
0x48: {  	_ =	shalt  }
0x49: {  	_ =	shalt  }
0x4a: {  	_ =	shalt  }
0x4b: {  	_ =	shalt  }
0x4c: {  	_ =	shalt  }
0x4d: {  	_ =	shalt  }
0x4e: {  	_ =	shalt  }
0x4f: {  	_ =	shalt  }
0x50: {  	_ =	shalt  }
0x51: {  	_ =	shalt  }
0x52: {  	_ =	shalt  }
0x53: {  	_ =	shalt  }
0x54: {  	_ =	shalt  }
0x55: {  	_ =	shalt  }
0x56: {  	_ =	shalt  }
0x57: {  	_ =	shalt  }
0x58: {  	_ =	shalt  }
0x59: {  	_ =	shalt  }
0x5a: {  	_ =	shalt  }
0x5b: {  	_ =	shalt  }
0x5c: {  	_ =	shalt  }
0x5d: {  	_ =	shalt  }
0x5e: {  	_ =	shalt  }
0x5f: {  	_ =	shalt  }
0x60: {  	_ =	shalt  }
0x61: {  	_ =	shalt  }
0x62: {  	_ =	shalt  }
0x63: {  	_ =	shalt  }
0x64: {  	_ =	shalt  }
0x65: {  	_ =	shalt  }
0x66: {  	_ =	shalt  }
0x67: {  	_ =	shalt  }
0x68: {  	_ =	shalt  }
0x69: {  	_ =	shalt  }
0x6a: {  	_ =	shalt  }
0x6b: {  	_ =	shalt  }
0x6c: {  	_ =	shalt  }
0x6d: {  	_ =	shalt  }
0x6e: {  	_ =	shalt  }
0x6f: {  	_ =	shalt  }
0x70: {  	_ =	shalt  }
0x71: {  	_ =	shalt  }
0x72: {  	_ =	shalt  }
0x73: {  	_ =	shalt  }
0x74: {  	_ =	shalt  }
0x75: {  	_ =	shalt  }
0x76: {  	_ =	shalt  }
0x77: {  	_ =	shalt  }
0x78: {  	_ =	shalt  }
0x79: {  	_ =	shalt  }
0x7a: {  	_ =	shalt  }
0x7b: {  	_ =	shalt  }
0x7c: {  	_ =	shalt  }
0x7d: {  	_ =	shalt  }
0x7e: {  	_ =	shalt  }
0x7f: {  	_ =	shalt  }
0x80: {  	_ =	shalt  }
0x81: {  	_ =	shalt  }
0x82: {  	_ =	shalt  }
0x83: {  	_ =	shalt  }
0x84: {  	_ =	shalt  }
0x85: {  	_ =	shalt  }
0x86: {  	_ =	shalt  }
0x87: {  	_ =	shalt  }
.Lfunc_end0:
.L_simem_size_0:
called_computation_lowered:
.L_overlay_start_0:
0x88: {  	s2 =	sld [smem:$0x3FD9]  }
0x89: {  	s3 =	sld [smem:$0x3FFE];
	_ =	sdelay $0x1  }
0x8a: {  	s1 =	srdreg.scid  }
0x8b: {  	s0 =	sand.u32 $0x1, s1  }
0x8c: {  	s17 =	sshll.u32 s0, $0xA;
	s2 =	sadd.s32 s3, s2  }
0x8d: {  	s2 =	sadd.s32 s2, s17  }
0x8e: {  	[smem:$0x3FB7] =	sst s2  }
0x8f: {  	_ = 	snop  }
0x90: {  	s2 =	sld [smem:$0x3FD0];
	(tm) =	ssettm $0x1  }
0x91: {  	s18 =	sld [smem:$0x3FFB];
	_ =	sdelay $0x3  }
0x92: {  	_ =	strace s18  }
0x93: {  	s3 =	sld [smem:$0x3FFC];
	_ =	sdelay $0x3  }
0x94: {  	_ =	strace s3  }
0x95: {  	s3 =	sld [smem:$0x3FFD];
	_ =	sdelay $0x3  }
0x96: {  	_ =	strace s3  }
0x97: {  	_ =	strace $0x8FFFFFFF  }
0x98: {  	s19 =	sld [smem:$0x3FDB];
	_ =	sdelay $0x1  }
0x99: {  	s4 =	simm.s32 $_scs_section_size  }
0x9a: {  	s5 =	simm.s32 $_size__tile_overlayer_lowered;
	s6 =	simm.s32 $_tile_overlayer_lowered  }
0x9b: {  	s22 =	simm.s32 $0x1BFF;
	s21 =	sshll.u32 s6, $0x1;
	s3 =	sadd.s32 s4, s19  }
0x9c: {  	s7 =	simm.s32 $0x0;
	s20 =	sshll.u32 s5, $0x1;
	s5 =	sadd.s32 s21, s3  }
0x9d: {  	[timem:s7], [sflag:s22] =	dma.local [hbm:s5], s20  }
0x9e: {  	_ =	swait.ge [sflag:s22], s20  }
0x9f: {  	s4 =	ssub.s32 $0x0, s20;
	[sflag:s22] =	ssyncset.done $0x0  }
0xa0: {  	[sflag:s22] =	ssyncadd.s32 s4;
	_ =	sdelay $0x1  }
0xa1: {  	s23 =	simm.s32 $0x1B8B  }
0xa2: {  	_ =	swait.ge [sflag:s23], $0x1  }
0xa3: {  	[sflag:s23] =	ssyncset.done $0x0  }
0xa4: {  	s25 =	simm.s32 $0x1B8E;
	s24 =	sld [smem:$0x3FFE];
	[sflag:s23] =	ssyncadd.s32 $0xFFFFFFFF  }
0xa5: {  	s26 =	simm.s32 $execute0_lowered;
	[smem:$0x3FD2] =	sst s25  }
0xa6: {  	s5 =	sshll.u32 s26, $0x1;
	_ =	strace $0x80000046;
	[dreg:$0x1] =	wrdreg $0xFFFFFFFF  }
0xa7: {  	s28 =	simm.s32 $_size_execute0_lowered;
	s3 =	sadd.s32 s3, s5;
	[dreg:$0x0] =	wrdreg $0x0  }
0xa8: {  	s5 =	sshll.u32 s28, $0x1;
	[dreg:$0x2] =	wrdreg s3  }
0xa9: {  	[dreg:$0x3] =	wrdreg s5  }
0xaa: {  	[dreg:$0x4] =	wrdreg $0xC0  }
0xab: {  	_ =	task [dreg:s7], $0x5FFFF  }
0xac: {  	[dreg:$0x1] =	wrdreg $0xFFFFFFFF  }
0xad: {  	[dreg:$0x0] =	wrdreg $0x60  }
0xae: {  	[dreg:$0x2] =	wrdreg s24  }
0xaf: {  	[dreg:$0x3] =	wrdreg s2  }
0xb0: {  	[dreg:$0x4] =	wrdreg $0x28800  }
0xb1: {  	[dreg:$0x5] =	wrdreg $0x9  }
0xb2: {  	_ =	task.clear_ibuf [dreg:s7], $0x6FFFF;
	_ =	strace $0x90000046  }
0xb3: {  	s29 =	simm.s32 $0x9;
	_ =	strace $0x80000048  }
0xb4: {  	_ =	swait.ge [sflag:s29], $0x1  }
0xb5: {  	[sflag:s29] =	ssyncadd.s32 $0xFFFFFFFF  }
0xb6: {  	_ =	strace $0x90000048  }
0xb7: {  	_ =	sfence  }
0xb8: {  	s30 =	sld [smem:$0x0];
	_ =	sdelay $0x2  }
0xb9: {  	s31 =	sshll.u32 s1, $0xD;
	s1 =	sshrl.u32 s1, $0x2  }
0xba: {  	s3 =	sand.u32 $0x4000, s31;
	s1 =	sadd.s32 s1, s30  }
0xbb: {  	s0 =	sor.u32 s3, s0;
	s1 =	sshll.u32 s1, $0x11  }
0xbc: {  	s0 =	sor.u32 s1, s0  }
0xbd: {  	s0 =	sadd.s32 $0x8F2B, s0  }
0xbe: {  	[sflag:s0] =	ssyncadd.remote.s32 $0x1  }
0xbf: {  	_ =	sfence.sel $0xFFFF  }
0xc0: {  	[dreg:$0x0] =	wrdreg $0xFFFFFFFF;
	(pc) =	sbr.abs _section_cstart, $3  }
0xc1: {  	[dreg:$0x1] =	wrdreg $0xFFFFFFFF  }
0xc2: {  	_ =	task.clear_ibuf [dreg:s7], $0x2FFFF;
	_ =	strace $0x9FFFFFFF  }
0xc3: {  	(tm) =	ssettm $0x7FFFFFFF  }
tec
execute0_lowered:
.L_overlay_start_1:
0x0: {  	(tag) =	ssettag $0x1  }
0x1: {  	s5 =	rddreg [dreg:$0x0]  }
0x2: {  	s1 =	srdreg.scid;
	s2 =	rddreg [dreg:$0x1]  }
0x3: {  	s0 =	stileid.u32;
	s3 =	rddreg [dreg:$0x2];
	s4 =	simm.s32 $0x0  }
0x4: {  	s13 =	simm.s32 $0x80;
	s14 =	simm.s32 $0x20;
	s15 =	simm.s32 $0x10  }
0x5: {  	s16 =	simm.s32 $0x0;
	s6 =	sand.u32 $0x1, s1;
	s8 =	smul.u32 $0x500, s0  }
0x6: {  	s28 =	sshll.u32 s0, $0x1;
	[smem:$0x7FF] =	sst s4;
	s9 =	smul.u32 $0x280, s0  }
0x7: {  	s31 =	sshll.u32 s0, $0x6;
	s1 =	sor.u32 s6, s28;
	s10 =	sshll.u32 s6, $0x7  }
0x8: {  	s6 =	ssub.s32 $0x2, s6;
	s7 =	smul.u32 $0x500, s1;
	s1 =	rddreg [dreg:$0x3]  }
0x9: {  	_ =	strace $0x80000047;
	s8 =	sor.u32 s10, s8;
	s29 =	sshrl.u32 s9, $0x3  }
0xa: {  	s30 =	sshrl.u32 s6, $0x1;
	s12 =	sadd.s32 s9, s3;
	s8 =	sshrl.u32 s8, $0x3  }
0xb: {  	s10 =	sadd.s32 s29, s5;
	s11 =	ssub.s32 s6, s30;
	s6 =	sor.u32 $0x1C01, s31  }
0xc: {  	s7 =	sadd.s32 s7, s5;
	s8 =	sadd.s32 s8, s5;
	s5 =	sadd.s32 $0xEE00, s10  }
0xd: {  	s9 =	smax.u32 s11, $0x1;
	s10 =	sshrl.u32 s12, $0x3;
	s11 =	simm.s32 $0x1  }
0xe: {  	s12 =	simm.s32 $0x2800;
	s7 =	sadd.s32 $0x4E00, s7;
	s8 =	sadd.s32 $0xF400, s8  }
.LBB2_1:
0xf: {  	[spmem:s10], [sflag:s6] =	dma.local [hbm:s5], $0x50  }
0x10: {  	_ =	swait.ge [sflag:s11], $0x50  }
0x11: {  	[sflag:s11] =	ssyncset.done $0x0  }
0x12: {  	[sflag:s11] =	ssyncadd.s32 $0xFFFFFFB0  }
0x13: {  	[tilespmem:s4], [sflag:$0x1] =	stream.linear.gather [hbm4b:s7+s4], $0x2800, $0x38;
	[tilespmem:$0x2B00] =	vst v63  }
0x14: {  	_ =	swait.ge [sflag:s11], $0x2800  }
0x15: {  	[sflag:s11] =	ssyncset.done $0x0  }
0x16: {  	[sflag:s11] =	ssyncadd.s32 $0xFFFFD800  }
0x17: {  	[tilespmem:s12], [sflag:$0x1] =	stream.linear.gather [hbm4b:s2+s4], $0x80, $0x38;
	[tilespmem:$0x2B00] =	vst v63  }
0x18: {  	_ =	swait.ge [sflag:s11], $0x80  }
0x19: {  	[sflag:s11] =	ssyncset.done $0x0  }
0x1a: {  	[sflag:s11] =	ssyncadd.s32 $0xFFFFFF80  }
0x1b: {  	s17 =	simm.s32 $0x0;
	[bflag:$0x0] =	sbarrier.arrive $0xFFFF  }
0x1c: {  	[spmem:s3] =	stream.indirect.scatter.add.f32 [tilespmem:s12], [sflag:$0x1], $0x1, s17, s13, $0xb8;
	[tilespmem:$0x2B00] =	vst v63  }
0x1d: {  	_ =	swait.ge [sflag:s11], $0x80  }
0x1e: {  	s17 =	simm.s32 $0x200;
	[sflag:s11] =	ssyncset.done $0x0  }
.LBB2_2:
0x1f: {  	s18 =	sshra.s32 s17, $0x2;
	[sflag:s11] =	ssyncadd.s32 $0xFFFFFF80;
	p0 =	sne.s32 s17, $0x9E00  }
0x20: {  	[spmem:s3] =	stream.indirect.scatter.add.f32 [tilespmem:s12], [sflag:$0x1], $0x1, s18, s13, $0xb8;
	[tilespmem:$0x2B00] =	vst v63  }
.Ltmp0:
0x21: {  	_ = 	snop;
	(pc) =	sbr.rel @p0 .LBB2_2-.Ltmp0, $4  }
0x22: {  	_ = 	snop  }
0x23: {  	s17 =	sadd.s32 $0x200, s17  }
0x24: {  	_ =	swait.ge [sflag:s11], $0x80  }
0x25: {  	[sflag:s11] =	ssyncset.done $0x0  }
0x26: {  	s16 =	sadd.s32 $0x1, s16  }
0x27: {  	[sflag:s11] =	ssyncadd.s32 $0xFFFFFF80;
	p0 =	sne.s32 s16, s9  }
.Ltmp1:
0x28: {  	[bflag:$0x0] =	sbarrier.arrive $0xFFFF;
	(pc) =	sbr.rel @p0 .LBB2_1-.Ltmp1, $4  }
0x29: {  	[hbm:s8@s14], [sflag:s6] =	dma.strided [spmem:s10@s15], $0x50, s11, $0x10   }
0x2a: {  	_ =	swait.ge [sflag:s11], $0x50  }
0x2b: {  	[sflag:s11] =	ssyncset.done $0x0  }
0x2c: {  	[sflag:s11] =	ssyncadd.s32 $0xFFFFFFB0  }
0x2d: {  	_ =	sfence.sel $0x180000  }
0x2e: {  	[bflag:$0x0] =	sbarrier.arrive $0xFFFF  }
0x2f: {  	p0 =	sne.s32 s0, $0x0;
	_ =	strace $0x90000047  }
0x30: {  	s0 =	sadd.s32 @!p0 $0x100000, s1;
	[bflag:$0x2] =	sbarrier.arrive $0xFFFF  }
0x31: {  	[sflag:s0] =	ssyncadd.tile.s32 @!p0 $0x1;
	_ =	shalt  }
.Lfunc_end2:
_tile_overlayer_lowered:
.L_overlay_start_2:
0x32: {  	(tag) =	ssettag $0x2  }
0x33: {  	s0 =	rddreg [dreg:$0x0];
	s2 =	stileid.u32  }
0x34: {  	s1 =	rddreg [dreg:$0x1];
	p0 =	sne.s32 s2, $0x0  }
0x35: {  	s3 =	rddreg [dreg:$0x2];
	[bflag:$0x3] =	sbarrier.arrive $0xFFFF;
	s2 =	simm.s32 @!p0 $0x1C01  }
0x36: {  	[timem:s3], [sflag:s2] =	dma.local @!p0 [hbm:s0], s1  }
0x37: {  	s0 =	simm.s32 @!p0 $0x1  }
0x38: {  	_ =	swait.ge @!p0 [sflag:s0], s1  }
0x39: {  	s1 =	ssub.s32 @!p0 $0x0, s1;
	[sflag:s0] =	ssyncset.done @!p0 $0x0  }
0x3a: {  	[sflag:s0] =	ssyncadd.s32 @!p0 s1  }
0x3b: {  	[bflag:$0x3] =	sbarrier.arrive $0xFFFF  }
0x3c: {  	_ =	shalt  }

// kernel: kernel.15.cloned.1.call-start
scs
__scs_entry_jumppad:
0x0: {  	(pc) =	sbr.rel $0x88, $3  }
0x1: {  	(tag) =	ssettag $0x0;
	lr =	simm.s32 $0x1  }
0x2: {  	[smem:$0x3F90] =	sst lr;
	_ =	strace $0xD0000000  }
0x3: {  	_ = 	snop  }
0x4: {  	_ = 	snop  }
0x5: {  	_ = 	snop  }
0x6: {  	_ = 	snop  }
0x7: {  	_ = 	snop  }
__scs_overlays_trampoline_lowered:
0x8: {  	[smem:$0x3F9F] =	sst s0  }
0x9: {  	[smem:$0x3FA0] =	sst s1  }
0xa: {  	[smem:$0x3FA1] =	sst s2  }
0xb: {  	[smem:$0x3FA2] =	sst s3  }
0xc: {  	[smem:$0x3FA3] =	sst s4  }
0xd: {  	[smem:$0x3FA4] =	sst s5  }
0xe: {  	[smem:$0x3FA5] =	sst s6  }
0xf: {  	[smem:$0x3FA6] =	sst s7  }
0x10: {  	[smem:$0x3FA7] =	sst s8  }
0x11: {  	[smem:$0x3FA8] =	sst s9;
	s0 =	simm.s32 @!p0 $0x0  }
0x12: {  	s1 =	sld [smem:$0x3F8E];
	s0 =	simm.s32 @p0 $0x1  }
0x13: {  	[smem:$0x3FA9] =	sst s0;
	s0 =	simm.s32 @!p1 $0x0  }
0x14: {  	s2 =	sld [smem:$0x3F8D];
	s0 =	simm.s32 @p1 $0x1  }
0x15: {  	[smem:$0x3FAA] =	sst s0;
	s0 =	simm.s32 @!p2 $0x0  }
0x16: {  	s3 =	sld [smem:$0x3FDB];
	s0 =	simm.s32 @p2 $0x1  }
0x17: {  	s4 =	simm.s32 $0x1BF5;
	[smem:$0x3FAC] =	sst s0  }
0x18: {  	s0 =	sld [smem:$0x3F8F];
	_ =	swait.ge [sflag:s4], $0x0  }
0x19: {  	s7 =	sld [smem:$0x3F90]  }
0x1a: {  	s8 =	sadd.s32 $0xFFFFE003, lr  }
0x1b: {  	s9 =	sadd.s32 $0xFFFFFEF7, lr;
	s5 =	simm.s32 $0xFFFFFFFF;
	p2 =	slt.u32 s8, $0xFFFFF086  }
0x1c: {  	p1 =	slt.u32 s9, $0xF7A;
	s5 =	simm.s32 @!p2 $0x0  }
0x1d: {  	s5 =	simm.s32 @p1 $0x1;
	p0 =	seq.s32 s7, s2  }
0x1e: {  	s7 =	smul.u32 @!p0 $0xF7A, s2;
	p2 =	seq.s32 @!p0 s5, $0x0  }
0x1f: {  	s9 =	smul.u32 $0xF7A, s1;
	s8 =	simm.s32 @!p0 $0x1BF5;
	p2 =	por !p2, p0  }
0x20: {  	[sflag:s8] =	ssyncset.s32 @!p0 $0xFFFFF086;
	s6 =	sadd.s32 @!p0 s3, s7;
	s7 =	simm.s32 @!p0 $0x108  }
0x21: {  	s3 =	sadd.s32 s3, s9;
	s6 =	sadd.s32 @!p0 $0x88, s6;
	s7 =	simm.s32 @p2 $0x1082  }
0x22: {  	[simem:s7], [sflag:s8] =	dma.local @!p0 [hbm:s6], $0xF7A  }
0x23: {  	s9 =	sor.u32 $0xD0000000, s2;
	s6 =	simm.s32 $0x108;
	_ =	swait.ge @!p0 [sflag:s8], $0x0  }
0x24: {  	s3 =	sadd.s32 $0x88, s3;
	s6 =	simm.s32 @!p1 $0x1082;
	[sflag:s4] =	ssyncset.s32 $0xFFFFF086  }
0x25: {  	[simem:s6], [sflag:s4] =	dma.local [hbm:s3], $0xF7A  }
0x26: {  	[smem:$0x3F90] =	sst s1;
	(tag) =	ssettag s2;
	_ =	strace s9  }
0x27: {  	s1 =	sld [smem:$0x3FA0]  }
0x28: {  	s2 =	sld [smem:$0x3FA1]  }
0x29: {  	s4 =	sld [smem:$0x3FA3]  }
0x2a: {  	p0 =	seq.s32 s5, $0x0;
	s5 =	sld [smem:$0x3FA4]  }
0x2b: {  	s6 =	sld [smem:$0x3FA5]  }
0x2c: {  	s7 =	sld [smem:$0x3FA6]  }
0x2d: {  	s3 =	simm.s32 $0x108;
	s8 =	sld [smem:$0x3FA7]  }
0x2e: {  	s3 =	simm.s32 @!p0 $0x1082;
	s9 =	sld [smem:$0x3FA8]  }
0x2f: {  	lr =	sadd.s32 s0, s3;
	s0 =	sld [smem:$0x3F9F]  }
0x30: {  	s3 =	sld [smem:$0x3FA2]  }
0x31: {  	[smem:$0x3FAB] =	sst s10  }
0x32: {  	s10 =	sld [smem:$0x3FA9];
	_ =	sdelay $0x3  }
0x33: {  	p0 =	seq.s32 s10, $0x1;
	s10 =	sld [smem:$0x3FAB];
	_ =	sdelay $0x3  }
0x34: {  	[smem:$0x3FAB] =	sst s10  }
0x35: {  	s10 =	sld [smem:$0x3FAA];
	_ =	sdelay $0x3  }
0x36: {  	p1 =	seq.s32 s10, $0x1;
	s10 =	sld [smem:$0x3FAB];
	_ =	sdelay $0x3  }
0x37: {  	[smem:$0x3FAB] =	sst s10  }
0x38: {  	s10 =	sld [smem:$0x3FAC]  }
0x39: {  	_ = 	snop;
	(pc) =	sbr.ind lr, $3  }
0x3a: {  	_ = 	snop  }
0x3b: {  	_ = 	snop  }
0x3c: {  	p2 =	seq.s32 s10, $0x1;
	s10 =	sld [smem:$0x3FAB]  }
0x3d: {  	_ =	shalt  }
0x3e: {  	_ =	shalt  }
0x3f: {  	_ =	shalt  }
0x40: {  	_ =	shalt  }
0x41: {  	_ =	shalt  }
0x42: {  	_ =	shalt  }
0x43: {  	_ =	shalt  }
0x44: {  	_ =	shalt  }
0x45: {  	_ =	shalt  }
0x46: {  	_ =	shalt  }
0x47: {  	_ =	shalt  }
0x48: {  	_ =	shalt  }
0x49: {  	_ =	shalt  }
0x4a: {  	_ =	shalt  }
0x4b: {  	_ =	shalt  }
0x4c: {  	_ =	shalt  }
0x4d: {  	_ =	shalt  }
0x4e: {  	_ =	shalt  }
0x4f: {  	_ =	shalt  }
0x50: {  	_ =	shalt  }
0x51: {  	_ =	shalt  }
0x52: {  	_ =	shalt  }
0x53: {  	_ =	shalt  }
0x54: {  	_ =	shalt  }
0x55: {  	_ =	shalt  }
0x56: {  	_ =	shalt  }
0x57: {  	_ =	shalt  }
0x58: {  	_ =	shalt  }
0x59: {  	_ =	shalt  }
0x5a: {  	_ =	shalt  }
0x5b: {  	_ =	shalt  }
0x5c: {  	_ =	shalt  }
0x5d: {  	_ =	shalt  }
0x5e: {  	_ =	shalt  }
0x5f: {  	_ =	shalt  }
0x60: {  	_ =	shalt  }
0x61: {  	_ =	shalt  }
0x62: {  	_ =	shalt  }
0x63: {  	_ =	shalt  }
0x64: {  	_ =	shalt  }
0x65: {  	_ =	shalt  }
0x66: {  	_ =	shalt  }
0x67: {  	_ =	shalt  }
0x68: {  	_ =	shalt  }
0x69: {  	_ =	shalt  }
0x6a: {  	_ =	shalt  }
0x6b: {  	_ =	shalt  }
0x6c: {  	_ =	shalt  }
0x6d: {  	_ =	shalt  }
0x6e: {  	_ =	shalt  }
0x6f: {  	_ =	shalt  }
0x70: {  	_ =	shalt  }
0x71: {  	_ =	shalt  }
0x72: {  	_ =	shalt  }
0x73: {  	_ =	shalt  }
0x74: {  	_ =	shalt  }
0x75: {  	_ =	shalt  }
0x76: {  	_ =	shalt  }
0x77: {  	_ =	shalt  }
0x78: {  	_ =	shalt  }
0x79: {  	_ =	shalt  }
0x7a: {  	_ =	shalt  }
0x7b: {  	_ =	shalt  }
0x7c: {  	_ =	shalt  }
0x7d: {  	_ =	shalt  }
0x7e: {  	_ =	shalt  }
0x7f: {  	_ =	shalt  }
0x80: {  	_ =	shalt  }
0x81: {  	_ =	shalt  }
0x82: {  	_ =	shalt  }
0x83: {  	_ =	shalt  }
0x84: {  	_ =	shalt  }
0x85: {  	_ =	shalt  }
0x86: {  	_ =	shalt  }
0x87: {  	_ =	shalt  }
.Lfunc_end0:
.L_simem_size_0:
called_computation.1_lowered:
.L_overlay_start_0:
0x88: {  	s2 =	sld [smem:$0x3FD9]  }
0x89: {  	s3 =	sld [smem:$0x3FFE];
	_ =	sdelay $0x1  }
0x8a: {  	s1 =	srdreg.scid  }
0x8b: {  	s0 =	sand.u32 $0x1, s1  }
0x8c: {  	s16 =	sshll.u32 s0, $0xA;
	s2 =	sadd.s32 s3, s2  }
0x8d: {  	s2 =	sadd.s32 s2, s16  }
0x8e: {  	[smem:$0x3FB7] =	sst s2  }
0x8f: {  	_ = 	snop  }
0x90: {  	(tm) =	ssettm $0x1  }
0x91: {  	s17 =	sld [smem:$0x3FFB];
	_ =	sdelay $0x3  }
0x92: {  	_ =	strace s17  }
0x93: {  	s2 =	sld [smem:$0x3FFC];
	_ =	sdelay $0x3  }
0x94: {  	_ =	strace s2  }
0x95: {  	s2 =	sld [smem:$0x3FFD];
	_ =	sdelay $0x3  }
0x96: {  	_ =	strace s2  }
0x97: {  	_ =	strace $0x8FFFFFFF  }
0x98: {  	s18 =	sld [smem:$0x3FDB];
	_ =	sdelay $0x1  }
0x99: {  	s19 =	simm.s32 $_scs_section_size  }
0x9a: {  	s4 =	simm.s32 $_size__tile_overlayer_lowered;
	s5 =	simm.s32 $_tile_overlayer_lowered  }
0x9b: {  	s22 =	simm.s32 $0x1BFF;
	s21 =	sshll.u32 s5, $0x1;
	s2 =	sadd.s32 s19, s18  }
0x9c: {  	s6 =	simm.s32 $0x0;
	s20 =	sshll.u32 s4, $0x1;
	s4 =	sadd.s32 s21, s2  }
0x9d: {  	[timem:s6], [sflag:s22] =	dma.local [hbm:s4], s20  }
0x9e: {  	_ =	swait.ge [sflag:s22], s20  }
0x9f: {  	s3 =	ssub.s32 $0x0, s20;
	[sflag:s22] =	ssyncset.done $0x0  }
0xa0: {  	[sflag:s22] =	ssyncadd.s32 s3;
	_ =	sdelay $0x1  }
0xa1: {  	s23 =	simm.s32 $0x1B8B  }
0xa2: {  	_ =	swait.ge [sflag:s23], $0x1  }
0xa3: {  	[sflag:s23] =	ssyncset.done $0x0  }
0xa4: {  	s25 =	simm.s32 $0x1B8E;
	s24 =	sld [smem:$0x3FFE];
	[sflag:s23] =	ssyncadd.s32 $0xFFFFFFFF  }
0xa5: {  	s26 =	simm.s32 $execute0_lowered;
	[smem:$0x3FD2] =	sst s25  }
0xa6: {  	s4 =	sshll.u32 s26, $0x1;
	_ =	strace $0x80000049;
	[dreg:$0x1] =	wrdreg $0xFFFFFFFF  }
0xa7: {  	s28 =	simm.s32 $_size_execute0_lowered;
	s2 =	sadd.s32 s2, s4;
	[dreg:$0x0] =	wrdreg $0x0  }
0xa8: {  	s4 =	sshll.u32 s28, $0x1;
	[dreg:$0x2] =	wrdreg s2  }
0xa9: {  	[dreg:$0x3] =	wrdreg s4  }
0xaa: {  	[dreg:$0x4] =	wrdreg $0xC0  }
0xab: {  	_ =	task [dreg:s6], $0x5FFFF  }
0xac: {  	[dreg:$0x1] =	wrdreg $0xFFFFFFFF  }
0xad: {  	[dreg:$0x0] =	wrdreg $0x60  }
0xae: {  	[dreg:$0x2] =	wrdreg s24  }
0xaf: {  	[dreg:$0x3] =	wrdreg $0xA8000  }
0xb0: {  	[dreg:$0x4] =	wrdreg $0x9  }
0xb1: {  	_ =	task.clear_ibuf [dreg:s6], $0x5FFFF;
	_ =	strace $0x90000049  }
0xb2: {  	s29 =	simm.s32 $0x9;
	_ =	strace $0x8000004B  }
0xb3: {  	_ =	swait.ge [sflag:s29], $0x1  }
0xb4: {  	[sflag:s29] =	ssyncadd.s32 $0xFFFFFFFF  }
0xb5: {  	_ =	strace $0x9000004B  }
0xb6: {  	_ =	sfence  }
0xb7: {  	s30 =	sld [smem:$0x0];
	_ =	sdelay $0x2  }
0xb8: {  	s31 =	sshll.u32 s1, $0xD;
	s1 =	sshrl.u32 s1, $0x2  }
0xb9: {  	s3 =	sand.u32 $0x4000, s31;
	s1 =	sadd.s32 s1, s30  }
0xba: {  	s0 =	sor.u32 s3, s0;
	s1 =	sshll.u32 s1, $0x11  }
0xbb: {  	s0 =	sor.u32 s1, s0  }
0xbc: {  	s0 =	sadd.s32 $0x8F2B, s0  }
0xbd: {  	[sflag:s0] =	ssyncadd.remote.s32 $0x1  }
0xbe: {  	_ =	sfence.sel $0xFFFF  }
0xbf: {  	[dreg:$0x0] =	wrdreg $0xFFFFFFFF;
	(pc) =	sbr.abs _section_cstart, $3  }
0xc0: {  	[dreg:$0x1] =	wrdreg $0xFFFFFFFF  }
0xc1: {  	_ =	task.clear_ibuf [dreg:s6], $0x2FFFF;
	_ =	strace $0x9FFFFFFF  }
0xc2: {  	(tm) =	ssettm $0x7FFFFFFF  }
0xc3: {  	_ =	shalt  }
tec
execute0_lowered:
.L_overlay_start_1:
0x0: {  	(tag) =	ssettag $0x1  }
0x1: {  	s5 =	rddreg [dreg:$0x0]  }
0x2: {  	s2 =	rddreg [dreg:$0x1]  }
0x3: {  	s0 =	rddreg [dreg:$0x2];
	s3 =	simm.s32 $0x0  }
0x4: {  	s1 =	stileid.u32;
	s4 =	srdreg.scid;
	s16 =	simm.s32 $0x80  }
0x5: {  	s17 =	simm.s32 $0x2800;
	s18 =	simm.s32 $0x1;
	s19 =	simm.s32 $0x6800  }
0x6: {  	s20 =	simm.s32 $0x2;
	s21 =	simm.s32 $0x1380;
	s22 =	simm.s32 $0x2700  }
0x7: {  	s23 =	simm.s32 $0x2780;
	s24 =	simm.s32 $0x0;
	[smem:$0x7FF] =	sst s3  }
0x8: {  	s6 =	smul.u32 $0x14000, s1;
	s7 =	sand.u32 $0x1, s4;
	s4 =	sadd.s32 $0x23E00, s5  }
0x9: {  	s9 =	sadd.s32 $0xFE00, s5;
	s10 =	sadd.s32 $0x19E00, s5;
	s12 =	smul.u32 $0xA0, s1  }
0xa: {  	s29 =	sshll.u32 s1, $0x6;
	_ =	strace $0x8000004A;
	s8 =	smul.u32 $0x140000, s7  }
0xb: {  	s13 =	ssub.s32 $0x2, s7;
	s7 =	smul.u32 $0x50, s7;
	s11 =	sshrl.u32 s6, $0x3  }
0xc: {  	s14 =	sshrl.u32 s13, $0x1;
	s28 =	sadd.s32 s6, s2;
	s8 =	sadd.s32 s6, s8  }
0xd: {  	s11 =	sadd.s32 s11, s5;
	s13 =	ssub.s32 s13, s14;
	s26 =	sadd.s32 s7, s12  }
0xe: {  	s6 =	sor.u32 $0x1C03, s29;
	s14 =	simm.s32 $0x3;
	s8 =	sshrl.u32 s8, $0x3  }
0xf: {  	s30 =	sshll.u32 s26, $0x4;
	s12 =	smax.u32 s13, $0x1;
	s13 =	sshrl.u32 s28, $0x3  }
0x10: {  	s15 =	sadd.s32 s8, s5;
	s5 =	sadd.s32 $0x4BE00, s11;
	s31 =	sadd.s32 $0x280, s30  }
0x11: {  	s7 =	sadd.s32 s9, s30;
	s8 =	sadd.s32 s10, s30;
	s9 =	sadd.s32 s9, s31  }
0x12: {  	s10 =	sadd.s32 s10, s31;
	s11 =	sadd.s32 $0x73E00, s15;
	s15 =	simm.s32 $0x1400  }
.LBB2_1:
0x13: {  	[spmem:s13], [sflag:s6] =	dma.local [hbm:s5], $0x2800  }
0x14: {  	_ =	swait.ge [sflag:s14], $0x2800  }
0x15: {  	[sflag:s14] =	ssyncset.done $0x0  }
0x16: {  	[sflag:s14] =	ssyncadd.s32 $0xFFFFD800  }
0x17: {  	[bflag:$0x0] =	sbarrier.arrive $0xFFFF  }
0x18: {  	[tilespmem:s3], [sflag:$0x3] =	stream.linear.gather [hbm4b:s7+s3], $0x1400, $0x38;
	[tilespmem:$0x1E800] =	vst v63  }
0x19: {  	_ =	swait.ge [sflag:s14], $0x1400  }
0x1a: {  	[sflag:s14] =	ssyncset.done $0x0  }
0x1b: {  	[sflag:s14] =	ssyncadd.s32 $0xFFFFEC00  }
0x1c: {  	[tilespmem:s15], [sflag:$0x3] =	stream.linear.gather [hbm4b:s8+s3], $0x1400, $0x38;
	[tilespmem:$0x1E800] =	vst v63  }
0x1d: {  	_ =	swait.ge [sflag:s14], $0x1400  }
0x1e: {  	[sflag:s14] =	ssyncset.done $0x0  }
0x1f: {  	[sflag:s14] =	ssyncadd.s32 $0xFFFFEC00  }
0x20: {  	[tilespmem:s17], [sflag:$0x1] =	stream.indirect.gather [hbm4b:s4+s16], $0x80, s3, s16, $0xb8;
	[tilespmem:$0x1E800] =	vst v63  }
0x21: {  	_ =	swait.ge [sflag:s18], $0x4000  }
0x22: {  	[sflag:s18] =	ssyncset.done $0x0  }
0x23: {  	s25 =	simm.s32 $0x80;
	[sflag:s18] =	ssyncadd.s32 $0xFFFFC000  }
0x24: {  	[tilespmem:s19], [sflag:$0x2] =	stream.indirect.gather [hbm4b:s4+s16], $0x80, s25, s16, $0xb8;
	[tilespmem:$0x1E800] =	vst v63  }
0x25: {  	s29 =	simm.s32 $0x1400  }
0x26: {  	[spmem:s2] =	stream.indirect.scatter.add.f32 [tilespmem:s17], [sflag:$0x3], $0x80, s29, s16, $0xb8;
	[tilespmem:$0x1E800] =	vst v63  }
0x27: {  	_ =	swait.ge [sflag:s14], $0x4000  }
0x28: {  	[sflag:s14] =	ssyncset.done $0x0  }
0x29: {  	[sflag:s14] =	ssyncadd.s32 $0xFFFFC000  }
0x2a: {  	_ =	swait.ge [sflag:s20], $0x4000  }
0x2b: {  	[sflag:s20] =	ssyncset.done $0x0  }
0x2c: {  	s30 =	simm.s32 $0x100;
	[sflag:s20] =	ssyncadd.s32 $0xFFFFC000  }
0x2d: {  	[tilespmem:s17], [sflag:$0x1] =	stream.indirect.gather [hbm4b:s4+s16], $0x80, s30, s16, $0xb8;
	[tilespmem:$0x1E800] =	vst v63  }
0x2e: {  	s31 =	simm.s32 $0x1480  }
0x2f: {  	[spmem:s2] =	stream.indirect.scatter.add.f32 [tilespmem:s19], [sflag:$0x3], $0x80, s31, s16, $0xb8;
	[tilespmem:$0x1E800] =	vst v63  }
0x30: {  	_ =	swait.ge [sflag:s14], $0x4000  }
0x31: {  	s25 =	simm.s32 $0x400;
	[sflag:s14] =	ssyncset.done $0x0  }
.LBB2_2:
0x32: {  	p0 =	sne.s32 s25, $0x4800  }
0x33: {  	[sflag:s14] =	ssyncadd.s32 $0xFFFFC000;
	s26 =	smov.u32 s25;
	s25 =	sadd.s32 $0x400, s25  }
0x34: {  	_ = 	snop  }
0x35: {  	_ =	swait.ge [sflag:s18], $0x4000  }
0x36: {  	s26 =	sshra.s32 s26, $0x2;
	[sflag:s18] =	ssyncset.done $0x0  }
0x37: {  	s28 =	sadd.s32 $0x80, s26;
	[sflag:s18] =	ssyncadd.s32 $0xFFFFC000  }
0x38: {  	[tilespmem:s19], [sflag:$0x2] =	stream.indirect.gather [hbm4b:s4+s16], $0x80, s28, s16, $0xb8;
	[tilespmem:$0x1E800] =	vst v63  }
0x39: {  	s28 =	sadd.s32 $0x1400, s26  }
0x3a: {  	[spmem:s2] =	stream.indirect.scatter.add.f32 [tilespmem:s17], [sflag:$0x3], $0x80, s28, s16, $0xb8;
	[tilespmem:$0x1E800] =	vst v63  }
0x3b: {  	_ =	swait.ge [sflag:s14], $0x4000  }
0x3c: {  	[sflag:s14] =	ssyncset.done $0x0  }
0x3d: {  	[sflag:s14] =	ssyncadd.s32 $0xFFFFC000  }
0x3e: {  	_ =	swait.ge [sflag:s20], $0x4000  }
0x3f: {  	[sflag:s20] =	ssyncset.done $0x0  }
0x40: {  	s28 =	sadd.s32 $0x100, s26;
	[sflag:s20] =	ssyncadd.s32 $0xFFFFC000  }
0x41: {  	[tilespmem:s17], [sflag:$0x1] =	stream.indirect.gather [hbm4b:s4+s16], $0x80, s28, s16, $0xb8;
	[tilespmem:$0x1E800] =	vst v63  }
.Ltmp0:
0x42: {  	_ = 	snop;
	(pc) =	sbr.rel @p0 .LBB2_2-.Ltmp0, $4  }
0x43: {  	s26 =	sadd.s32 $0x1480, s26  }
0x44: {  	[spmem:s2] =	stream.indirect.scatter.add.f32 [tilespmem:s19], [sflag:$0x3], $0x80, s26, s16, $0xb8;
	[tilespmem:$0x1E800] =	vst v63  }
0x45: {  	_ =	swait.ge [sflag:s14], $0x4000  }
0x46: {  	[sflag:s14] =	ssyncset.done $0x0  }
0x47: {  	[sflag:s14] =	ssyncadd.s32 $0xFFFFC000  }
0x48: {  	_ =	swait.ge [sflag:s18], $0x4000  }
0x49: {  	[sflag:s18] =	ssyncset.done $0x0  }
0x4a: {  	[sflag:s18] =	ssyncadd.s32 $0xFFFFC000  }
0x4b: {  	[tilespmem:s19], [sflag:$0x2] =	stream.indirect.gather [hbm4b:s4+s16], $0x80, s21, s16, $0xb8;
	[tilespmem:$0x1E800] =	vst v63  }
0x4c: {  	_ = 	snop  }
0x4d: {  	[spmem:s2] =	stream.indirect.scatter.add.f32 [tilespmem:s17], [sflag:$0x3], $0x80, s22, s16, $0xb8;
	[tilespmem:$0x1E800] =	vst v63  }
0x4e: {  	_ =	swait.ge [sflag:s14], $0x4000  }
0x4f: {  	[sflag:s14] =	ssyncset.done $0x0  }
0x50: {  	[sflag:s14] =	ssyncadd.s32 $0xFFFFC000  }
0x51: {  	_ =	swait.ge [sflag:s20], $0x4000  }
0x52: {  	[sflag:s20] =	ssyncset.done $0x0  }
0x53: {  	[sflag:s20] =	ssyncadd.s32 $0xFFFFC000  }
0x54: {  	[tilespmem:s17], [sflag:$0x1] =	stream.indirect.gather [hbm4b:s4+s16], $0x80, s21, s16, $0xb8;
	[tilespmem:$0x1E800] =	vst v63  }
0x55: {  	_ = 	snop  }
0x56: {  	[spmem:s2] =	stream.indirect.scatter.add.f32 [tilespmem:s19], [sflag:$0x3], $0x80, s23, s16, $0xb8;
	[tilespmem:$0x1E800] =	vst v63  }
0x57: {  	_ =	swait.ge [sflag:s14], $0x4000  }
0x58: {  	[sflag:s14] =	ssyncset.done $0x0  }
0x59: {  	[sflag:s14] =	ssyncadd.s32 $0xFFFFC000  }
0x5a: {  	_ =	swait.ge [sflag:s18], $0x4000  }
0x5b: {  	[sflag:s18] =	ssyncset.done $0x0  }
0x5c: {  	s25 =	simm.s32 $0x0;
	[sflag:s18] =	ssyncadd.s32 $0xFFFFC000  }
0x5d: {  	[tilespmem:s25], [sflag:$0x3] =	stream.linear.gather [hbm4b:s9+s25], $0x1400, $0x38;
	[tilespmem:$0x1E800] =	vst v63  }
0x5e: {  	_ =	swait.ge [sflag:s14], $0x1400  }
0x5f: {  	[sflag:s14] =	ssyncset.done $0x0  }
0x60: {  	[sflag:s14] =	ssyncadd.s32 $0xFFFFEC00  }
0x61: {  	[tilespmem:s15], [sflag:$0x3] =	stream.linear.gather [hbm4b:s10+s25], $0x1400, $0x38;
	[tilespmem:$0x1E800] =	vst v63  }
0x62: {  	_ =	swait.ge [sflag:s14], $0x1400  }
0x63: {  	[sflag:s14] =	ssyncset.done $0x0  }
0x64: {  	[sflag:s14] =	ssyncadd.s32 $0xFFFFEC00  }
0x65: {  	[tilespmem:s17], [sflag:$0x1] =	stream.indirect.gather [hbm4b:s4+s16], $0x80, s25, s16, $0xb8;
	[tilespmem:$0x1E800] =	vst v63  }
0x66: {  	_ =	swait.ge [sflag:s18], $0x4000  }
0x67: {  	[sflag:s18] =	ssyncset.done $0x0  }
0x68: {  	s28 =	simm.s32 $0x80;
	[sflag:s18] =	ssyncadd.s32 $0xFFFFC000  }
0x69: {  	[tilespmem:s19], [sflag:$0x2] =	stream.indirect.gather [hbm4b:s4+s16], $0x80, s28, s16, $0xb8;
	[tilespmem:$0x1E800] =	vst v63  }
0x6a: {  	s29 =	simm.s32 $0x1400  }
0x6b: {  	[spmem:s2] =	stream.indirect.scatter.add.f32 [tilespmem:s17], [sflag:$0x3], $0x80, s29, s16, $0xb8;
	[tilespmem:$0x1E800] =	vst v63  }
0x6c: {  	_ =	swait.ge [sflag:s14], $0x4000  }
0x6d: {  	[sflag:s14] =	ssyncset.done $0x0  }
0x6e: {  	[sflag:s14] =	ssyncadd.s32 $0xFFFFC000  }
0x6f: {  	_ =	swait.ge [sflag:s20], $0x4000  }
0x70: {  	[sflag:s20] =	ssyncset.done $0x0  }
0x71: {  	s30 =	simm.s32 $0x100;
	[sflag:s20] =	ssyncadd.s32 $0xFFFFC000  }
0x72: {  	[tilespmem:s17], [sflag:$0x1] =	stream.indirect.gather [hbm4b:s4+s16], $0x80, s30, s16, $0xb8;
	[tilespmem:$0x1E800] =	vst v63  }
0x73: {  	s31 =	simm.s32 $0x1480  }
0x74: {  	[spmem:s2] =	stream.indirect.scatter.add.f32 [tilespmem:s19], [sflag:$0x3], $0x80, s31, s16, $0xb8;
	[tilespmem:$0x1E800] =	vst v63  }
0x75: {  	_ =	swait.ge [sflag:s14], $0x4000  }
0x76: {  	s25 =	simm.s32 $0x400;
	[sflag:s14] =	ssyncset.done $0x0  }
.LBB2_4:
0x77: {  	p0 =	sne.s32 s25, $0x4800  }
0x78: {  	[sflag:s14] =	ssyncadd.s32 $0xFFFFC000;
	s26 =	smov.u32 s25;
	s25 =	sadd.s32 $0x400, s25  }
0x79: {  	_ = 	snop  }
0x7a: {  	_ =	swait.ge [sflag:s18], $0x4000  }
0x7b: {  	s26 =	sshra.s32 s26, $0x2;
	[sflag:s18] =	ssyncset.done $0x0  }
0x7c: {  	s28 =	sadd.s32 $0x80, s26;
	[sflag:s18] =	ssyncadd.s32 $0xFFFFC000  }
0x7d: {  	[tilespmem:s19], [sflag:$0x2] =	stream.indirect.gather [hbm4b:s4+s16], $0x80, s28, s16, $0xb8;
	[tilespmem:$0x1E800] =	vst v63  }
0x7e: {  	s28 =	sadd.s32 $0x1400, s26  }
0x7f: {  	[spmem:s2] =	stream.indirect.scatter.add.f32 [tilespmem:s17], [sflag:$0x3], $0x80, s28, s16, $0xb8;
	[tilespmem:$0x1E800] =	vst v63  }
0x80: {  	_ =	swait.ge [sflag:s14], $0x4000  }
0x81: {  	[sflag:s14] =	ssyncset.done $0x0  }
0x82: {  	[sflag:s14] =	ssyncadd.s32 $0xFFFFC000  }
0x83: {  	_ =	swait.ge [sflag:s20], $0x4000  }
0x84: {  	[sflag:s20] =	ssyncset.done $0x0  }
0x85: {  	s28 =	sadd.s32 $0x100, s26;
	[sflag:s20] =	ssyncadd.s32 $0xFFFFC000  }
0x86: {  	[tilespmem:s17], [sflag:$0x1] =	stream.indirect.gather [hbm4b:s4+s16], $0x80, s28, s16, $0xb8;
	[tilespmem:$0x1E800] =	vst v63  }
.Ltmp1:
0x87: {  	_ = 	snop;
	(pc) =	sbr.rel @p0 .LBB2_4-.Ltmp1, $4  }
0x88: {  	s26 =	sadd.s32 $0x1480, s26  }
0x89: {  	[spmem:s2] =	stream.indirect.scatter.add.f32 [tilespmem:s19], [sflag:$0x3], $0x80, s26, s16, $0xb8;
	[tilespmem:$0x1E800] =	vst v63  }
0x8a: {  	_ =	swait.ge [sflag:s14], $0x4000  }
0x8b: {  	[sflag:s14] =	ssyncset.done $0x0  }
0x8c: {  	[sflag:s14] =	ssyncadd.s32 $0xFFFFC000  }
0x8d: {  	_ =	swait.ge [sflag:s18], $0x4000  }
0x8e: {  	[sflag:s18] =	ssyncset.done $0x0  }
0x8f: {  	[sflag:s18] =	ssyncadd.s32 $0xFFFFC000  }
0x90: {  	[tilespmem:s19], [sflag:$0x2] =	stream.indirect.gather [hbm4b:s4+s16], $0x80, s21, s16, $0xb8;
	[tilespmem:$0x1E800] =	vst v63  }
0x91: {  	_ = 	snop  }
0x92: {  	[spmem:s2] =	stream.indirect.scatter.add.f32 [tilespmem:s17], [sflag:$0x3], $0x80, s22, s16, $0xb8;
	[tilespmem:$0x1E800] =	vst v63  }
0x93: {  	_ =	swait.ge [sflag:s14], $0x4000  }
0x94: {  	[sflag:s14] =	ssyncset.done $0x0  }
0x95: {  	[sflag:s14] =	ssyncadd.s32 $0xFFFFC000  }
0x96: {  	_ =	swait.ge [sflag:s20], $0x4000  }
0x97: {  	[sflag:s20] =	ssyncset.done $0x0  }
0x98: {  	[sflag:s20] =	ssyncadd.s32 $0xFFFFC000  }
0x99: {  	[tilespmem:s17], [sflag:$0x1] =	stream.indirect.gather [hbm4b:s4+s16], $0x80, s21, s16, $0xb8;
	[tilespmem:$0x1E800] =	vst v63  }
0x9a: {  	_ = 	snop  }
0x9b: {  	[spmem:s2] =	stream.indirect.scatter.add.f32 [tilespmem:s19], [sflag:$0x3], $0x80, s23, s16, $0xb8;
	[tilespmem:$0x1E800] =	vst v63  }
0x9c: {  	_ =	swait.ge [sflag:s14], $0x4000  }
0x9d: {  	[sflag:s14] =	ssyncset.done $0x0  }
0x9e: {  	[sflag:s14] =	ssyncadd.s32 $0xFFFFC000  }
0x9f: {  	_ =	swait.ge [sflag:s18], $0x4000  }
0xa0: {  	s24 =	sadd.s32 $0x1, s24;
	[sflag:s18] =	ssyncset.done $0x0  }
0xa1: {  	p0 =	sne.s32 s24, s12;
	[sflag:s18] =	ssyncadd.s32 $0xFFFFC000  }
.Ltmp2:
0xa2: {  	[bflag:$0x0] =	sbarrier.arrive $0xFFFF;
	(pc) =	sbr.rel @p0 .LBB2_1-.Ltmp2, $4  }
0xa3: {  	[hbm:s11], [sflag:s6] =	dma.local [spmem:s13], $0x2800  }
0xa4: {  	_ =	swait.ge [sflag:s14], $0x2800  }
0xa5: {  	[sflag:s14] =	ssyncset.done $0x0  }
0xa6: {  	[sflag:s14] =	ssyncadd.s32 $0xFFFFD800  }
0xa7: {  	_ =	sfence.sel $0x180000  }
0xa8: {  	[bflag:$0x0] =	sbarrier.arrive $0xFFFF  }
0xa9: {  	p0 =	sne.s32 s1, $0x0;
	_ =	strace $0x9000004A  }
0xaa: {  	s0 =	sadd.s32 @!p0 $0x100000, s0;
	[bflag:$0x2] =	sbarrier.arrive $0xFFFF  }
0xab: {  	[sflag:s0] =	ssyncadd.tile.s32 @!p0 $0x1;
	_ =	shalt  }
.Lfunc_end2:
_tile_overlayer_lowered:
.L_overlay_start_2:
0xac: {  	(tag) =	ssettag $0x2  }
0xad: {  	s0 =	rddreg [dreg:$0x0];
	s2 =	stileid.u32  }
0xae: {  	s1 =	rddreg [dreg:$0x1];
	p0 =	sne.s32 s2, $0x0  }
0xaf: {  	s3 =	rddreg [dreg:$0x2];
	[bflag:$0x3] =	sbarrier.arrive $0xFFFF;
	s2 =	simm.s32 @!p0 $0x1C03  }
0xb0: {  	[timem:s3], [sflag:s2] =	dma.local @!p0 [hbm:s0], s1  }
0xb1: {  	s0 =	simm.s32 @!p0 $0x3  }
0xb2: {  	_ =	swait.ge @!p0 [sflag:s0], s1  }
0xb3: {  	s1 =	ssub.s32 @!p0 $0x0, s1;
	[sflag:s0] =	ssyncset.done @!p0 $0x0  }
0xb4: {  	[sflag:s0] =	ssyncadd.s32 @!p0 s1  }
0xb5: {  	[bflag:$0x3] =	sbarrier.arrive $0xFFFF  }
0xb6: {  	_ =	shalt  }

// kernel: kernel.18.cloned.1.call-start
scs
__scs_entry_jumppad:
0x0: {  	(pc) =	sbr.rel $0x88, $3  }
0x1: {  	(tag) =	ssettag $0x0;
	lr =	simm.s32 $0x1  }
0x2: {  	[smem:$0x3F90] =	sst lr;
	_ =	strace $0xD0000000  }
0x3: {  	_ = 	snop  }
0x4: {  	_ = 	snop  }
0x5: {  	_ = 	snop  }
0x6: {  	_ = 	snop  }
0x7: {  	_ = 	snop  }
__scs_overlays_trampoline_lowered:
0x8: {  	[smem:$0x3F9F] =	sst s0  }
0x9: {  	[smem:$0x3FA0] =	sst s1  }
0xa: {  	[smem:$0x3FA1] =	sst s2  }
0xb: {  	[smem:$0x3FA2] =	sst s3  }
0xc: {  	[smem:$0x3FA3] =	sst s4  }
0xd: {  	[smem:$0x3FA4] =	sst s5  }
0xe: {  	[smem:$0x3FA5] =	sst s6  }
0xf: {  	[smem:$0x3FA6] =	sst s7  }
0x10: {  	[smem:$0x3FA7] =	sst s8  }
0x11: {  	[smem:$0x3FA8] =	sst s9;
	s0 =	simm.s32 @!p0 $0x0  }
0x12: {  	s1 =	sld [smem:$0x3F8E];
	s0 =	simm.s32 @p0 $0x1  }
0x13: {  	[smem:$0x3FA9] =	sst s0;
	s0 =	simm.s32 @!p1 $0x0  }
0x14: {  	s2 =	sld [smem:$0x3F8D];
	s0 =	simm.s32 @p1 $0x1  }
0x15: {  	[smem:$0x3FAA] =	sst s0;
	s0 =	simm.s32 @!p2 $0x0  }
0x16: {  	s3 =	sld [smem:$0x3FDB];
	s0 =	simm.s32 @p2 $0x1  }
0x17: {  	s4 =	simm.s32 $0x1BF5;
	[smem:$0x3FAC] =	sst s0  }
0x18: {  	s0 =	sld [smem:$0x3F8F];
	_ =	swait.ge [sflag:s4], $0x0  }
0x19: {  	s7 =	sld [smem:$0x3F90]  }
0x1a: {  	s8 =	sadd.s32 $0xFFFFE003, lr  }
0x1b: {  	s9 =	sadd.s32 $0xFFFFFEF7, lr;
	s5 =	simm.s32 $0xFFFFFFFF;
	p2 =	slt.u32 s8, $0xFFFFF086  }
0x1c: {  	p1 =	slt.u32 s9, $0xF7A;
	s5 =	simm.s32 @!p2 $0x0  }
0x1d: {  	s5 =	simm.s32 @p1 $0x1;
	p0 =	seq.s32 s7, s2  }
0x1e: {  	s7 =	smul.u32 @!p0 $0xF7A, s2;
	p2 =	seq.s32 @!p0 s5, $0x0  }
0x1f: {  	s9 =	smul.u32 $0xF7A, s1;
	s8 =	simm.s32 @!p0 $0x1BF5;
	p2 =	por !p2, p0  }
0x20: {  	[sflag:s8] =	ssyncset.s32 @!p0 $0xFFFFF086;
	s6 =	sadd.s32 @!p0 s3, s7;
	s7 =	simm.s32 @!p0 $0x108  }
0x21: {  	s3 =	sadd.s32 s3, s9;
	s6 =	sadd.s32 @!p0 $0x88, s6;
	s7 =	simm.s32 @p2 $0x1082  }
0x22: {  	[simem:s7], [sflag:s8] =	dma.local @!p0 [hbm:s6], $0xF7A  }
0x23: {  	s9 =	sor.u32 $0xD0000000, s2;
	s6 =	simm.s32 $0x108;
	_ =	swait.ge @!p0 [sflag:s8], $0x0  }
0x24: {  	s3 =	sadd.s32 $0x88, s3;
	s6 =	simm.s32 @!p1 $0x1082;
	[sflag:s4] =	ssyncset.s32 $0xFFFFF086  }
0x25: {  	[simem:s6], [sflag:s4] =	dma.local [hbm:s3], $0xF7A  }
0x26: {  	[smem:$0x3F90] =	sst s1;
	(tag) =	ssettag s2;
	_ =	strace s9  }
0x27: {  	s1 =	sld [smem:$0x3FA0]  }
0x28: {  	s2 =	sld [smem:$0x3FA1]  }
0x29: {  	s4 =	sld [smem:$0x3FA3]  }
0x2a: {  	p0 =	seq.s32 s5, $0x0;
	s5 =	sld [smem:$0x3FA4]  }
0x2b: {  	s6 =	sld [smem:$0x3FA5]  }
0x2c: {  	s7 =	sld [smem:$0x3FA6]  }
0x2d: {  	s3 =	simm.s32 $0x108;
	s8 =	sld [smem:$0x3FA7]  }
0x2e: {  	s3 =	simm.s32 @!p0 $0x1082;
	s9 =	sld [smem:$0x3FA8]  }
0x2f: {  	lr =	sadd.s32 s0, s3;
	s0 =	sld [smem:$0x3F9F]  }
0x30: {  	s3 =	sld [smem:$0x3FA2]  }
0x31: {  	[smem:$0x3FAB] =	sst s10  }
0x32: {  	s10 =	sld [smem:$0x3FA9];
	_ =	sdelay $0x3  }
0x33: {  	p0 =	seq.s32 s10, $0x1;
	s10 =	sld [smem:$0x3FAB];
	_ =	sdelay $0x3  }
0x34: {  	[smem:$0x3FAB] =	sst s10  }
0x35: {  	s10 =	sld [smem:$0x3FAA];
	_ =	sdelay $0x3  }
0x36: {  	p1 =	seq.s32 s10, $0x1;
	s10 =	sld [smem:$0x3FAB];
	_ =	sdelay $0x3  }
0x37: {  	[smem:$0x3FAB] =	sst s10  }
0x38: {  	s10 =	sld [smem:$0x3FAC]  }
0x39: {  	_ = 	snop;
	(pc) =	sbr.ind lr, $3  }
0x3a: {  	_ = 	snop  }
0x3b: {  	_ = 	snop  }
0x3c: {  	p2 =	seq.s32 s10, $0x1;
	s10 =	sld [smem:$0x3FAB]  }
0x3d: {  	_ =	shalt  }
0x3e: {  	_ =	shalt  }
0x3f: {  	_ =	shalt  }
0x40: {  	_ =	shalt  }
0x41: {  	_ =	shalt  }
0x42: {  	_ =	shalt  }
0x43: {  	_ =	shalt  }
0x44: {  	_ =	shalt  }
0x45: {  	_ =	shalt  }
0x46: {  	_ =	shalt  }
0x47: {  	_ =	shalt  }
0x48: {  	_ =	shalt  }
0x49: {  	_ =	shalt  }
0x4a: {  	_ =	shalt  }
0x4b: {  	_ =	shalt  }
0x4c: {  	_ =	shalt  }
0x4d: {  	_ =	shalt  }
0x4e: {  	_ =	shalt  }
0x4f: {  	_ =	shalt  }
0x50: {  	_ =	shalt  }
0x51: {  	_ =	shalt  }
0x52: {  	_ =	shalt  }
0x53: {  	_ =	shalt  }
0x54: {  	_ =	shalt  }
0x55: {  	_ =	shalt  }
0x56: {  	_ =	shalt  }
0x57: {  	_ =	shalt  }
0x58: {  	_ =	shalt  }
0x59: {  	_ =	shalt  }
0x5a: {  	_ =	shalt  }
0x5b: {  	_ =	shalt  }
0x5c: {  	_ =	shalt  }
0x5d: {  	_ =	shalt  }
0x5e: {  	_ =	shalt  }
0x5f: {  	_ =	shalt  }
0x60: {  	_ =	shalt  }
0x61: {  	_ =	shalt  }
0x62: {  	_ =	shalt  }
0x63: {  	_ =	shalt  }
0x64: {  	_ =	shalt  }
0x65: {  	_ =	shalt  }
0x66: {  	_ =	shalt  }
0x67: {  	_ =	shalt  }
0x68: {  	_ =	shalt  }
0x69: {  	_ =	shalt  }
0x6a: {  	_ =	shalt  }
0x6b: {  	_ =	shalt  }
0x6c: {  	_ =	shalt  }
0x6d: {  	_ =	shalt  }
0x6e: {  	_ =	shalt  }
0x6f: {  	_ =	shalt  }
0x70: {  	_ =	shalt  }
0x71: {  	_ =	shalt  }
0x72: {  	_ =	shalt  }
0x73: {  	_ =	shalt  }
0x74: {  	_ =	shalt  }
0x75: {  	_ =	shalt  }
0x76: {  	_ =	shalt  }
0x77: {  	_ =	shalt  }
0x78: {  	_ =	shalt  }
0x79: {  	_ =	shalt  }
0x7a: {  	_ =	shalt  }
0x7b: {  	_ =	shalt  }
0x7c: {  	_ =	shalt  }
0x7d: {  	_ =	shalt  }
0x7e: {  	_ =	shalt  }
0x7f: {  	_ =	shalt  }
0x80: {  	_ =	shalt  }
0x81: {  	_ =	shalt  }
0x82: {  	_ =	shalt  }
0x83: {  	_ =	shalt  }
0x84: {  	_ =	shalt  }
0x85: {  	_ =	shalt  }
0x86: {  	_ =	shalt  }
0x87: {  	_ =	shalt  }
.Lfunc_end0:
.L_simem_size_0:
called_computation.2_lowered:
.L_overlay_start_0:
0x88: {  	s2 =	sld [smem:$0x3FD9]  }
0x89: {  	s3 =	sld [smem:$0x3FFE];
	_ =	sdelay $0x1  }
0x8a: {  	s1 =	srdreg.scid  }
0x8b: {  	s0 =	sand.u32 $0x1, s1  }
0x8c: {  	s16 =	sshll.u32 s0, $0xA;
	s2 =	sadd.s32 s3, s2  }
0x8d: {  	s2 =	sadd.s32 s2, s16  }
0x8e: {  	[smem:$0x3FB7] =	sst s2  }
0x8f: {  	_ = 	snop  }
0x90: {  	(tm) =	ssettm $0x1  }
0x91: {  	s17 =	sld [smem:$0x3FFB];
	_ =	sdelay $0x3  }
0x92: {  	_ =	strace s17  }
0x93: {  	s2 =	sld [smem:$0x3FFC];
	_ =	sdelay $0x3  }
0x94: {  	_ =	strace s2  }
0x95: {  	s2 =	sld [smem:$0x3FFD];
	_ =	sdelay $0x3  }
0x96: {  	_ =	strace s2  }
0x97: {  	_ =	strace $0x8FFFFFFF  }
0x98: {  	s18 =	sld [smem:$0x3FDB];
	_ =	sdelay $0x1  }
0x99: {  	s19 =	simm.s32 $_scs_section_size  }
0x9a: {  	s4 =	simm.s32 $_size__tile_overlayer_lowered;
	s5 =	simm.s32 $_tile_overlayer_lowered  }
0x9b: {  	s22 =	simm.s32 $0x1BFF;
	s21 =	sshll.u32 s5, $0x1;
	s2 =	sadd.s32 s19, s18  }
0x9c: {  	s6 =	simm.s32 $0x0;
	s20 =	sshll.u32 s4, $0x1;
	s4 =	sadd.s32 s21, s2  }
0x9d: {  	[timem:s6], [sflag:s22] =	dma.local [hbm:s4], s20  }
0x9e: {  	_ =	swait.ge [sflag:s22], s20  }
0x9f: {  	s3 =	ssub.s32 $0x0, s20;
	[sflag:s22] =	ssyncset.done $0x0  }
0xa0: {  	[sflag:s22] =	ssyncadd.s32 s3;
	_ =	sdelay $0x1  }
0xa1: {  	s23 =	simm.s32 $0x1B8B  }
0xa2: {  	_ =	swait.ge [sflag:s23], $0x1  }
0xa3: {  	[sflag:s23] =	ssyncset.done $0x0  }
0xa4: {  	s25 =	simm.s32 $0x1B8E;
	s24 =	sld [smem:$0x3FFE];
	[sflag:s23] =	ssyncadd.s32 $0xFFFFFFFF  }
0xa5: {  	s26 =	simm.s32 $execute0_lowered;
	[smem:$0x3FD2] =	sst s25  }
0xa6: {  	s4 =	sshll.u32 s26, $0x1;
	_ =	strace $0x8000004C;
	[dreg:$0x1] =	wrdreg $0xFFFFFFFF  }
0xa7: {  	s28 =	simm.s32 $_size_execute0_lowered;
	s2 =	sadd.s32 s2, s4;
	[dreg:$0x0] =	wrdreg $0x0  }
0xa8: {  	s4 =	sshll.u32 s28, $0x1;
	[dreg:$0x2] =	wrdreg s2  }
0xa9: {  	[dreg:$0x3] =	wrdreg s4  }
0xaa: {  	[dreg:$0x4] =	wrdreg $0xC0  }
0xab: {  	_ =	task [dreg:s6], $0x5FFFF  }
0xac: {  	[dreg:$0x1] =	wrdreg $0xFFFFFFFF  }
0xad: {  	[dreg:$0x0] =	wrdreg $0x60  }
0xae: {  	[dreg:$0x2] =	wrdreg s24  }
0xaf: {  	[dreg:$0x3] =	wrdreg $0xA8000  }
0xb0: {  	[dreg:$0x4] =	wrdreg $0x9  }
0xb1: {  	_ =	task.clear_ibuf [dreg:s6], $0x5FFFF;
	_ =	strace $0x9000004C  }
0xb2: {  	s29 =	simm.s32 $0x9;
	_ =	strace $0x8000004E  }
0xb3: {  	_ =	swait.ge [sflag:s29], $0x1  }
0xb4: {  	[sflag:s29] =	ssyncadd.s32 $0xFFFFFFFF  }
0xb5: {  	_ =	strace $0x9000004E  }
0xb6: {  	_ =	sfence  }
0xb7: {  	s30 =	sld [smem:$0x0];
	_ =	sdelay $0x2  }
0xb8: {  	s31 =	sshll.u32 s1, $0xD;
	s1 =	sshrl.u32 s1, $0x2  }
0xb9: {  	s3 =	sand.u32 $0x4000, s31;
	s1 =	sadd.s32 s1, s30  }
0xba: {  	s0 =	sor.u32 s3, s0;
	s1 =	sshll.u32 s1, $0x11  }
0xbb: {  	s0 =	sor.u32 s1, s0  }
0xbc: {  	s0 =	sadd.s32 $0x8F2B, s0  }
0xbd: {  	[sflag:s0] =	ssyncadd.remote.s32 $0x1  }
0xbe: {  	_ =	sfence.sel $0xFFFF  }
0xbf: {  	[dreg:$0x0] =	wrdreg $0xFFFFFFFF;
	(pc) =	sbr.abs _section_cstart, $3  }
0xc0: {  	[dreg:$0x1] =	wrdreg $0xFFFFFFFF  }
0xc1: {  	_ =	task.clear_ibuf [dreg:s6], $0x2FFFF;
	_ =	strace $0x9FFFFFFF  }
0xc2: {  	(tm) =	ssettm $0x7FFFFFFF  }
0xc3: {  	_ =	shalt  }
tec
execute0_lowered:
.L_overlay_start_1:
0x0: {  	(tag) =	ssettag $0x1  }
0x1: {  	s5 =	rddreg [dreg:$0x0]  }
0x2: {  	s2 =	rddreg [dreg:$0x1]  }
0x3: {  	s0 =	rddreg [dreg:$0x2];
	s3 =	simm.s32 $0x0  }
0x4: {  	s1 =	stileid.u32;
	s4 =	srdreg.scid;
	s16 =	simm.s32 $0x80  }
0x5: {  	s17 =	simm.s32 $0x2800;
	s18 =	simm.s32 $0x1;
	s19 =	simm.s32 $0x6800  }
0x6: {  	s20 =	simm.s32 $0x2;
	s21 =	simm.s32 $0x1380;
	s22 =	simm.s32 $0x2700  }
0x7: {  	s23 =	simm.s32 $0x2780;
	s24 =	simm.s32 $0x0;
	[smem:$0x7FF] =	sst s3  }
0x8: {  	s6 =	smul.u32 $0x14000, s1;
	s7 =	sand.u32 $0x1, s4;
	s4 =	sadd.s32 $0x23E00, s5  }
0x9: {  	s9 =	sadd.s32 $0xFE00, s5;
	s10 =	sadd.s32 $0x19E00, s5;
	s12 =	smul.u32 $0xA0, s1  }
0xa: {  	s29 =	sshll.u32 s1, $0x6;
	_ =	strace $0x8000004D;
	s8 =	smul.u32 $0x140000, s7  }
0xb: {  	s13 =	ssub.s32 $0x2, s7;
	s7 =	smul.u32 $0x50, s7;
	s11 =	sshrl.u32 s6, $0x3  }
0xc: {  	s14 =	sshrl.u32 s13, $0x1;
	s28 =	sadd.s32 s6, s2;
	s8 =	sadd.s32 s6, s8  }
0xd: {  	s11 =	sadd.s32 s11, s5;
	s13 =	ssub.s32 s13, s14;
	s26 =	sadd.s32 s7, s12  }
0xe: {  	s6 =	sor.u32 $0x1C03, s29;
	s14 =	simm.s32 $0x3;
	s8 =	sshrl.u32 s8, $0x3  }
0xf: {  	s30 =	sshll.u32 s26, $0x4;
	s12 =	smax.u32 s13, $0x1;
	s13 =	sshrl.u32 s28, $0x3  }
0x10: {  	s15 =	sadd.s32 s8, s5;
	s5 =	sadd.s32 $0x4BE00, s11;
	s31 =	sadd.s32 $0x280, s30  }
0x11: {  	s7 =	sadd.s32 s9, s30;
	s8 =	sadd.s32 s10, s30;
	s9 =	sadd.s32 s9, s31  }
0x12: {  	s10 =	sadd.s32 s10, s31;
	s11 =	sadd.s32 $0x9BE00, s15;
	s15 =	simm.s32 $0x1400  }
.LBB2_1:
0x13: {  	[spmem:s13], [sflag:s6] =	dma.local [hbm:s5], $0x2800  }
0x14: {  	_ =	swait.ge [sflag:s14], $0x2800  }
0x15: {  	[sflag:s14] =	ssyncset.done $0x0  }
0x16: {  	[sflag:s14] =	ssyncadd.s32 $0xFFFFD800  }
0x17: {  	[bflag:$0x0] =	sbarrier.arrive $0xFFFF  }
0x18: {  	[tilespmem:s3], [sflag:$0x3] =	stream.linear.gather [hbm4b:s7+s3], $0x1400, $0x38;
	[tilespmem:$0x1E800] =	vst v63  }
0x19: {  	_ =	swait.ge [sflag:s14], $0x1400  }
0x1a: {  	[sflag:s14] =	ssyncset.done $0x0  }
0x1b: {  	[sflag:s14] =	ssyncadd.s32 $0xFFFFEC00  }
0x1c: {  	[tilespmem:s15], [sflag:$0x3] =	stream.linear.gather [hbm4b:s8+s3], $0x1400, $0x38;
	[tilespmem:$0x1E800] =	vst v63  }
0x1d: {  	_ =	swait.ge [sflag:s14], $0x1400  }
0x1e: {  	[sflag:s14] =	ssyncset.done $0x0  }
0x1f: {  	[sflag:s14] =	ssyncadd.s32 $0xFFFFEC00  }
0x20: {  	[tilespmem:s17], [sflag:$0x1] =	stream.indirect.gather [hbm4b:s4+s16], $0x80, s3, s16, $0xb8;
	[tilespmem:$0x1E800] =	vst v63  }
0x21: {  	_ =	swait.ge [sflag:s18], $0x4000  }
0x22: {  	[sflag:s18] =	ssyncset.done $0x0  }
0x23: {  	s25 =	simm.s32 $0x80;
	[sflag:s18] =	ssyncadd.s32 $0xFFFFC000  }
0x24: {  	[tilespmem:s19], [sflag:$0x2] =	stream.indirect.gather [hbm4b:s4+s16], $0x80, s25, s16, $0xb8;
	[tilespmem:$0x1E800] =	vst v63  }
0x25: {  	s29 =	simm.s32 $0x1400  }
0x26: {  	[spmem:s2] =	stream.indirect.scatter.add.f32 [tilespmem:s17], [sflag:$0x3], $0x80, s29, s16, $0xb8;
	[tilespmem:$0x1E800] =	vst v63  }
0x27: {  	_ =	swait.ge [sflag:s14], $0x4000  }
0x28: {  	[sflag:s14] =	ssyncset.done $0x0  }
0x29: {  	[sflag:s14] =	ssyncadd.s32 $0xFFFFC000  }
0x2a: {  	_ =	swait.ge [sflag:s20], $0x4000  }
0x2b: {  	[sflag:s20] =	ssyncset.done $0x0  }
0x2c: {  	s30 =	simm.s32 $0x100;
	[sflag:s20] =	ssyncadd.s32 $0xFFFFC000  }
0x2d: {  	[tilespmem:s17], [sflag:$0x1] =	stream.indirect.gather [hbm4b:s4+s16], $0x80, s30, s16, $0xb8;
	[tilespmem:$0x1E800] =	vst v63  }
0x2e: {  	s31 =	simm.s32 $0x1480  }
0x2f: {  	[spmem:s2] =	stream.indirect.scatter.add.f32 [tilespmem:s19], [sflag:$0x3], $0x80, s31, s16, $0xb8;
	[tilespmem:$0x1E800] =	vst v63  }
0x30: {  	_ =	swait.ge [sflag:s14], $0x4000  }
0x31: {  	s25 =	simm.s32 $0x400;
	[sflag:s14] =	ssyncset.done $0x0  }
.LBB2_2:
0x32: {  	p0 =	sne.s32 s25, $0x4800  }
0x33: {  	[sflag:s14] =	ssyncadd.s32 $0xFFFFC000;
	s26 =	smov.u32 s25;
	s25 =	sadd.s32 $0x400, s25  }
0x34: {  	_ = 	snop  }
0x35: {  	_ =	swait.ge [sflag:s18], $0x4000  }
0x36: {  	s26 =	sshra.s32 s26, $0x2;
	[sflag:s18] =	ssyncset.done $0x0  }
0x37: {  	s28 =	sadd.s32 $0x80, s26;
	[sflag:s18] =	ssyncadd.s32 $0xFFFFC000  }
0x38: {  	[tilespmem:s19], [sflag:$0x2] =	stream.indirect.gather [hbm4b:s4+s16], $0x80, s28, s16, $0xb8;
	[tilespmem:$0x1E800] =	vst v63  }
0x39: {  	s28 =	sadd.s32 $0x1400, s26  }
0x3a: {  	[spmem:s2] =	stream.indirect.scatter.add.f32 [tilespmem:s17], [sflag:$0x3], $0x80, s28, s16, $0xb8;
	[tilespmem:$0x1E800] =	vst v63  }
0x3b: {  	_ =	swait.ge [sflag:s14], $0x4000  }
0x3c: {  	[sflag:s14] =	ssyncset.done $0x0  }
0x3d: {  	[sflag:s14] =	ssyncadd.s32 $0xFFFFC000  }
0x3e: {  	_ =	swait.ge [sflag:s20], $0x4000  }
0x3f: {  	[sflag:s20] =	ssyncset.done $0x0  }
0x40: {  	s28 =	sadd.s32 $0x100, s26;
	[sflag:s20] =	ssyncadd.s32 $0xFFFFC000  }
0x41: {  	[tilespmem:s17], [sflag:$0x1] =	stream.indirect.gather [hbm4b:s4+s16], $0x80, s28, s16, $0xb8;
	[tilespmem:$0x1E800] =	vst v63  }
.Ltmp0:
0x42: {  	_ = 	snop;
	(pc) =	sbr.rel @p0 .LBB2_2-.Ltmp0, $4  }
0x43: {  	s26 =	sadd.s32 $0x1480, s26  }
0x44: {  	[spmem:s2] =	stream.indirect.scatter.add.f32 [tilespmem:s19], [sflag:$0x3], $0x80, s26, s16, $0xb8;
	[tilespmem:$0x1E800] =	vst v63  }
0x45: {  	_ =	swait.ge [sflag:s14], $0x4000  }
0x46: {  	[sflag:s14] =	ssyncset.done $0x0  }
0x47: {  	[sflag:s14] =	ssyncadd.s32 $0xFFFFC000  }
0x48: {  	_ =	swait.ge [sflag:s18], $0x4000  }
0x49: {  	[sflag:s18] =	ssyncset.done $0x0  }
0x4a: {  	[sflag:s18] =	ssyncadd.s32 $0xFFFFC000  }
0x4b: {  	[tilespmem:s19], [sflag:$0x2] =	stream.indirect.gather [hbm4b:s4+s16], $0x80, s21, s16, $0xb8;
	[tilespmem:$0x1E800] =	vst v63  }
0x4c: {  	_ = 	snop  }
0x4d: {  	[spmem:s2] =	stream.indirect.scatter.add.f32 [tilespmem:s17], [sflag:$0x3], $0x80, s22, s16, $0xb8;
	[tilespmem:$0x1E800] =	vst v63  }
0x4e: {  	_ =	swait.ge [sflag:s14], $0x4000  }
0x4f: {  	[sflag:s14] =	ssyncset.done $0x0  }
0x50: {  	[sflag:s14] =	ssyncadd.s32 $0xFFFFC000  }
0x51: {  	_ =	swait.ge [sflag:s20], $0x4000  }
0x52: {  	[sflag:s20] =	ssyncset.done $0x0  }
0x53: {  	[sflag:s20] =	ssyncadd.s32 $0xFFFFC000  }
0x54: {  	[tilespmem:s17], [sflag:$0x1] =	stream.indirect.gather [hbm4b:s4+s16], $0x80, s21, s16, $0xb8;
	[tilespmem:$0x1E800] =	vst v63  }
0x55: {  	_ = 	snop  }
0x56: {  	[spmem:s2] =	stream.indirect.scatter.add.f32 [tilespmem:s19], [sflag:$0x3], $0x80, s23, s16, $0xb8;
	[tilespmem:$0x1E800] =	vst v63  }
0x57: {  	_ =	swait.ge [sflag:s14], $0x4000  }
0x58: {  	[sflag:s14] =	ssyncset.done $0x0  }
0x59: {  	[sflag:s14] =	ssyncadd.s32 $0xFFFFC000  }
0x5a: {  	_ =	swait.ge [sflag:s18], $0x4000  }
0x5b: {  	[sflag:s18] =	ssyncset.done $0x0  }
0x5c: {  	s25 =	simm.s32 $0x0;
	[sflag:s18] =	ssyncadd.s32 $0xFFFFC000  }
0x5d: {  	[tilespmem:s25], [sflag:$0x3] =	stream.linear.gather [hbm4b:s9+s25], $0x1400, $0x38;
	[tilespmem:$0x1E800] =	vst v63  }
0x5e: {  	_ =	swait.ge [sflag:s14], $0x1400  }
0x5f: {  	[sflag:s14] =	ssyncset.done $0x0  }
0x60: {  	[sflag:s14] =	ssyncadd.s32 $0xFFFFEC00  }
0x61: {  	[tilespmem:s15], [sflag:$0x3] =	stream.linear.gather [hbm4b:s10+s25], $0x1400, $0x38;
	[tilespmem:$0x1E800] =	vst v63  }
0x62: {  	_ =	swait.ge [sflag:s14], $0x1400  }
0x63: {  	[sflag:s14] =	ssyncset.done $0x0  }
0x64: {  	[sflag:s14] =	ssyncadd.s32 $0xFFFFEC00  }
0x65: {  	[tilespmem:s17], [sflag:$0x1] =	stream.indirect.gather [hbm4b:s4+s16], $0x80, s25, s16, $0xb8;
	[tilespmem:$0x1E800] =	vst v63  }
0x66: {  	_ =	swait.ge [sflag:s18], $0x4000  }
0x67: {  	[sflag:s18] =	ssyncset.done $0x0  }
0x68: {  	s28 =	simm.s32 $0x80;
	[sflag:s18] =	ssyncadd.s32 $0xFFFFC000  }
0x69: {  	[tilespmem:s19], [sflag:$0x2] =	stream.indirect.gather [hbm4b:s4+s16], $0x80, s28, s16, $0xb8;
	[tilespmem:$0x1E800] =	vst v63  }
0x6a: {  	s29 =	simm.s32 $0x1400  }
0x6b: {  	[spmem:s2] =	stream.indirect.scatter.add.f32 [tilespmem:s17], [sflag:$0x3], $0x80, s29, s16, $0xb8;
	[tilespmem:$0x1E800] =	vst v63  }
0x6c: {  	_ =	swait.ge [sflag:s14], $0x4000  }
0x6d: {  	[sflag:s14] =	ssyncset.done $0x0  }
0x6e: {  	[sflag:s14] =	ssyncadd.s32 $0xFFFFC000  }
0x6f: {  	_ =	swait.ge [sflag:s20], $0x4000  }
0x70: {  	[sflag:s20] =	ssyncset.done $0x0  }
0x71: {  	s30 =	simm.s32 $0x100;
	[sflag:s20] =	ssyncadd.s32 $0xFFFFC000  }
0x72: {  	[tilespmem:s17], [sflag:$0x1] =	stream.indirect.gather [hbm4b:s4+s16], $0x80, s30, s16, $0xb8;
	[tilespmem:$0x1E800] =	vst v63  }
0x73: {  	s31 =	simm.s32 $0x1480  }
0x74: {  	[spmem:s2] =	stream.indirect.scatter.add.f32 [tilespmem:s19], [sflag:$0x3], $0x80, s31, s16, $0xb8;
	[tilespmem:$0x1E800] =	vst v63  }
0x75: {  	_ =	swait.ge [sflag:s14], $0x4000  }
0x76: {  	s25 =	simm.s32 $0x400;
	[sflag:s14] =	ssyncset.done $0x0  }
.LBB2_4:
0x77: {  	p0 =	sne.s32 s25, $0x4800  }
0x78: {  	[sflag:s14] =	ssyncadd.s32 $0xFFFFC000;
	s26 =	smov.u32 s25;
	s25 =	sadd.s32 $0x400, s25  }
0x79: {  	_ = 	snop  }
0x7a: {  	_ =	swait.ge [sflag:s18], $0x4000  }
0x7b: {  	s26 =	sshra.s32 s26, $0x2;
	[sflag:s18] =	ssyncset.done $0x0  }
0x7c: {  	s28 =	sadd.s32 $0x80, s26;
	[sflag:s18] =	ssyncadd.s32 $0xFFFFC000  }
0x7d: {  	[tilespmem:s19], [sflag:$0x2] =	stream.indirect.gather [hbm4b:s4+s16], $0x80, s28, s16, $0xb8;
	[tilespmem:$0x1E800] =	vst v63  }
0x7e: {  	s28 =	sadd.s32 $0x1400, s26  }
0x7f: {  	[spmem:s2] =	stream.indirect.scatter.add.f32 [tilespmem:s17], [sflag:$0x3], $0x80, s28, s16, $0xb8;
	[tilespmem:$0x1E800] =	vst v63  }
0x80: {  	_ =	swait.ge [sflag:s14], $0x4000  }
0x81: {  	[sflag:s14] =	ssyncset.done $0x0  }
0x82: {  	[sflag:s14] =	ssyncadd.s32 $0xFFFFC000  }
0x83: {  	_ =	swait.ge [sflag:s20], $0x4000  }
0x84: {  	[sflag:s20] =	ssyncset.done $0x0  }
0x85: {  	s28 =	sadd.s32 $0x100, s26;
	[sflag:s20] =	ssyncadd.s32 $0xFFFFC000  }
0x86: {  	[tilespmem:s17], [sflag:$0x1] =	stream.indirect.gather [hbm4b:s4+s16], $0x80, s28, s16, $0xb8;
	[tilespmem:$0x1E800] =	vst v63  }
.Ltmp1:
0x87: {  	_ = 	snop;
	(pc) =	sbr.rel @p0 .LBB2_4-.Ltmp1, $4  }
0x88: {  	s26 =	sadd.s32 $0x1480, s26  }
0x89: {  	[spmem:s2] =	stream.indirect.scatter.add.f32 [tilespmem:s19], [sflag:$0x3], $0x80, s26, s16, $0xb8;
	[tilespmem:$0x1E800] =	vst v63  }
0x8a: {  	_ =	swait.ge [sflag:s14], $0x4000  }
0x8b: {  	[sflag:s14] =	ssyncset.done $0x0  }
0x8c: {  	[sflag:s14] =	ssyncadd.s32 $0xFFFFC000  }
0x8d: {  	_ =	swait.ge [sflag:s18], $0x4000  }
0x8e: {  	[sflag:s18] =	ssyncset.done $0x0  }
0x8f: {  	[sflag:s18] =	ssyncadd.s32 $0xFFFFC000  }
0x90: {  	[tilespmem:s19], [sflag:$0x2] =	stream.indirect.gather [hbm4b:s4+s16], $0x80, s21, s16, $0xb8;
	[tilespmem:$0x1E800] =	vst v63  }
0x91: {  	_ = 	snop  }
0x92: {  	[spmem:s2] =	stream.indirect.scatter.add.f32 [tilespmem:s17], [sflag:$0x3], $0x80, s22, s16, $0xb8;
	[tilespmem:$0x1E800] =	vst v63  }
0x93: {  	_ =	swait.ge [sflag:s14], $0x4000  }
0x94: {  	[sflag:s14] =	ssyncset.done $0x0  }
0x95: {  	[sflag:s14] =	ssyncadd.s32 $0xFFFFC000  }
0x96: {  	_ =	swait.ge [sflag:s20], $0x4000  }
0x97: {  	[sflag:s20] =	ssyncset.done $0x0  }
0x98: {  	[sflag:s20] =	ssyncadd.s32 $0xFFFFC000  }
0x99: {  	[tilespmem:s17], [sflag:$0x1] =	stream.indirect.gather [hbm4b:s4+s16], $0x80, s21, s16, $0xb8;
	[tilespmem:$0x1E800] =	vst v63  }
0x9a: {  	_ = 	snop  }
0x9b: {  	[spmem:s2] =	stream.indirect.scatter.add.f32 [tilespmem:s19], [sflag:$0x3], $0x80, s23, s16, $0xb8;
	[tilespmem:$0x1E800] =	vst v63  }
0x9c: {  	_ =	swait.ge [sflag:s14], $0x4000  }
0x9d: {  	[sflag:s14] =	ssyncset.done $0x0  }
0x9e: {  	[sflag:s14] =	ssyncadd.s32 $0xFFFFC000  }
0x9f: {  	_ =	swait.ge [sflag:s18], $0x4000  }
0xa0: {  	s24 =	sadd.s32 $0x1, s24;
	[sflag:s18] =	ssyncset.done $0x0  }
0xa1: {  	p0 =	sne.s32 s24, s12;
	[sflag:s18] =	ssyncadd.s32 $0xFFFFC000  }
.Ltmp2:
0xa2: {  	[bflag:$0x0] =	sbarrier.arrive $0xFFFF;
	(pc) =	sbr.rel @p0 .LBB2_1-.Ltmp2, $4  }
0xa3: {  	[hbm:s11], [sflag:s6] =	dma.local [spmem:s13], $0x2800  }
0xa4: {  	_ =	swait.ge [sflag:s14], $0x2800  }
0xa5: {  	[sflag:s14] =	ssyncset.done $0x0  }
0xa6: {  	[sflag:s14] =	ssyncadd.s32 $0xFFFFD800  }
0xa7: {  	_ =	sfence.sel $0x180000  }
0xa8: {  	[bflag:$0x0] =	sbarrier.arrive $0xFFFF  }
0xa9: {  	p0 =	sne.s32 s1, $0x0;
	_ =	strace $0x9000004D  }
0xaa: {  	s0 =	sadd.s32 @!p0 $0x100000, s0;
	[bflag:$0x2] =	sbarrier.arrive $0xFFFF  }
0xab: {  	[sflag:s0] =	ssyncadd.tile.s32 @!p0 $0x1;
	_ =	shalt  }
.Lfunc_end2:
_tile_overlayer_lowered:
.L_overlay_start_2:
0xac: {  	(tag) =	ssettag $0x2  }
0xad: {  	s0 =	rddreg [dreg:$0x0];
	s2 =	stileid.u32  }
0xae: {  	s1 =	rddreg [dreg:$0x1];
	p0 =	sne.s32 s2, $0x0  }
0xaf: {  	s3 =	rddreg [dreg:$0x2];
	[bflag:$0x3] =	sbarrier.arrive $0xFFFF;
	s2 =	simm.s32 @!p0 $0x1C03  }
0xb0: {  	[timem:s3], [sflag:s2] =	dma.local @!p0 [hbm:s0], s1  }
0xb1: {  	s0 =	simm.s32 @!p0 $0x3  }
0xb2: {  	_ =	swait.ge @!p0 [sflag:s0], s1  }
0xb3: {  	s1 =	ssub.s32 @!p0 $0x0, s1;
	[sflag:s0] =	ssyncset.done @!p0 $0x0  }
0xb4: {  	[sflag:s0] =	ssyncadd.s32 @!p0 s1  }
0xb5: {  	[bflag:$0x3] =	sbarrier.arrive $0xFFFF  }
0xb6: {  	_ =	shalt  }

// kernel: kernel.21.cloned.1.call-start
scs
__scs_entry_jumppad:
0x0: {  	(pc) =	sbr.rel $0x88, $3  }
0x1: {  	(tag) =	ssettag $0x0;
	lr =	simm.s32 $0x1  }
0x2: {  	[smem:$0x3F90] =	sst lr;
	_ =	strace $0xD0000000  }
0x3: {  	_ = 	snop  }
0x4: {  	_ = 	snop  }
0x5: {  	_ = 	snop  }
0x6: {  	_ = 	snop  }
0x7: {  	_ = 	snop  }
__scs_overlays_trampoline_lowered:
0x8: {  	[smem:$0x3F9F] =	sst s0  }
0x9: {  	[smem:$0x3FA0] =	sst s1  }
0xa: {  	[smem:$0x3FA1] =	sst s2  }
0xb: {  	[smem:$0x3FA2] =	sst s3  }
0xc: {  	[smem:$0x3FA3] =	sst s4  }
0xd: {  	[smem:$0x3FA4] =	sst s5  }
0xe: {  	[smem:$0x3FA5] =	sst s6  }
0xf: {  	[smem:$0x3FA6] =	sst s7  }
0x10: {  	[smem:$0x3FA7] =	sst s8  }
0x11: {  	[smem:$0x3FA8] =	sst s9;
	s0 =	simm.s32 @!p0 $0x0  }
0x12: {  	s1 =	sld [smem:$0x3F8E];
	s0 =	simm.s32 @p0 $0x1  }
0x13: {  	[smem:$0x3FA9] =	sst s0;
	s0 =	simm.s32 @!p1 $0x0  }
0x14: {  	s2 =	sld [smem:$0x3F8D];
	s0 =	simm.s32 @p1 $0x1  }
0x15: {  	[smem:$0x3FAA] =	sst s0;
	s0 =	simm.s32 @!p2 $0x0  }
0x16: {  	s3 =	sld [smem:$0x3FDB];
	s0 =	simm.s32 @p2 $0x1  }
0x17: {  	s4 =	simm.s32 $0x1BF5;
	[smem:$0x3FAC] =	sst s0  }
0x18: {  	s0 =	sld [smem:$0x3F8F];
	_ =	swait.ge [sflag:s4], $0x0  }
0x19: {  	s7 =	sld [smem:$0x3F90]  }
0x1a: {  	s8 =	sadd.s32 $0xFFFFE003, lr  }
0x1b: {  	s9 =	sadd.s32 $0xFFFFFEF7, lr;
	s5 =	simm.s32 $0xFFFFFFFF;
	p2 =	slt.u32 s8, $0xFFFFF086  }
0x1c: {  	p1 =	slt.u32 s9, $0xF7A;
	s5 =	simm.s32 @!p2 $0x0  }
0x1d: {  	s5 =	simm.s32 @p1 $0x1;
	p0 =	seq.s32 s7, s2  }
0x1e: {  	s7 =	smul.u32 @!p0 $0xF7A, s2;
	p2 =	seq.s32 @!p0 s5, $0x0  }
0x1f: {  	s9 =	smul.u32 $0xF7A, s1;
	s8 =	simm.s32 @!p0 $0x1BF5;
	p2 =	por !p2, p0  }
0x20: {  	[sflag:s8] =	ssyncset.s32 @!p0 $0xFFFFF086;
	s6 =	sadd.s32 @!p0 s3, s7;
	s7 =	simm.s32 @!p0 $0x108  }
0x21: {  	s3 =	sadd.s32 s3, s9;
	s6 =	sadd.s32 @!p0 $0x88, s6;
	s7 =	simm.s32 @p2 $0x1082  }
0x22: {  	[simem:s7], [sflag:s8] =	dma.local @!p0 [hbm:s6], $0xF7A  }
0x23: {  	s9 =	sor.u32 $0xD0000000, s2;
	s6 =	simm.s32 $0x108;
	_ =	swait.ge @!p0 [sflag:s8], $0x0  }
0x24: {  	s3 =	sadd.s32 $0x88, s3;
	s6 =	simm.s32 @!p1 $0x1082;
	[sflag:s4] =	ssyncset.s32 $0xFFFFF086  }
0x25: {  	[simem:s6], [sflag:s4] =	dma.local [hbm:s3], $0xF7A  }
0x26: {  	[smem:$0x3F90] =	sst s1;
	(tag) =	ssettag s2;
	_ =	strace s9  }
0x27: {  	s1 =	sld [smem:$0x3FA0]  }
0x28: {  	s2 =	sld [smem:$0x3FA1]  }
0x29: {  	s4 =	sld [smem:$0x3FA3]  }
0x2a: {  	p0 =	seq.s32 s5, $0x0;
	s5 =	sld [smem:$0x3FA4]  }
0x2b: {  	s6 =	sld [smem:$0x3FA5]  }
0x2c: {  	s7 =	sld [smem:$0x3FA6]  }
0x2d: {  	s3 =	simm.s32 $0x108;
	s8 =	sld [smem:$0x3FA7]  }
0x2e: {  	s3 =	simm.s32 @!p0 $0x1082;
	s9 =	sld [smem:$0x3FA8]  }
0x2f: {  	lr =	sadd.s32 s0, s3;
	s0 =	sld [smem:$0x3F9F]  }
0x30: {  	s3 =	sld [smem:$0x3FA2]  }
0x31: {  	[smem:$0x3FAB] =	sst s10  }
0x32: {  	s10 =	sld [smem:$0x3FA9];
	_ =	sdelay $0x3  }
0x33: {  	p0 =	seq.s32 s10, $0x1;
	s10 =	sld [smem:$0x3FAB];
	_ =	sdelay $0x3  }
0x34: {  	[smem:$0x3FAB] =	sst s10  }
0x35: {  	s10 =	sld [smem:$0x3FAA];
	_ =	sdelay $0x3  }
0x36: {  	p1 =	seq.s32 s10, $0x1;
	s10 =	sld [smem:$0x3FAB];
	_ =	sdelay $0x3  }
0x37: {  	[smem:$0x3FAB] =	sst s10  }
0x38: {  	s10 =	sld [smem:$0x3FAC]  }
0x39: {  	_ = 	snop;
	(pc) =	sbr.ind lr, $3  }
0x3a: {  	_ = 	snop  }
0x3b: {  	_ = 	snop  }
0x3c: {  	p2 =	seq.s32 s10, $0x1;
	s10 =	sld [smem:$0x3FAB]  }
0x3d: {  	_ =	shalt  }
0x3e: {  	_ =	shalt  }
0x3f: {  	_ =	shalt  }
0x40: {  	_ =	shalt  }
0x41: {  	_ =	shalt  }
0x42: {  	_ =	shalt  }
0x43: {  	_ =	shalt  }
0x44: {  	_ =	shalt  }
0x45: {  	_ =	shalt  }
0x46: {  	_ =	shalt  }
0x47: {  	_ =	shalt  }
0x48: {  	_ =	shalt  }
0x49: {  	_ =	shalt  }
0x4a: {  	_ =	shalt  }
0x4b: {  	_ =	shalt  }
0x4c: {  	_ =	shalt  }
0x4d: {  	_ =	shalt  }
0x4e: {  	_ =	shalt  }
0x4f: {  	_ =	shalt  }
0x50: {  	_ =	shalt  }
0x51: {  	_ =	shalt  }
0x52: {  	_ =	shalt  }
0x53: {  	_ =	shalt  }
0x54: {  	_ =	shalt  }
0x55: {  	_ =	shalt  }
0x56: {  	_ =	shalt  }
0x57: {  	_ =	shalt  }
0x58: {  	_ =	shalt  }
0x59: {  	_ =	shalt  }
0x5a: {  	_ =	shalt  }
0x5b: {  	_ =	shalt  }
0x5c: {  	_ =	shalt  }
0x5d: {  	_ =	shalt  }
0x5e: {  	_ =	shalt  }
0x5f: {  	_ =	shalt  }
0x60: {  	_ =	shalt  }
0x61: {  	_ =	shalt  }
0x62: {  	_ =	shalt  }
0x63: {  	_ =	shalt  }
0x64: {  	_ =	shalt  }
0x65: {  	_ =	shalt  }
0x66: {  	_ =	shalt  }
0x67: {  	_ =	shalt  }
0x68: {  	_ =	shalt  }
0x69: {  	_ =	shalt  }
0x6a: {  	_ =	shalt  }
0x6b: {  	_ =	shalt  }
0x6c: {  	_ =	shalt  }
0x6d: {  	_ =	shalt  }
0x6e: {  	_ =	shalt  }
0x6f: {  	_ =	shalt  }
0x70: {  	_ =	shalt  }
0x71: {  	_ =	shalt  }
0x72: {  	_ =	shalt  }
0x73: {  	_ =	shalt  }
0x74: {  	_ =	shalt  }
0x75: {  	_ =	shalt  }
0x76: {  	_ =	shalt  }
0x77: {  	_ =	shalt  }
0x78: {  	_ =	shalt  }
0x79: {  	_ =	shalt  }
0x7a: {  	_ =	shalt  }
0x7b: {  	_ =	shalt  }
0x7c: {  	_ =	shalt  }
0x7d: {  	_ =	shalt  }
0x7e: {  	_ =	shalt  }
0x7f: {  	_ =	shalt  }
0x80: {  	_ =	shalt  }
0x81: {  	_ =	shalt  }
0x82: {  	_ =	shalt  }
0x83: {  	_ =	shalt  }
0x84: {  	_ =	shalt  }
0x85: {  	_ =	shalt  }
0x86: {  	_ =	shalt  }
0x87: {  	_ =	shalt  }
.Lfunc_end0:
.L_simem_size_0:
called_computation.3_lowered:
.L_overlay_start_0:
0x88: {  	s2 =	sld [smem:$0x3FD9]  }
0x89: {  	s3 =	sld [smem:$0x3FFE];
	_ =	sdelay $0x1  }
0x8a: {  	s1 =	srdreg.scid  }
0x8b: {  	s0 =	sand.u32 $0x1, s1  }
0x8c: {  	s16 =	sshll.u32 s0, $0xA;
	s2 =	sadd.s32 s3, s2  }
0x8d: {  	s2 =	sadd.s32 s2, s16  }
0x8e: {  	[smem:$0x3FB7] =	sst s2  }
0x8f: {  	_ = 	snop  }
0x90: {  	(tm) =	ssettm $0x1  }
0x91: {  	s17 =	sld [smem:$0x3FFB];
	_ =	sdelay $0x3  }
0x92: {  	_ =	strace s17  }
0x93: {  	s2 =	sld [smem:$0x3FFC];
	_ =	sdelay $0x3  }
0x94: {  	_ =	strace s2  }
0x95: {  	s2 =	sld [smem:$0x3FFD];
	_ =	sdelay $0x3  }
0x96: {  	_ =	strace s2  }
0x97: {  	_ =	strace $0x8FFFFFFF  }
0x98: {  	s18 =	sld [smem:$0x3FDB];
	_ =	sdelay $0x1  }
0x99: {  	s19 =	simm.s32 $_scs_section_size  }
0x9a: {  	s4 =	simm.s32 $_size__tile_overlayer_lowered;
	s5 =	simm.s32 $_tile_overlayer_lowered  }
0x9b: {  	s22 =	simm.s32 $0x1BFF;
	s21 =	sshll.u32 s5, $0x1;
	s2 =	sadd.s32 s19, s18  }
0x9c: {  	s6 =	simm.s32 $0x0;
	s20 =	sshll.u32 s4, $0x1;
	s4 =	sadd.s32 s21, s2  }
0x9d: {  	[timem:s6], [sflag:s22] =	dma.local [hbm:s4], s20  }
0x9e: {  	_ =	swait.ge [sflag:s22], s20  }
0x9f: {  	s3 =	ssub.s32 $0x0, s20;
	[sflag:s22] =	ssyncset.done $0x0  }
0xa0: {  	[sflag:s22] =	ssyncadd.s32 s3;
	_ =	sdelay $0x1  }
0xa1: {  	s23 =	simm.s32 $0x1B8B  }
0xa2: {  	_ =	swait.ge [sflag:s23], $0x1  }
0xa3: {  	[sflag:s23] =	ssyncset.done $0x0  }
0xa4: {  	s25 =	simm.s32 $0x1B8E;
	s24 =	sld [smem:$0x3FFE];
	[sflag:s23] =	ssyncadd.s32 $0xFFFFFFFF  }
0xa5: {  	s26 =	simm.s32 $execute0_lowered;
	[smem:$0x3FD2] =	sst s25  }
0xa6: {  	s4 =	sshll.u32 s26, $0x1;
	_ =	strace $0x8000004F;
	[dreg:$0x1] =	wrdreg $0xFFFFFFFF  }
0xa7: {  	s28 =	simm.s32 $_size_execute0_lowered;
	s2 =	sadd.s32 s2, s4;
	[dreg:$0x0] =	wrdreg $0x0  }
0xa8: {  	s4 =	sshll.u32 s28, $0x1;
	[dreg:$0x2] =	wrdreg s2  }
0xa9: {  	[dreg:$0x3] =	wrdreg s4  }
0xaa: {  	[dreg:$0x4] =	wrdreg $0xC0  }
0xab: {  	_ =	task [dreg:s6], $0x5FFFF  }
0xac: {  	[dreg:$0x1] =	wrdreg $0xFFFFFFFF  }
0xad: {  	[dreg:$0x0] =	wrdreg $0x60  }
0xae: {  	[dreg:$0x2] =	wrdreg s24  }
0xaf: {  	[dreg:$0x3] =	wrdreg $0xA8000  }
0xb0: {  	[dreg:$0x4] =	wrdreg $0x9  }
0xb1: {  	_ =	task.clear_ibuf [dreg:s6], $0x5FFFF;
	_ =	strace $0x9000004F  }
0xb2: {  	s29 =	simm.s32 $0x9;
	_ =	strace $0x80000051  }
0xb3: {  	_ =	swait.ge [sflag:s29], $0x1  }
0xb4: {  	[sflag:s29] =	ssyncadd.s32 $0xFFFFFFFF  }
0xb5: {  	_ =	strace $0x90000051  }
0xb6: {  	_ =	sfence  }
0xb7: {  	s30 =	sld [smem:$0x0];
	_ =	sdelay $0x2  }
0xb8: {  	s31 =	sshll.u32 s1, $0xD;
	s1 =	sshrl.u32 s1, $0x2  }
0xb9: {  	s3 =	sand.u32 $0x4000, s31;
	s1 =	sadd.s32 s1, s30  }
0xba: {  	s0 =	sor.u32 s3, s0;
	s1 =	sshll.u32 s1, $0x11  }
0xbb: {  	s0 =	sor.u32 s1, s0  }
0xbc: {  	s0 =	sadd.s32 $0x8F2B, s0  }
0xbd: {  	[sflag:s0] =	ssyncadd.remote.s32 $0x1  }
0xbe: {  	_ =	sfence.sel $0xFFFF  }
0xbf: {  	[dreg:$0x0] =	wrdreg $0xFFFFFFFF;
	(pc) =	sbr.abs _section_cstart, $3  }
0xc0: {  	[dreg:$0x1] =	wrdreg $0xFFFFFFFF  }
0xc1: {  	_ =	task.clear_ibuf [dreg:s6], $0x2FFFF;
	_ =	strace $0x9FFFFFFF  }
0xc2: {  	(tm) =	ssettm $0x7FFFFFFF  }
0xc3: {  	_ =	shalt  }
tec
execute0_lowered:
.L_overlay_start_1:
0x0: {  	(tag) =	ssettag $0x1  }
0x1: {  	s5 =	rddreg [dreg:$0x0]  }
0x2: {  	s2 =	rddreg [dreg:$0x1]  }
0x3: {  	s0 =	rddreg [dreg:$0x2];
	s3 =	simm.s32 $0x0  }
0x4: {  	s1 =	stileid.u32;
	s4 =	srdreg.scid;
	s16 =	simm.s32 $0x80  }
0x5: {  	s17 =	simm.s32 $0x2800;
	s18 =	simm.s32 $0x1;
	s19 =	simm.s32 $0x6800  }
0x6: {  	s20 =	simm.s32 $0x2;
	s21 =	simm.s32 $0x1380;
	s22 =	simm.s32 $0x2700  }
0x7: {  	s23 =	simm.s32 $0x2780;
	s24 =	simm.s32 $0x0;
	[smem:$0x7FF] =	sst s3  }
0x8: {  	s6 =	smul.u32 $0x14000, s1;
	s7 =	sand.u32 $0x1, s4;
	s4 =	sadd.s32 $0x23E00, s5  }
0x9: {  	s9 =	sadd.s32 $0xFE00, s5;
	s10 =	sadd.s32 $0x19E00, s5;
	s12 =	smul.u32 $0xA0, s1  }
0xa: {  	s29 =	sshll.u32 s1, $0x6;
	_ =	strace $0x80000050;
	s8 =	smul.u32 $0x140000, s7  }
0xb: {  	s13 =	ssub.s32 $0x2, s7;
	s7 =	smul.u32 $0x50, s7;
	s11 =	sshrl.u32 s6, $0x3  }
0xc: {  	s14 =	sshrl.u32 s13, $0x1;
	s28 =	sadd.s32 s6, s2;
	s8 =	sadd.s32 s6, s8  }
0xd: {  	s11 =	sadd.s32 s11, s5;
	s13 =	ssub.s32 s13, s14;
	s26 =	sadd.s32 s7, s12  }
0xe: {  	s6 =	sor.u32 $0x1C03, s29;
	s14 =	simm.s32 $0x3;
	s8 =	sshrl.u32 s8, $0x3  }
0xf: {  	s30 =	sshll.u32 s26, $0x4;
	s12 =	smax.u32 s13, $0x1;
	s13 =	sshrl.u32 s28, $0x3  }
0x10: {  	s15 =	sadd.s32 s8, s5;
	s5 =	sadd.s32 $0x4BE00, s11;
	s31 =	sadd.s32 $0x280, s30  }
0x11: {  	s7 =	sadd.s32 s9, s30;
	s8 =	sadd.s32 s10, s30;
	s9 =	sadd.s32 s9, s31  }
0x12: {  	s10 =	sadd.s32 s10, s31;
	s11 =	sadd.s32 $0x9BE00, s15;
	s15 =	simm.s32 $0x1400  }
.LBB2_1:
0x13: {  	[spmem:s13], [sflag:s6] =	dma.local [hbm:s5], $0x2800  }
0x14: {  	_ =	swait.ge [sflag:s14], $0x2800  }
0x15: {  	[sflag:s14] =	ssyncset.done $0x0  }
0x16: {  	[sflag:s14] =	ssyncadd.s32 $0xFFFFD800  }
0x17: {  	[bflag:$0x0] =	sbarrier.arrive $0xFFFF  }
0x18: {  	[tilespmem:s3], [sflag:$0x3] =	stream.linear.gather [hbm4b:s7+s3], $0x1400, $0x38;
	[tilespmem:$0x1E800] =	vst v63  }
0x19: {  	_ =	swait.ge [sflag:s14], $0x1400  }
0x1a: {  	[sflag:s14] =	ssyncset.done $0x0  }
0x1b: {  	[sflag:s14] =	ssyncadd.s32 $0xFFFFEC00  }
0x1c: {  	[tilespmem:s15], [sflag:$0x3] =	stream.linear.gather [hbm4b:s8+s3], $0x1400, $0x38;
	[tilespmem:$0x1E800] =	vst v63  }
0x1d: {  	_ =	swait.ge [sflag:s14], $0x1400  }
0x1e: {  	[sflag:s14] =	ssyncset.done $0x0  }
0x1f: {  	[sflag:s14] =	ssyncadd.s32 $0xFFFFEC00  }
0x20: {  	[tilespmem:s17], [sflag:$0x1] =	stream.indirect.gather [hbm4b:s4+s16], $0x80, s3, s16, $0xb8;
	[tilespmem:$0x1E800] =	vst v63  }
0x21: {  	_ =	swait.ge [sflag:s18], $0x4000  }
0x22: {  	[sflag:s18] =	ssyncset.done $0x0  }
0x23: {  	s25 =	simm.s32 $0x80;
	[sflag:s18] =	ssyncadd.s32 $0xFFFFC000  }
0x24: {  	[tilespmem:s19], [sflag:$0x2] =	stream.indirect.gather [hbm4b:s4+s16], $0x80, s25, s16, $0xb8;
	[tilespmem:$0x1E800] =	vst v63  }
0x25: {  	s29 =	simm.s32 $0x1400  }
0x26: {  	[spmem:s2] =	stream.indirect.scatter.add.f32 [tilespmem:s17], [sflag:$0x3], $0x80, s29, s16, $0xb8;
	[tilespmem:$0x1E800] =	vst v63  }
0x27: {  	_ =	swait.ge [sflag:s14], $0x4000  }
0x28: {  	[sflag:s14] =	ssyncset.done $0x0  }
0x29: {  	[sflag:s14] =	ssyncadd.s32 $0xFFFFC000  }
0x2a: {  	_ =	swait.ge [sflag:s20], $0x4000  }
0x2b: {  	[sflag:s20] =	ssyncset.done $0x0  }
0x2c: {  	s30 =	simm.s32 $0x100;
	[sflag:s20] =	ssyncadd.s32 $0xFFFFC000  }
0x2d: {  	[tilespmem:s17], [sflag:$0x1] =	stream.indirect.gather [hbm4b:s4+s16], $0x80, s30, s16, $0xb8;
	[tilespmem:$0x1E800] =	vst v63  }
0x2e: {  	s31 =	simm.s32 $0x1480  }
0x2f: {  	[spmem:s2] =	stream.indirect.scatter.add.f32 [tilespmem:s19], [sflag:$0x3], $0x80, s31, s16, $0xb8;
	[tilespmem:$0x1E800] =	vst v63  }
0x30: {  	_ =	swait.ge [sflag:s14], $0x4000  }
0x31: {  	s25 =	simm.s32 $0x400;
	[sflag:s14] =	ssyncset.done $0x0  }
.LBB2_2:
0x32: {  	p0 =	sne.s32 s25, $0x4800  }
0x33: {  	[sflag:s14] =	ssyncadd.s32 $0xFFFFC000;
	s26 =	smov.u32 s25;
	s25 =	sadd.s32 $0x400, s25  }
0x34: {  	_ = 	snop  }
0x35: {  	_ =	swait.ge [sflag:s18], $0x4000  }
0x36: {  	s26 =	sshra.s32 s26, $0x2;
	[sflag:s18] =	ssyncset.done $0x0  }
0x37: {  	s28 =	sadd.s32 $0x80, s26;
	[sflag:s18] =	ssyncadd.s32 $0xFFFFC000  }
0x38: {  	[tilespmem:s19], [sflag:$0x2] =	stream.indirect.gather [hbm4b:s4+s16], $0x80, s28, s16, $0xb8;
	[tilespmem:$0x1E800] =	vst v63  }
0x39: {  	s28 =	sadd.s32 $0x1400, s26  }
0x3a: {  	[spmem:s2] =	stream.indirect.scatter.add.f32 [tilespmem:s17], [sflag:$0x3], $0x80, s28, s16, $0xb8;
	[tilespmem:$0x1E800] =	vst v63  }
0x3b: {  	_ =	swait.ge [sflag:s14], $0x4000  }
0x3c: {  	[sflag:s14] =	ssyncset.done $0x0  }
0x3d: {  	[sflag:s14] =	ssyncadd.s32 $0xFFFFC000  }
0x3e: {  	_ =	swait.ge [sflag:s20], $0x4000  }
0x3f: {  	[sflag:s20] =	ssyncset.done $0x0  }
0x40: {  	s28 =	sadd.s32 $0x100, s26;
	[sflag:s20] =	ssyncadd.s32 $0xFFFFC000  }
0x41: {  	[tilespmem:s17], [sflag:$0x1] =	stream.indirect.gather [hbm4b:s4+s16], $0x80, s28, s16, $0xb8;
	[tilespmem:$0x1E800] =	vst v63  }
.Ltmp0:
0x42: {  	_ = 	snop;
	(pc) =	sbr.rel @p0 .LBB2_2-.Ltmp0, $4  }
0x43: {  	s26 =	sadd.s32 $0x1480, s26  }
0x44: {  	[spmem:s2] =	stream.indirect.scatter.add.f32 [tilespmem:s19], [sflag:$0x3], $0x80, s26, s16, $0xb8;
	[tilespmem:$0x1E800] =	vst v63  }
0x45: {  	_ =	swait.ge [sflag:s14], $0x4000  }
0x46: {  	[sflag:s14] =	ssyncset.done $0x0  }
0x47: {  	[sflag:s14] =	ssyncadd.s32 $0xFFFFC000  }
0x48: {  	_ =	swait.ge [sflag:s18], $0x4000  }
0x49: {  	[sflag:s18] =	ssyncset.done $0x0  }
0x4a: {  	[sflag:s18] =	ssyncadd.s32 $0xFFFFC000  }
0x4b: {  	[tilespmem:s19], [sflag:$0x2] =	stream.indirect.gather [hbm4b:s4+s16], $0x80, s21, s16, $0xb8;
	[tilespmem:$0x1E800] =	vst v63  }
0x4c: {  	_ = 	snop  }
0x4d: {  	[spmem:s2] =	stream.indirect.scatter.add.f32 [tilespmem:s17], [sflag:$0x3], $0x80, s22, s16, $0xb8;
	[tilespmem:$0x1E800] =	vst v63  }
0x4e: {  	_ =	swait.ge [sflag:s14], $0x4000  }
0x4f: {  	[sflag:s14] =	ssyncset.done $0x0  }
0x50: {  	[sflag:s14] =	ssyncadd.s32 $0xFFFFC000  }
0x51: {  	_ =	swait.ge [sflag:s20], $0x4000  }
0x52: {  	[sflag:s20] =	ssyncset.done $0x0  }
0x53: {  	[sflag:s20] =	ssyncadd.s32 $0xFFFFC000  }
0x54: {  	[tilespmem:s17], [sflag:$0x1] =	stream.indirect.gather [hbm4b:s4+s16], $0x80, s21, s16, $0xb8;
	[tilespmem:$0x1E800] =	vst v63  }
0x55: {  	_ = 	snop  }
0x56: {  	[spmem:s2] =	stream.indirect.scatter.add.f32 [tilespmem:s19], [sflag:$0x3], $0x80, s23, s16, $0xb8;
	[tilespmem:$0x1E800] =	vst v63  }
0x57: {  	_ =	swait.ge [sflag:s14], $0x4000  }
0x58: {  	[sflag:s14] =	ssyncset.done $0x0  }
0x59: {  	[sflag:s14] =	ssyncadd.s32 $0xFFFFC000  }
0x5a: {  	_ =	swait.ge [sflag:s18], $0x4000  }
0x5b: {  	[sflag:s18] =	ssyncset.done $0x0  }
0x5c: {  	s25 =	simm.s32 $0x0;
	[sflag:s18] =	ssyncadd.s32 $0xFFFFC000  }
0x5d: {  	[tilespmem:s25], [sflag:$0x3] =	stream.linear.gather [hbm4b:s9+s25], $0x1400, $0x38;
	[tilespmem:$0x1E800] =	vst v63  }
0x5e: {  	_ =	swait.ge [sflag:s14], $0x1400  }
0x5f: {  	[sflag:s14] =	ssyncset.done $0x0  }
0x60: {  	[sflag:s14] =	ssyncadd.s32 $0xFFFFEC00  }
0x61: {  	[tilespmem:s15], [sflag:$0x3] =	stream.linear.gather [hbm4b:s10+s25], $0x1400, $0x38;
	[tilespmem:$0x1E800] =	vst v63  }
0x62: {  	_ =	swait.ge [sflag:s14], $0x1400  }
0x63: {  	[sflag:s14] =	ssyncset.done $0x0  }
0x64: {  	[sflag:s14] =	ssyncadd.s32 $0xFFFFEC00  }
0x65: {  	[tilespmem:s17], [sflag:$0x1] =	stream.indirect.gather [hbm4b:s4+s16], $0x80, s25, s16, $0xb8;
	[tilespmem:$0x1E800] =	vst v63  }
0x66: {  	_ =	swait.ge [sflag:s18], $0x4000  }
0x67: {  	[sflag:s18] =	ssyncset.done $0x0  }
0x68: {  	s28 =	simm.s32 $0x80;
	[sflag:s18] =	ssyncadd.s32 $0xFFFFC000  }
0x69: {  	[tilespmem:s19], [sflag:$0x2] =	stream.indirect.gather [hbm4b:s4+s16], $0x80, s28, s16, $0xb8;
	[tilespmem:$0x1E800] =	vst v63  }
0x6a: {  	s29 =	simm.s32 $0x1400  }
0x6b: {  	[spmem:s2] =	stream.indirect.scatter.add.f32 [tilespmem:s17], [sflag:$0x3], $0x80, s29, s16, $0xb8;
	[tilespmem:$0x1E800] =	vst v63  }
0x6c: {  	_ =	swait.ge [sflag:s14], $0x4000  }
0x6d: {  	[sflag:s14] =	ssyncset.done $0x0  }
0x6e: {  	[sflag:s14] =	ssyncadd.s32 $0xFFFFC000  }
0x6f: {  	_ =	swait.ge [sflag:s20], $0x4000  }
0x70: {  	[sflag:s20] =	ssyncset.done $0x0  }
0x71: {  	s30 =	simm.s32 $0x100;
	[sflag:s20] =	ssyncadd.s32 $0xFFFFC000  }
0x72: {  	[tilespmem:s17], [sflag:$0x1] =	stream.indirect.gather [hbm4b:s4+s16], $0x80, s30, s16, $0xb8;
	[tilespmem:$0x1E800] =	vst v63  }
0x73: {  	s31 =	simm.s32 $0x1480  }
0x74: {  	[spmem:s2] =	stream.indirect.scatter.add.f32 [tilespmem:s19], [sflag:$0x3], $0x80, s31, s16, $0xb8;
	[tilespmem:$0x1E800] =	vst v63  }
0x75: {  	_ =	swait.ge [sflag:s14], $0x4000  }
0x76: {  	s25 =	simm.s32 $0x400;
	[sflag:s14] =	ssyncset.done $0x0  }
.LBB2_4:
0x77: {  	p0 =	sne.s32 s25, $0x4800  }
0x78: {  	[sflag:s14] =	ssyncadd.s32 $0xFFFFC000;
	s26 =	smov.u32 s25;
	s25 =	sadd.s32 $0x400, s25  }
0x79: {  	_ = 	snop  }
0x7a: {  	_ =	swait.ge [sflag:s18], $0x4000  }
0x7b: {  	s26 =	sshra.s32 s26, $0x2;
	[sflag:s18] =	ssyncset.done $0x0  }
0x7c: {  	s28 =	sadd.s32 $0x80, s26;
	[sflag:s18] =	ssyncadd.s32 $0xFFFFC000  }
0x7d: {  	[tilespmem:s19], [sflag:$0x2] =	stream.indirect.gather [hbm4b:s4+s16], $0x80, s28, s16, $0xb8;
	[tilespmem:$0x1E800] =	vst v63  }
0x7e: {  	s28 =	sadd.s32 $0x1400, s26  }
0x7f: {  	[spmem:s2] =	stream.indirect.scatter.add.f32 [tilespmem:s17], [sflag:$0x3], $0x80, s28, s16, $0xb8;
	[tilespmem:$0x1E800] =	vst v63  }
0x80: {  	_ =	swait.ge [sflag:s14], $0x4000  }
0x81: {  	[sflag:s14] =	ssyncset.done $0x0  }
0x82: {  	[sflag:s14] =	ssyncadd.s32 $0xFFFFC000  }
0x83: {  	_ =	swait.ge [sflag:s20], $0x4000  }
0x84: {  	[sflag:s20] =	ssyncset.done $0x0  }
0x85: {  	s28 =	sadd.s32 $0x100, s26;
	[sflag:s20] =	ssyncadd.s32 $0xFFFFC000  }
0x86: {  	[tilespmem:s17], [sflag:$0x1] =	stream.indirect.gather [hbm4b:s4+s16], $0x80, s28, s16, $0xb8;
	[tilespmem:$0x1E800] =	vst v63  }
.Ltmp1:
0x87: {  	_ = 	snop;
	(pc) =	sbr.rel @p0 .LBB2_4-.Ltmp1, $4  }
0x88: {  	s26 =	sadd.s32 $0x1480, s26  }
0x89: {  	[spmem:s2] =	stream.indirect.scatter.add.f32 [tilespmem:s19], [sflag:$0x3], $0x80, s26, s16, $0xb8;
	[tilespmem:$0x1E800] =	vst v63  }
0x8a: {  	_ =	swait.ge [sflag:s14], $0x4000  }
0x8b: {  	[sflag:s14] =	ssyncset.done $0x0  }
0x8c: {  	[sflag:s14] =	ssyncadd.s32 $0xFFFFC000  }
0x8d: {  	_ =	swait.ge [sflag:s18], $0x4000  }
0x8e: {  	[sflag:s18] =	ssyncset.done $0x0  }
0x8f: {  	[sflag:s18] =	ssyncadd.s32 $0xFFFFC000  }
0x90: {  	[tilespmem:s19], [sflag:$0x2] =	stream.indirect.gather [hbm4b:s4+s16], $0x80, s21, s16, $0xb8;
	[tilespmem:$0x1E800] =	vst v63  }
0x91: {  	_ = 	snop  }
0x92: {  	[spmem:s2] =	stream.indirect.scatter.add.f32 [tilespmem:s17], [sflag:$0x3], $0x80, s22, s16, $0xb8;
	[tilespmem:$0x1E800] =	vst v63  }
0x93: {  	_ =	swait.ge [sflag:s14], $0x4000  }
0x94: {  	[sflag:s14] =	ssyncset.done $0x0  }
0x95: {  	[sflag:s14] =	ssyncadd.s32 $0xFFFFC000  }
0x96: {  	_ =	swait.ge [sflag:s20], $0x4000  }
0x97: {  	[sflag:s20] =	ssyncset.done $0x0  }
0x98: {  	[sflag:s20] =	ssyncadd.s32 $0xFFFFC000  }
0x99: {  	[tilespmem:s17], [sflag:$0x1] =	stream.indirect.gather [hbm4b:s4+s16], $0x80, s21, s16, $0xb8;
	[tilespmem:$0x1E800] =	vst v63  }
0x9a: {  	_ = 	snop  }
0x9b: {  	[spmem:s2] =	stream.indirect.scatter.add.f32 [tilespmem:s19], [sflag:$0x3], $0x80, s23, s16, $0xb8;
	[tilespmem:$0x1E800] =	vst v63  }
0x9c: {  	_ =	swait.ge [sflag:s14], $0x4000  }
0x9d: {  	[sflag:s14] =	ssyncset.done $0x0  }
0x9e: {  	[sflag:s14] =	ssyncadd.s32 $0xFFFFC000  }
0x9f: {  	_ =	swait.ge [sflag:s18], $0x4000  }
0xa0: {  	s24 =	sadd.s32 $0x1, s24;
	[sflag:s18] =	ssyncset.done $0x0  }
0xa1: {  	p0 =	sne.s32 s24, s12;
	[sflag:s18] =	ssyncadd.s32 $0xFFFFC000  }
.Ltmp2:
0xa2: {  	[bflag:$0x0] =	sbarrier.arrive $0xFFFF;
	(pc) =	sbr.rel @p0 .LBB2_1-.Ltmp2, $4  }
0xa3: {  	[hbm:s11], [sflag:s6] =	dma.local [spmem:s13], $0x2800  }
0xa4: {  	_ =	swait.ge [sflag:s14], $0x2800  }
0xa5: {  	[sflag:s14] =	ssyncset.done $0x0  }
0xa6: {  	[sflag:s14] =	ssyncadd.s32 $0xFFFFD800  }
0xa7: {  	_ =	sfence.sel $0x180000  }
0xa8: {  	[bflag:$0x0] =	sbarrier.arrive $0xFFFF  }
0xa9: {  	p0 =	sne.s32 s1, $0x0;
	_ =	strace $0x90000050  }
0xaa: {  	s0 =	sadd.s32 @!p0 $0x100000, s0;
	[bflag:$0x2] =	sbarrier.arrive $0xFFFF  }
0xab: {  	[sflag:s0] =	ssyncadd.tile.s32 @!p0 $0x1;
	_ =	shalt  }
.Lfunc_end2:
_tile_overlayer_lowered:
.L_overlay_start_2:
0xac: {  	(tag) =	ssettag $0x2  }
0xad: {  	s0 =	rddreg [dreg:$0x0];
	s2 =	stileid.u32  }
0xae: {  	s1 =	rddreg [dreg:$0x1];
	p0 =	sne.s32 s2, $0x0  }
0xaf: {  	s3 =	rddreg [dreg:$0x2];
	[bflag:$0x3] =	sbarrier.arrive $0xFFFF;
	s2 =	simm.s32 @!p0 $0x1C03  }
0xb0: {  	[timem:s3], [sflag:s2] =	dma.local @!p0 [hbm:s0], s1  }
0xb1: {  	s0 =	simm.s32 @!p0 $0x3  }
0xb2: {  	_ =	swait.ge @!p0 [sflag:s0], s1  }
0xb3: {  	s1 =	ssub.s32 @!p0 $0x0, s1;
	[sflag:s0] =	ssyncset.done @!p0 $0x0  }
0xb4: {  	[sflag:s0] =	ssyncadd.s32 @!p0 s1  }
0xb5: {  	[bflag:$0x3] =	sbarrier.arrive $0xFFFF  }
0xb6: {  	_ =	shalt  }

</sc_bundles>
